<compile_context>
chip_gen: v7x
topology: tpu7x:2x2x1
jax: 0.10.2.dev20260603
libtpu: 0.0.44.dev20260713+nightly
codegen_flags: <defaults>
</compile_context>

<pallas_src>
import functools

import jax
import jax.numpy as jnp
from jax.experimental import pallas as pl
from jax.experimental.pallas import tpu as pltpu
from jax.experimental.pallas import tpu_sc as plsc

EPS = 1e-5


def _fold(layers):
    out = []
    for (W, b, g, be) in layers:
        s = g / jnp.sqrt(1.0 + EPS)
        out.append(((W * s[:, None]).T, (b * s + be)[None, :]))
    return out


def _fps_body(ptsT_ref, out_ref, *, npoint):
    B = ptsT_ref.shape[0]
    N = ptsT_ref.shape[2]
    x = ptsT_ref[:, 0, :]
    y = ptsT_ref[:, 1, :]
    z = ptsT_ref[:, 2, :]
    iota = jax.lax.broadcasted_iota(jnp.int32, (B, N), 1)

    def body(i, carry):
        dist, far = carry
        sel = iota == far
        cx = jnp.sum(jnp.where(sel, x, 0.0), axis=1, keepdims=True)
        cy = jnp.sum(jnp.where(sel, y, 0.0), axis=1, keepdims=True)
        cz = jnp.sum(jnp.where(sel, z, 0.0), axis=1, keepdims=True)
        d = (x - cx) ** 2 + (y - cy) ** 2 + (z - cz) ** 2
        dist = jnp.minimum(dist, d)
        dmax = jnp.max(dist, axis=1, keepdims=True)
        far_new = jnp.min(jnp.where(dist == dmax, iota, N), axis=1,
                          keepdims=True)
        out_ref[pl.ds(i, 1), 0, :, :] = jnp.concatenate([cx, cy, cz],
                                                        axis=1)[None]
        return dist, far_new

    dist0 = jnp.full((B, N), 1e10, jnp.float32)
    far0 = jnp.zeros((B, 1), jnp.int32)
    jax.lax.fori_loop(0, npoint, body, (dist0, far0))


def _fps(ptsT, npoint):
    B, _, N = ptsT.shape
    out = pl.pallas_call(
        functools.partial(_fps_body, npoint=npoint),
        out_shape=jax.ShapeDtypeStruct((npoint, 1, B, 3), jnp.float32),
    )(ptsT)
    return jnp.transpose(out.reshape(npoint, B, 3), (1, 0, 2))


def _sa_body(pts_ref, ptsT_ref, feat_ref, nx_ref, w1_ref, b1_ref, w2_ref,
             b2_ref, w3_ref, b3_ref, out_ref, *, r2, K):
    pts = pts_ref[0]
    ptsT = ptsT_ref[0]
    feat = feat_ref[0]
    nx = nx_ref[0]
    N = pts.shape[0]
    S = nx.shape[0]
    w1 = w1_ref[...]
    b1 = b1_ref[...]

    Y = jnp.dot(jnp.concatenate([pts, feat], axis=1), w1,
                preferred_element_type=jnp.float32)
    Z = jnp.dot(nx, w1[0:3, :],
                preferred_element_type=jnp.float32)

    s_new = jnp.sum(nx * nx, axis=1, keepdims=True)
    s_src = jnp.sum(ptsT * ptsT, axis=0, keepdims=True)
    cross = jnp.dot(nx, ptsT, preferred_element_type=jnp.float32)
    sqd = (s_new + s_src) - 2.0 * cross

    mask = sqd <= r2
    r = mask.astype(jnp.int16)
    sh = 1
    while sh < N:
        r = r + jnp.concatenate(
            [jnp.zeros((S, sh), jnp.int16), r[:, : N - sh]], axis=1)
        sh *= 2
    cnt = r[:, N - 1: N].astype(jnp.int32)

    t = jnp.where(mask, r, jnp.int16(0))
    tb = t.astype(jnp.bfloat16)
    Yb = Y.astype(jnp.bfloat16)
    one_b = jnp.bfloat16(1.0)
    zero_b = jnp.bfloat16(0.0)
    hs = []
    for k in range(K):
        oh = jnp.where(tb == jnp.bfloat16(k + 1), one_b, zero_b)
        g = jnp.dot(oh, Yb, preferred_element_type=jnp.float32)
        hs.append(jnp.maximum(g - Z + b1, 0.0))
    H = jnp.concatenate(hs, axis=0)

    H = jnp.maximum(
        jnp.dot(H, w2_ref[...], preferred_element_type=jnp.float32)
        + b2_ref[...], 0.0)
    H = jnp.maximum(
        jnp.dot(H, w3_ref[...], preferred_element_type=jnp.float32)
        + b3_ref[...], 0.0)
    C3 = H.shape[1]
    H = H.reshape(K, S, C3)
    kio = jax.lax.broadcasted_iota(jnp.int32, (K, S, 1), 0)
    out_ref[0] = jnp.max(jnp.where(cnt[None, :, :] > kio, H, 0.0), axis=0)


def _sa(pts, feats, new_xyz, layers, radius, K):
    B, N, _ = pts.shape
    Cf = feats.shape[2]
    S = new_xyz.shape[1]
    (w1, b1), (w2, b2), (w3, b3) = layers
    C3 = w3.shape[1]
    ptsT = jnp.transpose(pts, (0, 2, 1))
    return pl.pallas_call(
        functools.partial(_sa_body, r2=radius ** 2, K=K),
        grid=(B,),
        in_specs=[
            pl.BlockSpec((1, N, 3), lambda b: (b, 0, 0)),
            pl.BlockSpec((1, 3, N), lambda b: (b, 0, 0)),
            pl.BlockSpec((1, N, Cf), lambda b: (b, 0, 0)),
            pl.BlockSpec((1, S, 3), lambda b: (b, 0, 0)),
            pl.BlockSpec(w1.shape, lambda b: (0, 0)),
            pl.BlockSpec(b1.shape, lambda b: (0, 0)),
            pl.BlockSpec(w2.shape, lambda b: (0, 0)),
            pl.BlockSpec(b2.shape, lambda b: (0, 0)),
            pl.BlockSpec(w3.shape, lambda b: (0, 0)),
            pl.BlockSpec(b3.shape, lambda b: (0, 0)),
        ],
        out_specs=pl.BlockSpec((1, S, C3), lambda b: (b, 0, 0)),
        out_shape=jax.ShapeDtypeStruct((B, S, C3), jnp.float32),
    )(pts, ptsT, feats, new_xyz, w1, b1, w2, b2, w3, b3)


def _sa_pre_body(pts_ref, ptsT_ref, feat_ref, nx_ref, w1_ref, y_ref, z_ref,
                 cnt_ref, idx_ref, *, r2, K):
    b = pl.program_id(0)
    pts = pts_ref[0]
    ptsT = ptsT_ref[0]
    feat = feat_ref[0]
    nx = nx_ref[0]
    N = pts.shape[0]
    S = nx.shape[0]
    w1 = w1_ref[...]

    Y = jnp.dot(jnp.concatenate([pts, feat], axis=1), w1,
                preferred_element_type=jnp.float32)
    C1 = Y.shape[1]
    if C1 < 128:
        Y = jnp.concatenate(
            [Y, jnp.zeros((N, 128 - C1), jnp.float32)], axis=1)
    y_ref[0] = Y
    z_ref[0] = jnp.dot(nx, w1[0:3, :],
                       preferred_element_type=jnp.float32)

    s_new = jnp.sum(nx * nx, axis=1, keepdims=True)
    s_src = jnp.sum(ptsT * ptsT, axis=0, keepdims=True)
    cross = jnp.dot(nx, ptsT, preferred_element_type=jnp.float32)
    sqd = (s_new + s_src) - 2.0 * cross

    mask = sqd <= r2
    r = mask.astype(jnp.int16)
    sh = 1
    while sh < N:
        r = r + jnp.concatenate(
            [jnp.zeros((S, sh), jnp.int16), r[:, : N - sh]], axis=1)
        sh *= 2
    cnt_ref[0] = r[:, N - 1: N].astype(jnp.int32)

    t = jnp.where(mask, r, jnp.int16(0)).astype(jnp.float32)
    iota_n = jax.lax.broadcasted_iota(
        jnp.int32, (S, N), 1).astype(jnp.float32)
    big = jnp.float32(N)
    ms = []
    for k in range(K):
        val = jnp.where(t == jnp.float32(k + 1), iota_n, big)
        ms.append(jnp.min(val, axis=1, keepdims=True))
    idxi = jnp.concatenate(ms, axis=1).astype(jnp.int32)
    idx_ref[0] = jnp.where(idxi >= N, 0, idxi) + b * N


def _sa_pre(pts, feats, new_xyz, w1, radius, K):
    B, N, _ = pts.shape
    Cf = feats.shape[2]
    S = new_xyz.shape[1]
    C1 = w1.shape[1]
    ptsT = jnp.transpose(pts, (0, 2, 1))
    return pl.pallas_call(
        functools.partial(_sa_pre_body, r2=radius ** 2, K=K),
        grid=(B,),
        in_specs=[
            pl.BlockSpec((1, N, 3), lambda b: (b, 0, 0)),
            pl.BlockSpec((1, 3, N), lambda b: (b, 0, 0)),
            pl.BlockSpec((1, N, Cf), lambda b: (b, 0, 0)),
            pl.BlockSpec((1, S, 3), lambda b: (b, 0, 0)),
            pl.BlockSpec(w1.shape, lambda b: (0, 0)),
        ],
        out_specs=[
            pl.BlockSpec((1, N, max(C1, 128)), lambda b: (b, 0, 0)),
            pl.BlockSpec((1, S, C1), lambda b: (b, 0, 0)),
            pl.BlockSpec((1, S, 1), lambda b: (b, 0, 0)),
            pl.BlockSpec((1, S, K), lambda b: (b, 0, 0)),
        ],
        out_shape=[
            jax.ShapeDtypeStruct((B, N, max(C1, 128)), jnp.float32),
            jax.ShapeDtypeStruct((B, S, C1), jnp.float32),
            jax.ShapeDtypeStruct((B, S, 1), jnp.int32),
            jax.ShapeDtypeStruct((B, S, K), jnp.int32),
        ],
    )(pts, ptsT, feats, new_xyz, w1)


def _sc_gather(table, idx):
    R, D = table.shape
    M = idx.shape[0]
    info = plsc.get_sparse_core_info()
    nc = info.num_cores
    nw = nc * info.num_subcores
    m_per_w = M // nw
    ch = min(512, m_per_w)
    n_it = m_per_w // ch
    mesh = plsc.VectorSubcoreMesh(core_axis_name="c", subcore_axis_name="s")

    @functools.partial(
        pl.kernel, mesh=mesh,
        out_type=jax.ShapeDtypeStruct((M, D), jnp.float32),
        scratch_types=[
            pltpu.VMEM((ch,), jnp.int32),
            pltpu.VMEM((ch, D), jnp.float32),
            pltpu.SemaphoreType.DMA,
        ],
    )
    def gk(table_hbm, idx_hbm, out_hbm, idx_v, rows_v, sem):
        wid = jax.lax.axis_index("s") * nc + jax.lax.axis_index("c")
        base = wid * m_per_w
        for c in range(n_it):
            off = base + c * ch
            pltpu.sync_copy(idx_hbm.at[pl.ds(off, ch)], idx_v)
            pltpu.async_copy(table_hbm.at[idx_v], rows_v, sem).wait()
            pltpu.sync_copy(rows_v, out_hbm.at[pl.ds(off, ch)])

    return gk(table, idx)


def _sa_mlp_body(g_ref, z_ref, cnt_ref, b1_ref, w2_ref, b2_ref, w3_ref,
                 b3_ref, out_ref, *, K):
    Z = z_ref[0]
    S, C1 = Z.shape
    G = g_ref[0][:, :C1]
    Zr = jnp.broadcast_to(Z[:, None, :], (S, K, C1)).reshape(S * K, C1)
    H = jnp.maximum(G - Zr + b1_ref[...], 0.0)
    H = jnp.maximum(
        jnp.dot(H, w2_ref[...], preferred_element_type=jnp.float32)
        + b2_ref[...], 0.0)
    H = jnp.maximum(
        jnp.dot(H, w3_ref[...], preferred_element_type=jnp.float32)
        + b3_ref[...], 0.0)
    C3 = H.shape[1]
    H = H.reshape(S, K, C3)
    kio = jax.lax.broadcasted_iota(jnp.int32, (S, K, 1), 1)
    valid = cnt_ref[0][:, :, None] > kio
    out_ref[0] = jnp.max(jnp.where(valid, H, 0.0), axis=1)


def _sa_mlp(G, Z, cnt, layers, K):
    B, SK, D = G.shape
    C1 = Z.shape[2]
    S = SK // K
    (_, b1), (w2, b2), (w3, b3) = layers
    C3 = w3.shape[1]
    return pl.pallas_call(
        functools.partial(_sa_mlp_body, K=K),
        grid=(B,),
        in_specs=[
            pl.BlockSpec((1, SK, D), lambda b: (b, 0, 0)),
            pl.BlockSpec((1, S, C1), lambda b: (b, 0, 0)),
            pl.BlockSpec((1, S, 1), lambda b: (b, 0, 0)),
            pl.BlockSpec(b1.shape, lambda b: (0, 0)),
            pl.BlockSpec(w2.shape, lambda b: (0, 0)),
            pl.BlockSpec(b2.shape, lambda b: (0, 0)),
            pl.BlockSpec(w3.shape, lambda b: (0, 0)),
            pl.BlockSpec(b3.shape, lambda b: (0, 0)),
        ],
        out_specs=pl.BlockSpec((1, S, C3), lambda b: (b, 0, 0)),
        out_shape=jax.ShapeDtypeStruct((B, S, C3), jnp.float32),
    )(G, Z, cnt, b1, w2, b2, w3, b3)


def _sa3_body(xyz_ref, feat_ref, w1_ref, b1_ref, w2_ref, b2_ref, w3_ref,
              b3_ref, out_ref, *, B, M):
    x = jnp.concatenate([xyz_ref[...], feat_ref[...]], axis=1)
    h = jnp.maximum(
        jnp.dot(x, w1_ref[...], preferred_element_type=jnp.float32)
        + b1_ref[...], 0.0)
    h = jnp.maximum(
        jnp.dot(h, w2_ref[...], preferred_element_type=jnp.float32)
        + b2_ref[...], 0.0)
    h = jnp.maximum(
        jnp.dot(h, w3_ref[...], preferred_element_type=jnp.float32)
        + b3_ref[...], 0.0)
    out_ref[...] = jnp.max(h.reshape(B, M, h.shape[1]), axis=1)


def _sa3(l_xyz, l_points, layers):
    B, M, _ = l_xyz.shape
    (w1, b1), (w2, b2), (w3, b3) = layers
    C3 = w3.shape[1]
    return pl.pallas_call(
        functools.partial(_sa3_body, B=B, M=M),
        out_shape=jax.ShapeDtypeStruct((B, C3), jnp.float32),
    )(l_xyz.reshape(B * M, 3), l_points.reshape(B * M, -1),
      w1, b1, w2, b2, w3, b3)


def kernel(xyz, params):
    B = xyz.shape[0]
    l0_xyz = jnp.transpose(xyz, (0, 2, 1))
    sa1 = _fold(params['sa1'])
    sa2 = _fold(params['sa2'])
    sa3 = _fold(params['sa3'])

    l1_xyz = _fps(xyz, 512)
    N, S1, K1 = 4096, 512, 32
    Y, Zc, cnt, idxg = _sa_pre(l0_xyz, l0_xyz, l1_xyz, sa1[0][0], 0.2, K1)
    D = Y.shape[2]
    G = _sc_gather(Y.reshape(B * N, D), idxg.reshape(B * S1 * K1))
    l1_points = _sa_mlp(G.reshape(B, S1 * K1, D), Zc, cnt, sa1, K1)
    l2_xyz = _fps(jnp.transpose(l1_xyz, (0, 2, 1)), 128)
    l2_points = _sa(l1_xyz, l1_points, l2_xyz, sa2, 0.4, 64)
    return _sa3(l2_xyz, l2_points, sa3)

# --- scband reference (transcript-rebuilt; emitter-appended) ---
"""Pipeline reference for scband-deformer-ae-32014686224762 (READ-ONLY COPY).

The authoritative reference and input builder live on the scoring server;
editing this copy changes nothing except your own understanding.
"""

import jax, jax.numpy as jnp
import numpy as np

EPS = 1e-5

def square_distance(src, dst):
    return jnp.sum(src ** 2, -1)[:, :, None] + jnp.sum(dst ** 2, -1)[:, None, :] - 2.0 * jnp.einsum('bnc,bmc->bnm', src, dst)

def index_points(points, idx):
    B = points.shape[0]
    batch = jnp.arange(B).reshape((B,) + (1,) * (idx.ndim - 1))
    return points[batch, idx]

def farthest_point_sample(xyz, npoint):
    B, N, _ = xyz.shape
    def body(i, state):
        centroids, distance, farthest = state
        centroids = centroids.at[:, i].set(farthest)
        centroid = jnp.take_along_axis(xyz, farthest[:, None, None], axis=1)
        dist = jnp.sum((xyz - centroid) ** 2, -1)
        distance = jnp.minimum(distance, dist)
        farthest = jnp.argmax(distance, -1).astype(jnp.int32)
        return centroids, distance, farthest
    init = (jnp.zeros((B, npoint), jnp.int32), jnp.full((B, N), 1e10, jnp.float32), jnp.zeros((B,), jnp.int32))
    centroids, _, _ = jax.lax.fori_loop(0, npoint, body, init)
    return centroids

def query_ball_point(radius, nsample, xyz, new_xyz):
    B, N, _ = xyz.shape
    sqrdists = square_distance(new_xyz, xyz)
    gi = jnp.broadcast_to(jnp.arange(N, dtype=jnp.int32), sqrdists.shape)
    gi = jnp.where(sqrdists > radius ** 2, N, gi)
    gi = jnp.sort(gi, axis=-1)[:, :, :nsample]
    first = gi[:, :, 0:1]
    return jnp.where(gi == N, first, gi)

def mlp_stack(x, layers):
    for (W, b, g, be) in layers:
        x = jnp.einsum('bsnc,oc->bsno', x, W) + b
        x = (x / jnp.sqrt(1.0 + EPS)) * g + be
        x = jax.nn.relu(x)
    return x

def set_abstraction(xyz, points, npoint, radius, nsample, layers, group_all):
    if group_all:
        B, N, C = xyz.shape
        new_xyz = jnp.zeros((B, 1, C), xyz.dtype)
        grouped = xyz[:, None, :, :]
        if points is not None:
            grouped = jnp.concatenate([grouped, points[:, None, :, :]], axis=-1)
        new_points = grouped
    else:
        sg_xyz = jax.lax.stop_gradient(xyz)
        fps_idx = farthest_point_sample(sg_xyz, npoint)
        new_xyz = index_points(xyz, fps_idx)
        idx = query_ball_point(radius, nsample, sg_xyz, jax.lax.stop_gradient(new_xyz))
        grouped_xyz = index_points(xyz, idx) - new_xyz[:, :, None, :]
        if points is not None:
            new_points = jnp.concatenate([grouped_xyz, index_points(points, idx)], axis=-1)
        else:
            new_points = grouped_xyz
    feat = jnp.max(mlp_stack(new_points, layers), axis=2)
    return new_xyz, feat

def _make_layers(key, dims):
    layers = []
    for i in range(len(dims) - 1):
        cin, cout = dims[i], dims[i + 1]
        k = jax.random.fold_in(key, i)
        W = jax.random.normal(k, (cout, cin), jnp.float32) * 0.02
        b = jnp.zeros((cout,), jnp.float32)
        g = jnp.ones((cout,), jnp.float32)
        be = jnp.zeros((cout,), jnp.float32)
        layers.append((W, b, g, be))
    return layers

def setup_inputs(seed: int = 0):
    key = jax.random.key(seed)
    xyz = jax.random.normal(jax.random.fold_in(key, 0), (8, 3, 4096), jnp.float32)
    params = {
        'sa1': _make_layers(jax.random.fold_in(key, 1), [6, 64, 64, 128]),
        'sa2': _make_layers(jax.random.fold_in(key, 2), [131, 128, 128, 256]),
        'sa3': _make_layers(jax.random.fold_in(key, 3), [259, 256, 512, 1024]),
    }
    return {'xyz': xyz, 'params': params}

def reference(xyz, params):
    l0_xyz = jnp.transpose(xyz, (0, 2, 1))
    l0_points = l0_xyz
    l1_xyz, l1_points = set_abstraction(l0_xyz, l0_points, 512, 0.2, 32, params['sa1'], False)
    l2_xyz, l2_points = set_abstraction(l1_xyz, l1_points, 128, 0.4, 64, params['sa2'], False)
    l3_xyz, l3_points = set_abstraction(l2_xyz, l2_points, None, None, None, params['sa3'], True)
    B = xyz.shape[0]
    return l3_points.reshape(B, -1)

if __name__ == "__main__":
    import jax
    _d = setup_inputs()
    print(jax.jit(kernel)(*tuple(_d.values())))

</pallas_src>

<mosaic_0001>
#map = affine_map<(d0, d1) -> (0, 0)>
#map1 = affine_map<(d0, d1) -> (0)>
module attributes {stable_mosaic.version = 14 : i64} {
  func.func @gk(%arg0: i32, %arg1: i32, %arg2: memref<32768x128xf32, #tpu.memory_space<hbm>>, %arg3: memref<131072xi32, #tpu.memory_space<hbm>>, %arg4: memref<131072x128xf32, #tpu.memory_space<hbm>>, %arg5: memref<512xi32, #tpu.memory_space<vmem>>, %arg6: memref<512x128xf32, #tpu.memory_space<vmem>>, %arg7: memref<!tpu.dma_semaphore, #tpu.memory_space<semaphore_mem>>) attributes {dimension_semantics = [#tpu.dimension_semantics<core_parallel>, #tpu.dimension_semantics<subcore_parallel>], iteration_bounds = array<i64: 2, 16>, scalar_prefetch = 0 : i64, scratch_operands = 3 : i64, tpu.core_type = #tpu.core_type<sc_vector_subcore>, window_params = [{transform_indices = #map}, {transform_indices = #map1}, {transform_indices = #map}]} {
    %mul3A = arith.constant 2 : i32
    %mul3A_0 = arith.muli %arg1, %mul3A : i32
    %add3A = arith.addi %mul3A_0, %arg0 : i32
    %mul3A_1 = arith.constant 4096 : i32
    %mul3A_2 = arith.muli %add3A, %mul3A_1 : i32
    %add3A_3 = arith.constant 0 : i32
    %add3A_4 = arith.addi %mul3A_2, %add3A_3 : i32
    "tpu.region"() ({
      %run_scoped3A = tpu.sem_alloc : memref<!tpu.dma_semaphore, #tpu.memory_space<semaphore_mem>>
      %dma_start3A_65 = tpu.memref_slice %arg3[%add3A_4] : memref<131072xi32, #tpu.memory_space<hbm>> -> memref<512xi32, #tpu.memory_space<hbm>>
      %dma_start3A_66 = tpu.memref_slice %arg3[%add3A_4] : memref<131072xi32, #tpu.memory_space<hbm>> -> memref<512xi32, #tpu.memory_space<hbm>>
      tpu.enqueue_dma source(%dma_start3A_66 : memref<512xi32, #tpu.memory_space<hbm>>) target(%arg5 : memref<512xi32, #tpu.memory_space<vmem>>) target_semaphore(%run_scoped3A : memref<!tpu.dma_semaphore, #tpu.memory_space<semaphore_mem>>)
      %dma_wait3A_67 = tpu.memref_slice %arg3[%add3A_4] : memref<131072xi32, #tpu.memory_space<hbm>> -> memref<512xi32, #tpu.memory_space<hbm>>
      %dma_wait3A_68 = tpu.memref_slice %arg3[%add3A_4] : memref<131072xi32, #tpu.memory_space<hbm>> -> memref<512xi32, #tpu.memory_space<hbm>>
      tpu.wait_dma2 semaphore(%run_scoped3A : memref<!tpu.dma_semaphore, #tpu.memory_space<semaphore_mem>>) src(%dma_wait3A_68 : memref<512xi32, #tpu.memory_space<hbm>>) dst(%arg5 : memref<512xi32, #tpu.memory_space<vmem>>)
      tpu.yield
    }) : () -> ()
    %dma_start3A = arith.constant 0 : i32
    %dma_start3A_5 = arith.constant 0 : i32
    %dma_start3A_6 = tpu.memref_slice %arg2[%dma_start3A, %dma_start3A_5] : memref<32768x128xf32, #tpu.memory_space<hbm>> -> memref<32768x128xf32, #tpu.memory_space<hbm>>
    tpu.enqueue_indirect_dma source(%dma_start3A_6 : memref<32768x128xf32, #tpu.memory_space<hbm>>) target(%arg6 : memref<512x128xf32, #tpu.memory_space<vmem>>) offsets(%arg5 : memref<512xi32, #tpu.memory_space<vmem>>) semaphore(%arg7 : memref<!tpu.dma_semaphore, #tpu.memory_space<semaphore_mem>>)
    %dma_wait3A = arith.constant 0 : i32
    %dma_wait3A_7 = arith.constant 0 : i32
    %dma_wait3A_8 = tpu.memref_slice %arg2[%dma_wait3A, %dma_wait3A_7] : memref<32768x128xf32, #tpu.memory_space<hbm>> -> memref<32768x128xf32, #tpu.memory_space<hbm>>
    tpu.wait_indirect_dma semaphore(%arg7 : memref<!tpu.dma_semaphore, #tpu.memory_space<semaphore_mem>>) src(%dma_wait3A_8 : memref<32768x128xf32, #tpu.memory_space<hbm>>) dst(%arg6 : memref<512x128xf32, #tpu.memory_space<vmem>>)
    "tpu.region"() ({
      %run_scoped3A = tpu.sem_alloc : memref<!tpu.dma_semaphore, #tpu.memory_space<semaphore_mem>>
      %dma_start3A_65 = arith.constant 0 : i32
      %dma_start3A_66 = tpu.memref_slice %arg4[%add3A_4, %dma_start3A_65] : memref<131072x128xf32, #tpu.memory_space<hbm>> -> memref<512x128xf32, #tpu.memory_space<hbm>>
      %dma_start3A_67 = arith.constant 0 : i32
      %dma_start3A_68 = tpu.memref_slice %arg4[%add3A_4, %dma_start3A_67] : memref<131072x128xf32, #tpu.memory_space<hbm>> -> memref<512x128xf32, #tpu.memory_space<hbm>>
      tpu.enqueue_dma source(%arg6 : memref<512x128xf32, #tpu.memory_space<vmem>>) target(%dma_start3A_68 : memref<512x128xf32, #tpu.memory_space<hbm>>) target_semaphore(%run_scoped3A : memref<!tpu.dma_semaphore, #tpu.memory_space<semaphore_mem>>)
      %dma_wait3A_69 = arith.constant 0 : i32
      %dma_wait3A_70 = tpu.memref_slice %arg4[%add3A_4, %dma_wait3A_69] : memref<131072x128xf32, #tpu.memory_space<hbm>> -> memref<512x128xf32, #tpu.memory_space<hbm>>
      %dma_wait3A_71 = arith.constant 0 : i32
      %dma_wait3A_72 = tpu.memref_slice %arg4[%add3A_4, %dma_wait3A_71] : memref<131072x128xf32, #tpu.memory_space<hbm>> -> memref<512x128xf32, #tpu.memory_space<hbm>>
      tpu.wait_dma2 semaphore(%run_scoped3A : memref<!tpu.dma_semaphore, #tpu.memory_space<semaphore_mem>>) src(%arg6 : memref<512x128xf32, #tpu.memory_space<vmem>>) dst(%dma_wait3A_72 : memref<512x128xf32, #tpu.memory_space<hbm>>)
      tpu.yield
    }) : () -> ()
    %add3A_9 = arith.constant 512 : i32
    %add3A_10 = arith.addi %mul3A_2, %add3A_9 : i32
    "tpu.region"() ({
      %run_scoped3A = tpu.sem_alloc : memref<!tpu.dma_semaphore, #tpu.memory_space<semaphore_mem>>
      %dma_start3A_65 = tpu.memref_slice %arg3[%add3A_10] : memref<131072xi32, #tpu.memory_space<hbm>> -> memref<512xi32, #tpu.memory_space<hbm>>
      %dma_start3A_66 = tpu.memref_slice %arg3[%add3A_10] : memref<131072xi32, #tpu.memory_space<hbm>> -> memref<512xi32, #tpu.memory_space<hbm>>
      tpu.enqueue_dma source(%dma_start3A_66 : memref<512xi32, #tpu.memory_space<hbm>>) target(%arg5 : memref<512xi32, #tpu.memory_space<vmem>>) target_semaphore(%run_scoped3A : memref<!tpu.dma_semaphore, #tpu.memory_space<semaphore_mem>>)
      %dma_wait3A_67 = tpu.memref_slice %arg3[%add3A_10] : memref<131072xi32, #tpu.memory_space<hbm>> -> memref<512xi32, #tpu.memory_space<hbm>>
      %dma_wait3A_68 = tpu.memref_slice %arg3[%add3A_10] : memref<131072xi32, #tpu.memory_space<hbm>> -> memref<512xi32, #tpu.memory_space<hbm>>
      tpu.wait_dma2 semaphore(%run_scoped3A : memref<!tpu.dma_semaphore, #tpu.memory_space<semaphore_mem>>) src(%dma_wait3A_68 : memref<512xi32, #tpu.memory_space<hbm>>) dst(%arg5 : memref<512xi32, #tpu.memory_space<vmem>>)
      tpu.yield
    }) : () -> ()
    %dma_start3A_11 = arith.constant 0 : i32
    %dma_start3A_12 = arith.constant 0 : i32
    %dma_start3A_13 = tpu.memref_slice %arg2[%dma_start3A_11, %dma_start3A_12] : memref<32768x128xf32, #tpu.memory_space<hbm>> -> memref<32768x128xf32, #tpu.memory_space<hbm>>
    tpu.enqueue_indirect_dma source(%dma_start3A_13 : memref<32768x128xf32, #tpu.memory_space<hbm>>) target(%arg6 : memref<512x128xf32, #tpu.memory_space<vmem>>) offsets(%arg5 : memref<512xi32, #tpu.memory_space<vmem>>) semaphore(%arg7 : memref<!tpu.dma_semaphore, #tpu.memory_space<semaphore_mem>>)
    %dma_wait3A_14 = arith.constant 0 : i32
    %dma_wait3A_15 = arith.constant 0 : i32
    %dma_wait3A_16 = tpu.memref_slice %arg2[%dma_wait3A_14, %dma_wait3A_15] : memref<32768x128xf32, #tpu.memory_space<hbm>> -> memref<32768x128xf32, #tpu.memory_space<hbm>>
    tpu.wait_indirect_dma semaphore(%arg7 : memref<!tpu.dma_semaphore, #tpu.memory_space<semaphore_mem>>) src(%dma_wait3A_16 : memref<32768x128xf32, #tpu.memory_space<hbm>>) dst(%arg6 : memref<512x128xf32, #tpu.memory_space<vmem>>)
    "tpu.region"() ({
      %run_scoped3A = tpu.sem_alloc : memref<!tpu.dma_semaphore, #tpu.memory_space<semaphore_mem>>
      %dma_start3A_65 = arith.constant 0 : i32
      %dma_start3A_66 = tpu.memref_slice %arg4[%add3A_10, %dma_start3A_65] : memref<131072x128xf32, #tpu.memory_space<hbm>> -> memref<512x128xf32, #tpu.memory_space<hbm>>
      %dma_start3A_67 = arith.constant 0 : i32
      %dma_start3A_68 = tpu.memref_slice %arg4[%add3A_10, %dma_start3A_67] : memref<131072x128xf32, #tpu.memory_space<hbm>> -> memref<512x128xf32, #tpu.memory_space<hbm>>
      tpu.enqueue_dma source(%arg6 : memref<512x128xf32, #tpu.memory_space<vmem>>) target(%dma_start3A_68 : memref<512x128xf32, #tpu.memory_space<hbm>>) target_semaphore(%run_scoped3A : memref<!tpu.dma_semaphore, #tpu.memory_space<semaphore_mem>>)
      %dma_wait3A_69 = arith.constant 0 : i32
      %dma_wait3A_70 = tpu.memref_slice %arg4[%add3A_10, %dma_wait3A_69] : memref<131072x128xf32, #tpu.memory_space<hbm>> -> memref<512x128xf32, #tpu.memory_space<hbm>>
      %dma_wait3A_71 = arith.constant 0 : i32
      %dma_wait3A_72 = tpu.memref_slice %arg4[%add3A_10, %dma_wait3A_71] : memref<131072x128xf32, #tpu.memory_space<hbm>> -> memref<512x128xf32, #tpu.memory_space<hbm>>
      tpu.wait_dma2 semaphore(%run_scoped3A : memref<!tpu.dma_semaphore, #tpu.memory_space<semaphore_mem>>) src(%arg6 : memref<512x128xf32, #tpu.memory_space<vmem>>) dst(%dma_wait3A_72 : memref<512x128xf32, #tpu.memory_space<hbm>>)
      tpu.yield
    }) : () -> ()
    %add3A_17 = arith.constant 1024 : i32
    %add3A_18 = arith.addi %mul3A_2, %add3A_17 : i32
    "tpu.region"() ({
      %run_scoped3A = tpu.sem_alloc : memref<!tpu.dma_semaphore, #tpu.memory_space<semaphore_mem>>
      %dma_start3A_65 = tpu.memref_slice %arg3[%add3A_18] : memref<131072xi32, #tpu.memory_space<hbm>> -> memref<512xi32, #tpu.memory_space<hbm>>
      %dma_start3A_66 = tpu.memref_slice %arg3[%add3A_18] : memref<131072xi32, #tpu.memory_space<hbm>> -> memref<512xi32, #tpu.memory_space<hbm>>
      tpu.enqueue_dma source(%dma_start3A_66 : memref<512xi32, #tpu.memory_space<hbm>>) target(%arg5 : memref<512xi32, #tpu.memory_space<vmem>>) target_semaphore(%run_scoped3A : memref<!tpu.dma_semaphore, #tpu.memory_space<semaphore_mem>>)
      %dma_wait3A_67 = tpu.memref_slice %arg3[%add3A_18] : memref<131072xi32, #tpu.memory_space<hbm>> -> memref<512xi32, #tpu.memory_space<hbm>>
      %dma_wait3A_68 = tpu.memref_slice %arg3[%add3A_18] : memref<131072xi32, #tpu.memory_space<hbm>> -> memref<512xi32, #tpu.memory_space<hbm>>
      tpu.wait_dma2 semaphore(%run_scoped3A : memref<!tpu.dma_semaphore, #tpu.memory_space<semaphore_mem>>) src(%dma_wait3A_68 : memref<512xi32, #tpu.memory_space<hbm>>) dst(%arg5 : memref<512xi32, #tpu.memory_space<vmem>>)
      tpu.yield
    }) : () -> ()
    %dma_start3A_19 = arith.constant 0 : i32
    %dma_start3A_20 = arith.constant 0 : i32
    %dma_start3A_21 = tpu.memref_slice %arg2[%dma_start3A_19, %dma_start3A_20] : memref<32768x128xf32, #tpu.memory_space<hbm>> -> memref<32768x128xf32, #tpu.memory_space<hbm>>
    tpu.enqueue_indirect_dma source(%dma_start3A_21 : memref<32768x128xf32, #tpu.memory_space<hbm>>) target(%arg6 : memref<512x128xf32, #tpu.memory_space<vmem>>) offsets(%arg5 : memref<512xi32, #tpu.memory_space<vmem>>) semaphore(%arg7 : memref<!tpu.dma_semaphore, #tpu.memory_space<semaphore_mem>>)
    %dma_wait3A_22 = arith.constant 0 : i32
    %dma_wait3A_23 = arith.constant 0 : i32
    %dma_wait3A_24 = tpu.memref_slice %arg2[%dma_wait3A_22, %dma_wait3A_23] : memref<32768x128xf32, #tpu.memory_space<hbm>> -> memref<32768x128xf32, #tpu.memory_space<hbm>>
    tpu.wait_indirect_dma semaphore(%arg7 : memref<!tpu.dma_semaphore, #tpu.memory_space<semaphore_mem>>) src(%dma_wait3A_24 : memref<32768x128xf32, #tpu.memory_space<hbm>>) dst(%arg6 : memref<512x128xf32, #tpu.memory_space<vmem>>)
    "tpu.region"() ({
      %run_scoped3A = tpu.sem_alloc : memref<!tpu.dma_semaphore, #tpu.memory_space<semaphore_mem>>
      %dma_start3A_65 = arith.constant 0 : i32
      %dma_start3A_66 = tpu.memref_slice %arg4[%add3A_18, %dma_start3A_65] : memref<131072x128xf32, #tpu.memory_space<hbm>> -> memref<512x128xf32, #tpu.memory_space<hbm>>
      %dma_start3A_67 = arith.constant 0 : i32
      %dma_start3A_68 = tpu.memref_slice %arg4[%add3A_18, %dma_start3A_67] : memref<131072x128xf32, #tpu.memory_space<hbm>> -> memref<512x128xf32, #tpu.memory_space<hbm>>
      tpu.enqueue_dma source(%arg6 : memref<512x128xf32, #tpu.memory_space<vmem>>) target(%dma_start3A_68 : memref<512x128xf32, #tpu.memory_space<hbm>>) target_semaphore(%run_scoped3A : memref<!tpu.dma_semaphore, #tpu.memory_space<semaphore_mem>>)
      %dma_wait3A_69 = arith.constant 0 : i32
      %dma_wait3A_70 = tpu.memref_slice %arg4[%add3A_18, %dma_wait3A_69] : memref<131072x128xf32, #tpu.memory_space<hbm>> -> memref<512x128xf32, #tpu.memory_space<hbm>>
      %dma_wait3A_71 = arith.constant 0 : i32
      %dma_wait3A_72 = tpu.memref_slice %arg4[%add3A_18, %dma_wait3A_71] : memref<131072x128xf32, #tpu.memory_space<hbm>> -> memref<512x128xf32, #tpu.memory_space<hbm>>
      tpu.wait_dma2 semaphore(%run_scoped3A : memref<!tpu.dma_semaphore, #tpu.memory_space<semaphore_mem>>) src(%arg6 : memref<512x128xf32, #tpu.memory_space<vmem>>) dst(%dma_wait3A_72 : memref<512x128xf32, #tpu.memory_space<hbm>>)
      tpu.yield
    }) : () -> ()
    %add3A_25 = arith.constant 1536 : i32
    %add3A_26 = arith.addi %mul3A_2, %add3A_25 : i32
    "tpu.region"() ({
      %run_scoped3A = tpu.sem_alloc : memref<!tpu.dma_semaphore, #tpu.memory_space<semaphore_mem>>
      %dma_start3A_65 = tpu.memref_slice %arg3[%add3A_26] : memref<131072xi32, #tpu.memory_space<hbm>> -> memref<512xi32, #tpu.memory_space<hbm>>
      %dma_start3A_66 = tpu.memref_slice %arg3[%add3A_26] : memref<131072xi32, #tpu.memory_space<hbm>> -> memref<512xi32, #tpu.memory_space<hbm>>
      tpu.enqueue_dma source(%dma_start3A_66 : memref<512xi32, #tpu.memory_space<hbm>>) target(%arg5 : memref<512xi32, #tpu.memory_space<vmem>>) target_semaphore(%run_scoped3A : memref<!tpu.dma_semaphore, #tpu.memory_space<semaphore_mem>>)
      %dma_wait3A_67 = tpu.memref_slice %arg3[%add3A_26] : memref<131072xi32, #tpu.memory_space<hbm>> -> memref<512xi32, #tpu.memory_space<hbm>>
      %dma_wait3A_68 = tpu.memref_slice %arg3[%add3A_26] : memref<131072xi32, #tpu.memory_space<hbm>> -> memref<512xi32, #tpu.memory_space<hbm>>
      tpu.wait_dma2 semaphore(%run_scoped3A : memref<!tpu.dma_semaphore, #tpu.memory_space<semaphore_mem>>) src(%dma_wait3A_68 : memref<512xi32, #tpu.memory_space<hbm>>) dst(%arg5 : memref<512xi32, #tpu.memory_space<vmem>>)
      tpu.yield
    }) : () -> ()
    %dma_start3A_27 = arith.constant 0 : i32
    %dma_start3A_28 = arith.constant 0 : i32
    %dma_start3A_29 = tpu.memref_slice %arg2[%dma_start3A_27, %dma_start3A_28] : memref<32768x128xf32, #tpu.memory_space<hbm>> -> memref<32768x128xf32, #tpu.memory_space<hbm>>
    tpu.enqueue_indirect_dma source(%dma_start3A_29 : memref<32768x128xf32, #tpu.memory_space<hbm>>) target(%arg6 : memref<512x128xf32, #tpu.memory_space<vmem>>) offsets(%arg5 : memref<512xi32, #tpu.memory_space<vmem>>) semaphore(%arg7 : memref<!tpu.dma_semaphore, #tpu.memory_space<semaphore_mem>>)
    %dma_wait3A_30 = arith.constant 0 : i32
    %dma_wait3A_31 = arith.constant 0 : i32
    %dma_wait3A_32 = tpu.memref_slice %arg2[%dma_wait3A_30, %dma_wait3A_31] : memref<32768x128xf32, #tpu.memory_space<hbm>> -> memref<32768x128xf32, #tpu.memory_space<hbm>>
    tpu.wait_indirect_dma semaphore(%arg7 : memref<!tpu.dma_semaphore, #tpu.memory_space<semaphore_mem>>) src(%dma_wait3A_32 : memref<32768x128xf32, #tpu.memory_space<hbm>>) dst(%arg6 : memref<512x128xf32, #tpu.memory_space<vmem>>)
    "tpu.region"() ({
      %run_scoped3A = tpu.sem_alloc : memref<!tpu.dma_semaphore, #tpu.memory_space<semaphore_mem>>
      %dma_start3A_65 = arith.constant 0 : i32
      %dma_start3A_66 = tpu.memref_slice %arg4[%add3A_26, %dma_start3A_65] : memref<131072x128xf32, #tpu.memory_space<hbm>> -> memref<512x128xf32, #tpu.memory_space<hbm>>
      %dma_start3A_67 = arith.constant 0 : i32
      %dma_start3A_68 = tpu.memref_slice %arg4[%add3A_26, %dma_start3A_67] : memref<131072x128xf32, #tpu.memory_space<hbm>> -> memref<512x128xf32, #tpu.memory_space<hbm>>
      tpu.enqueue_dma source(%arg6 : memref<512x128xf32, #tpu.memory_space<vmem>>) target(%dma_start3A_68 : memref<512x128xf32, #tpu.memory_space<hbm>>) target_semaphore(%run_scoped3A : memref<!tpu.dma_semaphore, #tpu.memory_space<semaphore_mem>>)
      %dma_wait3A_69 = arith.constant 0 : i32
      %dma_wait3A_70 = tpu.memref_slice %arg4[%add3A_26, %dma_wait3A_69] : memref<131072x128xf32, #tpu.memory_space<hbm>> -> memref<512x128xf32, #tpu.memory_space<hbm>>
      %dma_wait3A_71 = arith.constant 0 : i32
      %dma_wait3A_72 = tpu.memref_slice %arg4[%add3A_26, %dma_wait3A_71] : memref<131072x128xf32, #tpu.memory_space<hbm>> -> memref<512x128xf32, #tpu.memory_space<hbm>>
      tpu.wait_dma2 semaphore(%run_scoped3A : memref<!tpu.dma_semaphore, #tpu.memory_space<semaphore_mem>>) src(%arg6 : memref<512x128xf32, #tpu.memory_space<vmem>>) dst(%dma_wait3A_72 : memref<512x128xf32, #tpu.memory_space<hbm>>)
      tpu.yield
    }) : () -> ()
    %add3A_33 = arith.constant 2048 : i32
    %add3A_34 = arith.addi %mul3A_2, %add3A_33 : i32
    "tpu.region"() ({
      %run_scoped3A = tpu.sem_alloc : memref<!tpu.dma_semaphore, #tpu.memory_space<semaphore_mem>>
      %dma_start3A_65 = tpu.memref_slice %arg3[%add3A_34] : memref<131072xi32, #tpu.memory_space<hbm>> -> memref<512xi32, #tpu.memory_space<hbm>>
      %dma_start3A_66 = tpu.memref_slice %arg3[%add3A_34] : memref<131072xi32, #tpu.memory_space<hbm>> -> memref<512xi32, #tpu.memory_space<hbm>>
      tpu.enqueue_dma source(%dma_start3A_66 : memref<512xi32, #tpu.memory_space<hbm>>) target(%arg5 : memref<512xi32, #tpu.memory_space<vmem>>) target_semaphore(%run_scoped3A : memref<!tpu.dma_semaphore, #tpu.memory_space<semaphore_mem>>)
      %dma_wait3A_67 = tpu.memref_slice %arg3[%add3A_34] : memref<131072xi32, #tpu.memory_space<hbm>> -> memref<512xi32, #tpu.memory_space<hbm>>
      %dma_wait3A_68 = tpu.memref_slice %arg3[%add3A_34] : memref<131072xi32, #tpu.memory_space<hbm>> -> memref<512xi32, #tpu.memory_space<hbm>>
      tpu.wait_dma2 semaphore(%run_scoped3A : memref<!tpu.dma_semaphore, #tpu.memory_space<semaphore_mem>>) src(%dma_wait3A_68 : memref<512xi32, #tpu.memory_space<hbm>>) dst(%arg5 : memref<512xi32, #tpu.memory_space<vmem>>)
      tpu.yield
    }) : () -> ()
    %dma_start3A_35 = arith.constant 0 : i32
    %dma_start3A_36 = arith.constant 0 : i32
    %dma_start3A_37 = tpu.memref_slice %arg2[%dma_start3A_35, %dma_start3A_36] : memref<32768x128xf32, #tpu.memory_space<hbm>> -> memref<32768x128xf32, #tpu.memory_space<hbm>>
    tpu.enqueue_indirect_dma source(%dma_start3A_37 : memref<32768x128xf32, #tpu.memory_space<hbm>>) target(%arg6 : memref<512x128xf32, #tpu.memory_space<vmem>>) offsets(%arg5 : memref<512xi32, #tpu.memory_space<vmem>>) semaphore(%arg7 : memref<!tpu.dma_semaphore, #tpu.memory_space<semaphore_mem>>)
    %dma_wait3A_38 = arith.constant 0 : i32
    %dma_wait3A_39 = arith.constant 0 : i32
    %dma_wait3A_40 = tpu.memref_slice %arg2[%dma_wait3A_38, %dma_wait3A_39] : memref<32768x128xf32, #tpu.memory_space<hbm>> -> memref<32768x128xf32, #tpu.memory_space<hbm>>
    tpu.wait_indirect_dma semaphore(%arg7 : memref<!tpu.dma_semaphore, #tpu.memory_space<semaphore_mem>>) src(%dma_wait3A_40 : memref<32768x128xf32, #tpu.memory_space<hbm>>) dst(%arg6 : memref<512x128xf32, #tpu.memory_space<vmem>>)
    "tpu.region"() ({
      %run_scoped3A = tpu.sem_alloc : memref<!tpu.dma_semaphore, #tpu.memory_space<semaphore_mem>>
      %dma_start3A_65 = arith.constant 0 : i32
      %dma_start3A_66 = tpu.memref_slice %arg4[%add3A_34, %dma_start3A_65] : memref<131072x128xf32, #tpu.memory_space<hbm>> -> memref<512x128xf32, #tpu.memory_space<hbm>>
      %dma_start3A_67 = arith.constant 0 : i32
      %dma_start3A_68 = tpu.memref_slice %arg4[%add3A_34, %dma_start3A_67] : memref<131072x128xf32, #tpu.memory_space<hbm>> -> memref<512x128xf32, #tpu.memory_space<hbm>>
      tpu.enqueue_dma source(%arg6 : memref<512x128xf32, #tpu.memory_space<vmem>>) target(%dma_start3A_68 : memref<512x128xf32, #tpu.memory_space<hbm>>) target_semaphore(%run_scoped3A : memref<!tpu.dma_semaphore, #tpu.memory_space<semaphore_mem>>)
      %dma_wait3A_69 = arith.constant 0 : i32
      %dma_wait3A_70 = tpu.memref_slice %arg4[%add3A_34, %dma_wait3A_69] : memref<131072x128xf32, #tpu.memory_space<hbm>> -> memref<512x128xf32, #tpu.memory_space<hbm>>
      %dma_wait3A_71 = arith.constant 0 : i32
      %dma_wait3A_72 = tpu.memref_slice %arg4[%add3A_34, %dma_wait3A_71] : memref<131072x128xf32, #tpu.memory_space<hbm>> -> memref<512x128xf32, #tpu.memory_space<hbm>>
      tpu.wait_dma2 semaphore(%run_scoped3A : memref<!tpu.dma_semaphore, #tpu.memory_space<semaphore_mem>>) src(%arg6 : memref<512x128xf32, #tpu.memory_space<vmem>>) dst(%dma_wait3A_72 : memref<512x128xf32, #tpu.memory_space<hbm>>)
      tpu.yield
    }) : () -> ()
    %add3A_41 = arith.constant 2560 : i32
    %add3A_42 = arith.addi %mul3A_2, %add3A_41 : i32
    "tpu.region"() ({
      %run_scoped3A = tpu.sem_alloc : memref<!tpu.dma_semaphore, #tpu.memory_space<semaphore_mem>>
      %dma_start3A_65 = tpu.memref_slice %arg3[%add3A_42] : memref<131072xi32, #tpu.memory_space<hbm>> -> memref<512xi32, #tpu.memory_space<hbm>>
      %dma_start3A_66 = tpu.memref_slice %arg3[%add3A_42] : memref<131072xi32, #tpu.memory_space<hbm>> -> memref<512xi32, #tpu.memory_space<hbm>>
      tpu.enqueue_dma source(%dma_start3A_66 : memref<512xi32, #tpu.memory_space<hbm>>) target(%arg5 : memref<512xi32, #tpu.memory_space<vmem>>) target_semaphore(%run_scoped3A : memref<!tpu.dma_semaphore, #tpu.memory_space<semaphore_mem>>)
      %dma_wait3A_67 = tpu.memref_slice %arg3[%add3A_42] : memref<131072xi32, #tpu.memory_space<hbm>> -> memref<512xi32, #tpu.memory_space<hbm>>
      %dma_wait3A_68 = tpu.memref_slice %arg3[%add3A_42] : memref<131072xi32, #tpu.memory_space<hbm>> -> memref<512xi32, #tpu.memory_space<hbm>>
      tpu.wait_dma2 semaphore(%run_scoped3A : memref<!tpu.dma_semaphore, #tpu.memory_space<semaphore_mem>>) src(%dma_wait3A_68 : memref<512xi32, #tpu.memory_space<hbm>>) dst(%arg5 : memref<512xi32, #tpu.memory_space<vmem>>)
      tpu.yield
    }) : () -> ()
    %dma_start3A_43 = arith.constant 0 : i32
    %dma_start3A_44 = arith.constant 0 : i32
    %dma_start3A_45 = tpu.memref_slice %arg2[%dma_start3A_43, %dma_start3A_44] : memref<32768x128xf32, #tpu.memory_space<hbm>> -> memref<32768x128xf32, #tpu.memory_space<hbm>>
    tpu.enqueue_indirect_dma source(%dma_start3A_45 : memref<32768x128xf32, #tpu.memory_space<hbm>>) target(%arg6 : memref<512x128xf32, #tpu.memory_space<vmem>>) offsets(%arg5 : memref<512xi32, #tpu.memory_space<vmem>>) semaphore(%arg7 : memref<!tpu.dma_semaphore, #tpu.memory_space<semaphore_mem>>)
    %dma_wait3A_46 = arith.constant 0 : i32
    %dma_wait3A_47 = arith.constant 0 : i32
    %dma_wait3A_48 = tpu.memref_slice %arg2[%dma_wait3A_46, %dma_wait3A_47] : memref<32768x128xf32, #tpu.memory_space<hbm>> -> memref<32768x128xf32, #tpu.memory_space<hbm>>
    tpu.wait_indirect_dma semaphore(%arg7 : memref<!tpu.dma_semaphore, #tpu.memory_space<semaphore_mem>>) src(%dma_wait3A_48 : memref<32768x128xf32, #tpu.memory_space<hbm>>) dst(%arg6 : memref<512x128xf32, #tpu.memory_space<vmem>>)
    "tpu.region"() ({
      %run_scoped3A = tpu.sem_alloc : memref<!tpu.dma_semaphore, #tpu.memory_space<semaphore_mem>>
      %dma_start3A_65 = arith.constant 0 : i32
      %dma_start3A_66 = tpu.memref_slice %arg4[%add3A_42, %dma_start3A_65] : memref<131072x128xf32, #tpu.memory_space<hbm>> -> memref<512x128xf32, #tpu.memory_space<hbm>>
      %dma_start3A_67 = arith.constant 0 : i32
      %dma_start3A_68 = tpu.memref_slice %arg4[%add3A_42, %dma_start3A_67] : memref<131072x128xf32, #tpu.memory_space<hbm>> -> memref<512x128xf32, #tpu.memory_space<hbm>>
      tpu.enqueue_dma source(%arg6 : memref<512x128xf32, #tpu.memory_space<vmem>>) target(%dma_start3A_68 : memref<512x128xf32, #tpu.memory_space<hbm>>) target_semaphore(%run_scoped3A : memref<!tpu.dma_semaphore, #tpu.memory_space<semaphore_mem>>)
      %dma_wait3A_69 = arith.constant 0 : i32
      %dma_wait3A_70 = tpu.memref_slice %arg4[%add3A_42, %dma_wait3A_69] : memref<131072x128xf32, #tpu.memory_space<hbm>> -> memref<512x128xf32, #tpu.memory_space<hbm>>
      %dma_wait3A_71 = arith.constant 0 : i32
      %dma_wait3A_72 = tpu.memref_slice %arg4[%add3A_42, %dma_wait3A_71] : memref<131072x128xf32, #tpu.memory_space<hbm>> -> memref<512x128xf32, #tpu.memory_space<hbm>>
      tpu.wait_dma2 semaphore(%run_scoped3A : memref<!tpu.dma_semaphore, #tpu.memory_space<semaphore_mem>>) src(%arg6 : memref<512x128xf32, #tpu.memory_space<vmem>>) dst(%dma_wait3A_72 : memref<512x128xf32, #tpu.memory_space<hbm>>)
      tpu.yield
    }) : () -> ()
    %add3A_49 = arith.constant 3072 : i32
    %add3A_50 = arith.addi %mul3A_2, %add3A_49 : i32
    "tpu.region"() ({
      %run_scoped3A = tpu.sem_alloc : memref<!tpu.dma_semaphore, #tpu.memory_space<semaphore_mem>>
      %dma_start3A_65 = tpu.memref_slice %arg3[%add3A_50] : memref<131072xi32, #tpu.memory_space<hbm>> -> memref<512xi32, #tpu.memory_space<hbm>>
      %dma_start3A_66 = tpu.memref_slice %arg3[%add3A_50] : memref<131072xi32, #tpu.memory_space<hbm>> -> memref<512xi32, #tpu.memory_space<hbm>>
      tpu.enqueue_dma source(%dma_start3A_66 : memref<512xi32, #tpu.memory_space<hbm>>) target(%arg5 : memref<512xi32, #tpu.memory_space<vmem>>) target_semaphore(%run_scoped3A : memref<!tpu.dma_semaphore, #tpu.memory_space<semaphore_mem>>)
      %dma_wait3A_67 = tpu.memref_slice %arg3[%add3A_50] : memref<131072xi32, #tpu.memory_space<hbm>> -> memref<512xi32, #tpu.memory_space<hbm>>
      %dma_wait3A_68 = tpu.memref_slice %arg3[%add3A_50] : memref<131072xi32, #tpu.memory_space<hbm>> -> memref<512xi32, #tpu.memory_space<hbm>>
      tpu.wait_dma2 semaphore(%run_scoped3A : memref<!tpu.dma_semaphore, #tpu.memory_space<semaphore_mem>>) src(%dma_wait3A_68 : memref<512xi32, #tpu.memory_space<hbm>>) dst(%arg5 : memref<512xi32, #tpu.memory_space<vmem>>)
      tpu.yield
    }) : () -> ()
    %dma_start3A_51 = arith.constant 0 : i32
    %dma_start3A_52 = arith.constant 0 : i32
    %dma_start3A_53 = tpu.memref_slice %arg2[%dma_start3A_51, %dma_start3A_52] : memref<32768x128xf32, #tpu.memory_space<hbm>> -> memref<32768x128xf32, #tpu.memory_space<hbm>>
    tpu.enqueue_indirect_dma source(%dma_start3A_53 : memref<32768x128xf32, #tpu.memory_space<hbm>>) target(%arg6 : memref<512x128xf32, #tpu.memory_space<vmem>>) offsets(%arg5 : memref<512xi32, #tpu.memory_space<vmem>>) semaphore(%arg7 : memref<!tpu.dma_semaphore, #tpu.memory_space<semaphore_mem>>)
    %dma_wait3A_54 = arith.constant 0 : i32
    %dma_wait3A_55 = arith.constant 0 : i32
    %dma_wait3A_56 = tpu.memref_slice %arg2[%dma_wait3A_54, %dma_wait3A_55] : memref<32768x128xf32, #tpu.memory_space<hbm>> -> memref<32768x128xf32, #tpu.memory_space<hbm>>
    tpu.wait_indirect_dma semaphore(%arg7 : memref<!tpu.dma_semaphore, #tpu.memory_space<semaphore_mem>>) src(%dma_wait3A_56 : memref<32768x128xf32, #tpu.memory_space<hbm>>) dst(%arg6 : memref<512x128xf32, #tpu.memory_space<vmem>>)
    "tpu.region"() ({
      %run_scoped3A = tpu.sem_alloc : memref<!tpu.dma_semaphore, #tpu.memory_space<semaphore_mem>>
      %dma_start3A_65 = arith.constant 0 : i32
      %dma_start3A_66 = tpu.memref_slice %arg4[%add3A_50, %dma_start3A_65] : memref<131072x128xf32, #tpu.memory_space<hbm>> -> memref<512x128xf32, #tpu.memory_space<hbm>>
      %dma_start3A_67 = arith.constant 0 : i32
      %dma_start3A_68 = tpu.memref_slice %arg4[%add3A_50, %dma_start3A_67] : memref<131072x128xf32, #tpu.memory_space<hbm>> -> memref<512x128xf32, #tpu.memory_space<hbm>>
      tpu.enqueue_dma source(%arg6 : memref<512x128xf32, #tpu.memory_space<vmem>>) target(%dma_start3A_68 : memref<512x128xf32, #tpu.memory_space<hbm>>) target_semaphore(%run_scoped3A : memref<!tpu.dma_semaphore, #tpu.memory_space<semaphore_mem>>)
      %dma_wait3A_69 = arith.constant 0 : i32
      %dma_wait3A_70 = tpu.memref_slice %arg4[%add3A_50, %dma_wait3A_69] : memref<131072x128xf32, #tpu.memory_space<hbm>> -> memref<512x128xf32, #tpu.memory_space<hbm>>
      %dma_wait3A_71 = arith.constant 0 : i32
      %dma_wait3A_72 = tpu.memref_slice %arg4[%add3A_50, %dma_wait3A_71] : memref<131072x128xf32, #tpu.memory_space<hbm>> -> memref<512x128xf32, #tpu.memory_space<hbm>>
      tpu.wait_dma2 semaphore(%run_scoped3A : memref<!tpu.dma_semaphore, #tpu.memory_space<semaphore_mem>>) src(%arg6 : memref<512x128xf32, #tpu.memory_space<vmem>>) dst(%dma_wait3A_72 : memref<512x128xf32, #tpu.memory_space<hbm>>)
      tpu.yield
    }) : () -> ()
    %add3A_57 = arith.constant 3584 : i32
    %add3A_58 = arith.addi %mul3A_2, %add3A_57 : i32
    "tpu.region"() ({
      %run_scoped3A = tpu.sem_alloc : memref<!tpu.dma_semaphore, #tpu.memory_space<semaphore_mem>>
      %dma_start3A_65 = tpu.memref_slice %arg3[%add3A_58] : memref<131072xi32, #tpu.memory_space<hbm>> -> memref<512xi32, #tpu.memory_space<hbm>>
      %dma_start3A_66 = tpu.memref_slice %arg3[%add3A_58] : memref<131072xi32, #tpu.memory_space<hbm>> -> memref<512xi32, #tpu.memory_space<hbm>>
      tpu.enqueue_dma source(%dma_start3A_66 : memref<512xi32, #tpu.memory_space<hbm>>) target(%arg5 : memref<512xi32, #tpu.memory_space<vmem>>) target_semaphore(%run_scoped3A : memref<!tpu.dma_semaphore, #tpu.memory_space<semaphore_mem>>)
      %dma_wait3A_67 = tpu.memref_slice %arg3[%add3A_58] : memref<131072xi32, #tpu.memory_space<hbm>> -> memref<512xi32, #tpu.memory_space<hbm>>
      %dma_wait3A_68 = tpu.memref_slice %arg3[%add3A_58] : memref<131072xi32, #tpu.memory_space<hbm>> -> memref<512xi32, #tpu.memory_space<hbm>>
      tpu.wait_dma2 semaphore(%run_scoped3A : memref<!tpu.dma_semaphore, #tpu.memory_space<semaphore_mem>>) src(%dma_wait3A_68 : memref<512xi32, #tpu.memory_space<hbm>>) dst(%arg5 : memref<512xi32, #tpu.memory_space<vmem>>)
      tpu.yield
    }) : () -> ()
    %dma_start3A_59 = arith.constant 0 : i32
    %dma_start3A_60 = arith.constant 0 : i32
    %dma_start3A_61 = tpu.memref_slice %arg2[%dma_start3A_59, %dma_start3A_60] : memref<32768x128xf32, #tpu.memory_space<hbm>> -> memref<32768x128xf32, #tpu.memory_space<hbm>>
    tpu.enqueue_indirect_dma source(%dma_start3A_61 : memref<32768x128xf32, #tpu.memory_space<hbm>>) target(%arg6 : memref<512x128xf32, #tpu.memory_space<vmem>>) offsets(%arg5 : memref<512xi32, #tpu.memory_space<vmem>>) semaphore(%arg7 : memref<!tpu.dma_semaphore, #tpu.memory_space<semaphore_mem>>)
    %dma_wait3A_62 = arith.constant 0 : i32
    %dma_wait3A_63 = arith.constant 0 : i32
    %dma_wait3A_64 = tpu.memref_slice %arg2[%dma_wait3A_62, %dma_wait3A_63] : memref<32768x128xf32, #tpu.memory_space<hbm>> -> memref<32768x128xf32, #tpu.memory_space<hbm>>
    tpu.wait_indirect_dma semaphore(%arg7 : memref<!tpu.dma_semaphore, #tpu.memory_space<semaphore_mem>>) src(%dma_wait3A_64 : memref<32768x128xf32, #tpu.memory_space<hbm>>) dst(%arg6 : memref<512x128xf32, #tpu.memory_space<vmem>>)
    "tpu.region"() ({
      %run_scoped3A = tpu.sem_alloc : memref<!tpu.dma_semaphore, #tpu.memory_space<semaphore_mem>>
      %dma_start3A_65 = arith.constant 0 : i32
      %dma_start3A_66 = tpu.memref_slice %arg4[%add3A_58, %dma_start3A_65] : memref<131072x128xf32, #tpu.memory_space<hbm>> -> memref<512x128xf32, #tpu.memory_space<hbm>>
      %dma_start3A_67 = arith.constant 0 : i32
      %dma_start3A_68 = tpu.memref_slice %arg4[%add3A_58, %dma_start3A_67] : memref<131072x128xf32, #tpu.memory_space<hbm>> -> memref<512x128xf32, #tpu.memory_space<hbm>>
      tpu.enqueue_dma source(%arg6 : memref<512x128xf32, #tpu.memory_space<vmem>>) target(%dma_start3A_68 : memref<512x128xf32, #tpu.memory_space<hbm>>) target_semaphore(%run_scoped3A : memref<!tpu.dma_semaphore, #tpu.memory_space<semaphore_mem>>)
      %dma_wait3A_69 = arith.constant 0 : i32
      %dma_wait3A_70 = tpu.memref_slice %arg4[%add3A_58, %dma_wait3A_69] : memref<131072x128xf32, #tpu.memory_space<hbm>> -> memref<512x128xf32, #tpu.memory_space<hbm>>
      %dma_wait3A_71 = arith.constant 0 : i32
      %dma_wait3A_72 = tpu.memref_slice %arg4[%add3A_58, %dma_wait3A_71] : memref<131072x128xf32, #tpu.memory_space<hbm>> -> memref<512x128xf32, #tpu.memory_space<hbm>>
      tpu.wait_dma2 semaphore(%run_scoped3A : memref<!tpu.dma_semaphore, #tpu.memory_space<semaphore_mem>>) src(%arg6 : memref<512x128xf32, #tpu.memory_space<vmem>>) dst(%dma_wait3A_72 : memref<512x128xf32, #tpu.memory_space<hbm>>)
      tpu.yield
    }) : () -> ()
    return
  }
}

module attributes {stable_mosaic.version = 14 : i64} {
  func.func @_fps_body(%arg0: memref<8x3x4096xf32, #tpu.memory_space<vmem>>, %arg1: memref<512x1x8x3xf32, #tpu.memory_space<vmem>>) attributes {dimension_semantics = [], scalar_prefetch = 0 : i64, scratch_operands = 0 : i64, tpu.core_type = #tpu.core_type<tc>} {
    %get3A = arith.constant 0 : index
    %get3A_0 = arith.constant 0 : index
    %get3A_1 = arith.constant 0 : index
    %get3A_2 = vector.load %arg0[%get3A, %get3A_0, %get3A_1] : memref<8x3x4096xf32, #tpu.memory_space<vmem>>, vector<8x1x4096xf32>
    %get3A_3 = vector.shape_cast %get3A_2 : vector<8x1x4096xf32> to vector<8x4096xf32>
    %get3A_4 = arith.constant 0 : index
    %get3A_5 = arith.constant 1 : index
    %get3A_6 = arith.constant 0 : index
    %get3A_7 = vector.load %arg0[%get3A_4, %get3A_5, %get3A_6] : memref<8x3x4096xf32, #tpu.memory_space<vmem>>, vector<8x1x4096xf32>
    %get3A_8 = vector.shape_cast %get3A_7 : vector<8x1x4096xf32> to vector<8x4096xf32>
    %get3A_9 = arith.constant 0 : index
    %get3A_10 = arith.constant 2 : index
    %get3A_11 = arith.constant 0 : index
    %get3A_12 = vector.load %arg0[%get3A_9, %get3A_10, %get3A_11] : memref<8x3x4096xf32, #tpu.memory_space<vmem>>, vector<8x1x4096xf32>
    %get3A_13 = vector.shape_cast %get3A_12 : vector<8x1x4096xf32> to vector<8x4096xf32>
    %iota3A = tpu.iota {dimensions = array<i32: 1>} : vector<8x4096xi32>
    %broadcast_in_dim3A = arith.constant 1.000000e+10 : f32
    %broadcast_in_dim3A_14 = vector.broadcast %broadcast_in_dim3A : f32 to vector<8x4096xf32>
    %broadcast_in_dim3A_15 = arith.constant 0 : i32
    %broadcast_in_dim3A_16 = vector.broadcast %broadcast_in_dim3A_15 : i32 to vector<8x1xi32>
    %scan3A = arith.constant 0 : i32
    %scan3A_17 = arith.constant 512 : i32
    %scan3A_18 = arith.addi %scan3A, %scan3A_17 : i32
    %scan3A_19 = arith.constant 1 : i32
    %scan3A_20:2 = scf.for %scan3A_22 = %scan3A to %scan3A_18 step %scan3A_19 iter_args(%scan3A_23 = %broadcast_in_dim3A_14, %scan3A_24 = %broadcast_in_dim3A_16) -> (vector<8x4096xf32>, vector<8x1xi32>)  : i32 {
      %eq3A = vector.broadcast %scan3A_24 : vector<8x1xi32> to vector<8x4096xi32>
      %eq3A_25 = arith.cmpi eq, %iota3A, %eq3A : vector<8x4096xi32>
      %jit3A = arith.constant 0.000000e+00 : f32
      %broadcast_in_dim3A_26 = vector.broadcast %jit3A : f32 to vector<8x4096xf32>
      %select_n3A = arith.select %eq3A_25, %get3A_3, %broadcast_in_dim3A_26 : vector<8x4096xi1>, vector<8x4096xf32>
      %reduce_sum3A = arith.constant dense<0.000000e+00> : vector<8xf32>
      %reduce_sum3A_27 = vector.multi_reduction <add>, %select_n3A, %reduce_sum3A [1] : vector<8x4096xf32> to vector<8xf32>
      %broadcast_in_dim3A_28 = vector.shape_cast %reduce_sum3A_27 : vector<8xf32> to vector<8x1xf32>
      %jit3A_29 = arith.constant 0.000000e+00 : f32
      %broadcast_in_dim3A_30 = vector.broadcast %jit3A_29 : f32 to vector<8x4096xf32>
      %select_n3A_31 = arith.select %eq3A_25, %get3A_8, %broadcast_in_dim3A_30 : vector<8x4096xi1>, vector<8x4096xf32>
      %reduce_sum3A_32 = arith.constant dense<0.000000e+00> : vector<8xf32>
      %reduce_sum3A_33 = vector.multi_reduction <add>, %select_n3A_31, %reduce_sum3A_32 [1] : vector<8x4096xf32> to vector<8xf32>
      %broadcast_in_dim3A_34 = vector.shape_cast %reduce_sum3A_33 : vector<8xf32> to vector<8x1xf32>
      %jit3A_35 = arith.constant 0.000000e+00 : f32
      %broadcast_in_dim3A_36 = vector.broadcast %jit3A_35 : f32 to vector<8x4096xf32>
      %select_n3A_37 = arith.select %eq3A_25, %get3A_13, %broadcast_in_dim3A_36 : vector<8x4096xi1>, vector<8x4096xf32>
      %reduce_sum3A_38 = arith.constant dense<0.000000e+00> : vector<8xf32>
      %reduce_sum3A_39 = vector.multi_reduction <add>, %select_n3A_37, %reduce_sum3A_38 [1] : vector<8x4096xf32> to vector<8xf32>
      %broadcast_in_dim3A_40 = vector.shape_cast %reduce_sum3A_39 : vector<8xf32> to vector<8x1xf32>
      %sub3A = vector.broadcast %broadcast_in_dim3A_28 : vector<8x1xf32> to vector<8x4096xf32>
      %sub3A_41 = arith.subf %get3A_3, %sub3A : vector<8x4096xf32>
      %integer_pow3A = arith.mulf %sub3A_41, %sub3A_41 : vector<8x4096xf32>
      %sub3A_42 = vector.broadcast %broadcast_in_dim3A_34 : vector<8x1xf32> to vector<8x4096xf32>
      %sub3A_43 = arith.subf %get3A_8, %sub3A_42 : vector<8x4096xf32>
      %integer_pow3A_44 = arith.mulf %sub3A_43, %sub3A_43 : vector<8x4096xf32>
      %add3A = arith.addf %integer_pow3A, %integer_pow3A_44 : vector<8x4096xf32>
      %sub3A_45 = vector.broadcast %broadcast_in_dim3A_40 : vector<8x1xf32> to vector<8x4096xf32>
      %sub3A_46 = arith.subf %get3A_13, %sub3A_45 : vector<8x4096xf32>
      %integer_pow3A_47 = arith.mulf %sub3A_46, %sub3A_46 : vector<8x4096xf32>
      %add3A_48 = arith.addf %add3A, %integer_pow3A_47 : vector<8x4096xf32>
      %min3A = arith.minimumf %scan3A_23, %add3A_48 : vector<8x4096xf32>
      %reduce_max3A = arith.constant dense<0xFF800000> : vector<8xf32>
      %reduce_max3A_49 = vector.multi_reduction <maximumf>, %min3A, %reduce_max3A [1] : vector<8x4096xf32> to vector<8xf32>
      %broadcast_in_dim3A_50 = vector.shape_cast %reduce_max3A_49 : vector<8xf32> to vector<8x1xf32>
      %eq3A_51 = vector.broadcast %broadcast_in_dim3A_50 : vector<8x1xf32> to vector<8x4096xf32>
      %eq3A_52 = arith.cmpf oeq, %min3A, %eq3A_51 : vector<8x4096xf32>
      %jit3A_53 = arith.constant 4096 : i32
      %broadcast_in_dim3A_54 = vector.broadcast %jit3A_53 : i32 to vector<8x4096xi32>
      %select_n3A_55 = arith.select %eq3A_52, %iota3A, %broadcast_in_dim3A_54 : vector<8x4096xi1>, vector<8x4096xi32>
      %reduce_min3A = arith.constant dense<2147483647> : vector<8xi32>
      %reduce_min3A_56 = vector.multi_reduction <minsi>, %select_n3A_55, %reduce_min3A [1] : vector<8x4096xi32> to vector<8xi32>
      %broadcast_in_dim3A_57 = vector.shape_cast %reduce_min3A_56 : vector<8xi32> to vector<8x1xi32>
      %concatenate3A = tpu.concatenate %broadcast_in_dim3A_28, %broadcast_in_dim3A_34, %broadcast_in_dim3A_40 in 1 : vector<8x1xf32>, vector<8x1xf32>, vector<8x1xf32> -> vector<8x3xf32>
      %broadcast_in_dim3A_58 = vector.shape_cast %concatenate3A : vector<8x3xf32> to vector<1x8x3xf32>
      %swap3A = arith.index_cast %scan3A_22 : i32 to index
      %swap3A_59 = arith.constant 0 : index
      %swap3A_60 = arith.constant 0 : index
      %swap3A_61 = arith.constant 0 : index
      %swap3A_62 = vector.load %arg1[%swap3A, %swap3A_59, %swap3A_60, %swap3A_61] : memref<512x1x8x3xf32, #tpu.memory_space<vmem>>, vector<1x1x8x3xf32>
      %swap3A_63 = vector.shape_cast %swap3A_62 : vector<1x1x8x3xf32> to vector<1x8x3xf32>
      %swap3A_64 = vector.shape_cast %broadcast_in_dim3A_58 : vector<1x8x3xf32> to vector<1x1x8x3xf32>
      tpu.vector_store %arg1[%swap3A, %swap3A_59, %swap3A_60, %swap3A_61], %swap3A_64 {strides = array<i32>} : memref<512x1x8x3xf32, #tpu.memory_space<vmem>>, vector<1x1x8x3xf32>,
      scf.yield %min3A, %broadcast_in_dim3A_57 : vector<8x4096xf32>, vector<8x1xi32>
    }
    %scan3A_21 = arith.constant 512 : i32
    return
  }
}

module attributes {stable_mosaic.version = 14 : i64} {
  func.func @_sa_pre_body(%arg0: i32, %arg1: memref<1x4096x3xf32, #tpu.memory_space<vmem>>, %arg2: memref<1x3x4096xf32, #tpu.memory_space<vmem>>, %arg3: memref<1x4096x3xf32, #tpu.memory_space<vmem>>, %arg4: memref<1x512x3xf32, #tpu.memory_space<vmem>>, %arg5: memref<6x64xf32, #tpu.memory_space<vmem>>, %arg6: memref<1x4096x128xf32, #tpu.memory_space<vmem>>, %arg7: memref<1x512x64xf32, #tpu.memory_space<vmem>>, %arg8: memref<1x512x1xi32, #tpu.memory_space<vmem>>, %arg9: memref<1x512x32xi32, #tpu.memory_space<vmem>>) attributes {dimension_semantics = [#tpu.dimension_semantics<arbitrary>], iteration_bounds = array<i64: 8>, scalar_prefetch = 0 : i64, scratch_operands = 0 : i64, tpu.core_type = #tpu.core_type<tc>, window_params = [{transform_indices = @transform_0, window_bounds = array<i64: 1, 4096, 3>}, {transform_indices = @transform_1, window_bounds = array<i64: 1, 3, 4096>}, {transform_indices = @transform_2, window_bounds = array<i64: 1, 4096, 3>}, {transform_indices = @transform_3, window_bounds = array<i64: 1, 512, 3>}, {pipeline_mode = #tpu.pipeline_mode<synchronous>, transform_indices = @transform_4, window_bounds = array<i64: 6, 64>}, {transform_indices = @transform_5, window_bounds = array<i64: 1, 4096, 128>}, {transform_indices = @transform_6, window_bounds = array<i64: 1, 512, 64>}, {transform_indices = @transform_7, window_bounds = array<i64: 1, 512, 1>}, {transform_indices = @transform_8, window_bounds = array<i64: 1, 512, 32>}]} {
    %get3A = arith.constant 0 : index
    %get3A_0 = arith.constant 0 : index
    %get3A_1 = arith.constant 0 : index
    %get3A_2 = vector.load %arg1[%get3A, %get3A_0, %get3A_1] : memref<1x4096x3xf32, #tpu.memory_space<vmem>>, vector<1x4096x3xf32>
    %get3A_3 = vector.shape_cast %get3A_2 : vector<1x4096x3xf32> to vector<4096x3xf32>
    %get3A_4 = arith.constant 0 : index
    %get3A_5 = arith.constant 0 : index
    %get3A_6 = arith.constant 0 : index
    %get3A_7 = vector.load %arg2[%get3A_4, %get3A_5, %get3A_6] : memref<1x3x4096xf32, #tpu.memory_space<vmem>>, vector<1x3x4096xf32>
    %get3A_8 = vector.shape_cast %get3A_7 : vector<1x3x4096xf32> to vector<3x4096xf32>
    %get3A_9 = arith.constant 0 : index
    %get3A_10 = arith.constant 0 : index
    %get3A_11 = arith.constant 0 : index
    %get3A_12 = vector.load %arg3[%get3A_9, %get3A_10, %get3A_11] : memref<1x4096x3xf32, #tpu.memory_space<vmem>>, vector<1x4096x3xf32>
    %get3A_13 = vector.shape_cast %get3A_12 : vector<1x4096x3xf32> to vector<4096x3xf32>
    %get3A_14 = arith.constant 0 : index
    %get3A_15 = arith.constant 0 : index
    %get3A_16 = arith.constant 0 : index
    %get3A_17 = vector.load %arg4[%get3A_14, %get3A_15, %get3A_16] : memref<1x512x3xf32, #tpu.memory_space<vmem>>, vector<1x512x3xf32>
    %get3A_18 = vector.shape_cast %get3A_17 : vector<1x512x3xf32> to vector<512x3xf32>
    %get3A_19 = arith.constant 0 : index
    %get3A_20 = arith.constant 0 : index
    %get3A_21 = vector.load %arg5[%get3A_19, %get3A_20] : memref<6x64xf32, #tpu.memory_space<vmem>>, vector<6x64xf32>
    %concatenate3A = tpu.concatenate %get3A_3, %get3A_13 in 1 : vector<4096x3xf32>, vector<4096x3xf32> -> vector<4096x6xf32>
    %dot_general3A = arith.constant dense<0.000000e+00> : vector<4096x64xf32>
    %dot_general3A_22 = tpu.matmul %concatenate3A, %get3A_21, %dot_general3A {dimension_numbers = #tpu.dot_dimension_numbers<[1], [0], [0], [1], [0, 0, 1, 1], [], []>, transpose_lhs_hint = false} : vector<4096x6xf32>, vector<6x64xf32>, vector<4096x64xf32> -> vector<4096x64xf32>
    %broadcast_in_dim3A = arith.constant 0.000000e+00 : f32
    %broadcast_in_dim3A_23 = vector.broadcast %broadcast_in_dim3A : f32 to vector<4096x64xf32>
    %concatenate3A_24 = tpu.concatenate %dot_general3A_22, %broadcast_in_dim3A_23 in 1 : vector<4096x64xf32>, vector<4096x64xf32> -> vector<4096x128xf32>
    %swap3A = arith.constant 0 : index
    %swap3A_25 = arith.constant 0 : index
    %swap3A_26 = arith.constant 0 : index
    %swap3A_27 = vector.load %arg6[%swap3A, %swap3A_25, %swap3A_26] : memref<1x4096x128xf32, #tpu.memory_space<vmem>>, vector<1x4096x128xf32>
    %swap3A_28 = vector.shape_cast %swap3A_27 : vector<1x4096x128xf32> to vector<4096x128xf32>
    %swap3A_29 = vector.shape_cast %concatenate3A_24 : vector<4096x128xf32> to vector<1x4096x128xf32>
    tpu.vector_store %arg6[%swap3A, %swap3A_25, %swap3A_26], %swap3A_29 {strides = array<i32>} : memref<1x4096x128xf32, #tpu.memory_space<vmem>>, vector<1x4096x128xf32>,
    %slice3A = vector.extract_strided_slice %get3A_21 {offsets = [0, 0], sizes = [3, 64], strides = [1, 1]} : vector<6x64xf32> to vector<3x64xf32>
    %dot_general3A_30 = arith.constant dense<0.000000e+00> : vector<512x64xf32>
    %dot_general3A_31 = tpu.matmul %get3A_18, %slice3A, %dot_general3A_30 {dimension_numbers = #tpu.dot_dimension_numbers<[1], [0], [0], [1], [0, 0, 1, 1], [], []>, transpose_lhs_hint = false} : vector<512x3xf32>, vector<3x64xf32>, vector<512x64xf32> -> vector<512x64xf32>
    %swap3A_32 = arith.constant 0 : index
    %swap3A_33 = arith.constant 0 : index
    %swap3A_34 = arith.constant 0 : index
    %swap3A_35 = vector.load %arg7[%swap3A_32, %swap3A_33, %swap3A_34] : memref<1x512x64xf32, #tpu.memory_space<vmem>>, vector<1x512x64xf32>
    %swap3A_36 = vector.shape_cast %swap3A_35 : vector<1x512x64xf32> to vector<512x64xf32>
    %swap3A_37 = vector.shape_cast %dot_general3A_31 : vector<512x64xf32> to vector<1x512x64xf32>
    tpu.vector_store %arg7[%swap3A_32, %swap3A_33, %swap3A_34], %swap3A_37 {strides = array<i32>} : memref<1x512x64xf32, #tpu.memory_space<vmem>>, vector<1x512x64xf32>,
    %mul3A = arith.mulf %get3A_18, %get3A_18 : vector<512x3xf32>
    %reduce_sum3A = arith.constant dense<0.000000e+00> : vector<512xf32>
    %reduce_sum3A_38 = vector.multi_reduction <add>, %mul3A, %reduce_sum3A [1] : vector<512x3xf32> to vector<512xf32>
    %broadcast_in_dim3A_39 = vector.shape_cast %reduce_sum3A_38 : vector<512xf32> to vector<512x1xf32>
    %mul3A_40 = arith.mulf %get3A_8, %get3A_8 : vector<3x4096xf32>
    %reduce_sum3A_41 = arith.constant dense<0.000000e+00> : vector<4096xf32>
    %reduce_sum3A_42 = vector.multi_reduction <add>, %mul3A_40, %reduce_sum3A_41 [0] : vector<3x4096xf32> to vector<4096xf32>
    %broadcast_in_dim3A_43 = vector.shape_cast %reduce_sum3A_42 : vector<4096xf32> to vector<1x4096xf32>
    %dot_general3A_44 = arith.constant dense<0.000000e+00> : vector<512x4096xf32>
    %dot_general3A_45 = tpu.matmul %get3A_18, %get3A_8, %dot_general3A_44 {dimension_numbers = #tpu.dot_dimension_numbers<[1], [0], [0], [1], [0, 0, 1, 1], [], []>, transpose_lhs_hint = false} : vector<512x3xf32>, vector<3x4096xf32>, vector<512x4096xf32> -> vector<512x4096xf32>
    %add3A = vector.broadcast %broadcast_in_dim3A_39 : vector<512x1xf32> to vector<512x4096xf32>
    %add3A_46 = vector.broadcast %broadcast_in_dim3A_43 : vector<1x4096xf32> to vector<512x4096xf32>
    %add3A_47 = arith.addf %add3A, %add3A_46 : vector<512x4096xf32>
    %mul3A_48 = arith.constant 2.000000e+00 : f32
    %mul3A_49 = vector.broadcast %mul3A_48 : f32 to vector<512x4096xf32>
    %mul3A_50 = arith.mulf %mul3A_49, %dot_general3A_45 : vector<512x4096xf32>
    %sub3A = arith.subf %add3A_47, %mul3A_50 : vector<512x4096xf32>
    %le3A = arith.constant 4.000000e-02 : f32
    %le3A_51 = vector.broadcast %le3A : f32 to vector<512x4096xf32>
    %le3A_52 = arith.cmpf ole, %sub3A, %le3A_51 : vector<512x4096xf32>
    %convert_element_type3A = arith.extui %le3A_52 : vector<512x4096xi1> to vector<512x4096xi16>
    %broadcast_in_dim3A_53 = arith.constant 0 : i16
    %broadcast_in_dim3A_54 = vector.broadcast %broadcast_in_dim3A_53 : i16 to vector<512x1xi16>
    %slice3A_55 = vector.extract_strided_slice %convert_element_type3A {offsets = [0, 0], sizes = [512, 4095], strides = [1, 1]} : vector<512x4096xi16> to vector<512x4095xi16>
    %concatenate3A_56 = tpu.concatenate %broadcast_in_dim3A_54, %slice3A_55 in 1 : vector<512x1xi16>, vector<512x4095xi16> -> vector<512x4096xi16>
    %add3A_57 = arith.addi %convert_element_type3A, %concatenate3A_56 : vector<512x4096xi16>
    %broadcast_in_dim3A_58 = arith.constant 0 : i16
    %broadcast_in_dim3A_59 = vector.broadcast %broadcast_in_dim3A_58 : i16 to vector<512x2xi16>
    %slice3A_60 = vector.extract_strided_slice %add3A_57 {offsets = [0, 0], sizes = [512, 4094], strides = [1, 1]} : vector<512x4096xi16> to vector<512x4094xi16>
    %concatenate3A_61 = tpu.concatenate %broadcast_in_dim3A_59, %slice3A_60 in 1 : vector<512x2xi16>, vector<512x4094xi16> -> vector<512x4096xi16>
    %add3A_62 = arith.addi %add3A_57, %concatenate3A_61 : vector<512x4096xi16>
    %broadcast_in_dim3A_63 = arith.constant 0 : i16
    %broadcast_in_dim3A_64 = vector.broadcast %broadcast_in_dim3A_63 : i16 to vector<512x4xi16>
    %slice3A_65 = vector.extract_strided_slice %add3A_62 {offsets = [0, 0], sizes = [512, 4092], strides = [1, 1]} : vector<512x4096xi16> to vector<512x4092xi16>
    %concatenate3A_66 = tpu.concatenate %broadcast_in_dim3A_64, %slice3A_65 in 1 : vector<512x4xi16>, vector<512x4092xi16> -> vector<512x4096xi16>
    %add3A_67 = arith.addi %add3A_62, %concatenate3A_66 : vector<512x4096xi16>
    %broadcast_in_dim3A_68 = arith.constant 0 : i16
    %broadcast_in_dim3A_69 = vector.broadcast %broadcast_in_dim3A_68 : i16 to vector<512x8xi16>
    %slice3A_70 = vector.extract_strided_slice %add3A_67 {offsets = [0, 0], sizes = [512, 4088], strides = [1, 1]} : vector<512x4096xi16> to vector<512x4088xi16>
    %concatenate3A_71 = tpu.concatenate %broadcast_in_dim3A_69, %slice3A_70 in 1 : vector<512x8xi16>, vector<512x4088xi16> -> vector<512x4096xi16>
    %add3A_72 = arith.addi %add3A_67, %concatenate3A_71 : vector<512x4096xi16>
    %broadcast_in_dim3A_73 = arith.constant 0 : i16
    %broadcast_in_dim3A_74 = vector.broadcast %broadcast_in_dim3A_73 : i16 to vector<512x16xi16>
    %slice3A_75 = vector.extract_strided_slice %add3A_72 {offsets = [0, 0], sizes = [512, 4080], strides = [1, 1]} : vector<512x4096xi16> to vector<512x4080xi16>
    %concatenate3A_76 = tpu.concatenate %broadcast_in_dim3A_74, %slice3A_75 in 1 : vector<512x16xi16>, vector<512x4080xi16> -> vector<512x4096xi16>
    %add3A_77 = arith.addi %add3A_72, %concatenate3A_76 : vector<512x4096xi16>
    %broadcast_in_dim3A_78 = arith.constant 0 : i16
    %broadcast_in_dim3A_79 = vector.broadcast %broadcast_in_dim3A_78 : i16 to vector<512x32xi16>
    %slice3A_80 = vector.extract_strided_slice %add3A_77 {offsets = [0, 0], sizes = [512, 4064], strides = [1, 1]} : vector<512x4096xi16> to vector<512x4064xi16>
    %concatenate3A_81 = tpu.concatenate %broadcast_in_dim3A_79, %slice3A_80 in 1 : vector<512x32xi16>, vector<512x4064xi16> -> vector<512x4096xi16>
    %add3A_82 = arith.addi %add3A_77, %concatenate3A_81 : vector<512x4096xi16>
    %broadcast_in_dim3A_83 = arith.constant 0 : i16
    %broadcast_in_dim3A_84 = vector.broadcast %broadcast_in_dim3A_83 : i16 to vector<512x64xi16>
    %slice3A_85 = vector.extract_strided_slice %add3A_82 {offsets = [0, 0], sizes = [512, 4032], strides = [1, 1]} : vector<512x4096xi16> to vector<512x4032xi16>
    %concatenate3A_86 = tpu.concatenate %broadcast_in_dim3A_84, %slice3A_85 in 1 : vector<512x64xi16>, vector<512x4032xi16> -> vector<512x4096xi16>
    %add3A_87 = arith.addi %add3A_82, %concatenate3A_86 : vector<512x4096xi16>
    %broadcast_in_dim3A_88 = arith.constant 0 : i16
    %broadcast_in_dim3A_89 = vector.broadcast %broadcast_in_dim3A_88 : i16 to vector<512x128xi16>
    %slice3A_90 = vector.extract_strided_slice %add3A_87 {offsets = [0, 0], sizes = [512, 3968], strides = [1, 1]} : vector<512x4096xi16> to vector<512x3968xi16>
    %concatenate3A_91 = tpu.concatenate %broadcast_in_dim3A_89, %slice3A_90 in 1 : vector<512x128xi16>, vector<512x3968xi16> -> vector<512x4096xi16>
    %add3A_92 = arith.addi %add3A_87, %concatenate3A_91 : vector<512x4096xi16>
    %broadcast_in_dim3A_93 = arith.constant 0 : i16
    %broadcast_in_dim3A_94 = vector.broadcast %broadcast_in_dim3A_93 : i16 to vector<512x256xi16>
    %slice3A_95 = vector.extract_strided_slice %add3A_92 {offsets = [0, 0], sizes = [512, 3840], strides = [1, 1]} : vector<512x4096xi16> to vector<512x3840xi16>
    %concatenate3A_96 = tpu.concatenate %broadcast_in_dim3A_94, %slice3A_95 in 1 : vector<512x256xi16>, vector<512x3840xi16> -> vector<512x4096xi16>
    %add3A_97 = arith.addi %add3A_92, %concatenate3A_96 : vector<512x4096xi16>
    %broadcast_in_dim3A_98 = arith.constant 0 : i16
    %broadcast_in_dim3A_99 = vector.broadcast %broadcast_in_dim3A_98 : i16 to vector<512x512xi16>
    %slice3A_100 = vector.extract_strided_slice %add3A_97 {offsets = [0, 0], sizes = [512, 3584], strides = [1, 1]} : vector<512x4096xi16> to vector<512x3584xi16>
    %concatenate3A_101 = tpu.concatenate %broadcast_in_dim3A_99, %slice3A_100 in 1 : vector<512x512xi16>, vector<512x3584xi16> -> vector<512x4096xi16>
    %add3A_102 = arith.addi %add3A_97, %concatenate3A_101 : vector<512x4096xi16>
    %broadcast_in_dim3A_103 = arith.constant 0 : i16
    %broadcast_in_dim3A_104 = vector.broadcast %broadcast_in_dim3A_103 : i16 to vector<512x1024xi16>
    %slice3A_105 = vector.extract_strided_slice %add3A_102 {offsets = [0, 0], sizes = [512, 3072], strides = [1, 1]} : vector<512x4096xi16> to vector<512x3072xi16>
    %concatenate3A_106 = tpu.concatenate %broadcast_in_dim3A_104, %slice3A_105 in 1 : vector<512x1024xi16>, vector<512x3072xi16> -> vector<512x4096xi16>
    %add3A_107 = arith.addi %add3A_102, %concatenate3A_106 : vector<512x4096xi16>
    %broadcast_in_dim3A_108 = arith.constant 0 : i16
    %broadcast_in_dim3A_109 = vector.broadcast %broadcast_in_dim3A_108 : i16 to vector<512x2048xi16>
    %slice3A_110 = vector.extract_strided_slice %add3A_107 {offsets = [0, 0], sizes = [512, 2048], strides = [1, 1]} : vector<512x4096xi16> to vector<512x2048xi16>
    %concatenate3A_111 = tpu.concatenate %broadcast_in_dim3A_109, %slice3A_110 in 1 : vector<512x2048xi16>, vector<512x2048xi16> -> vector<512x4096xi16>
    %add3A_112 = arith.addi %add3A_107, %concatenate3A_111 : vector<512x4096xi16>
    %slice3A_113 = vector.extract_strided_slice %add3A_112 {offsets = [0, 4095], sizes = [512, 1], strides = [1, 1]} : vector<512x4096xi16> to vector<512x1xi16>
    %convert_element_type3A_114 = arith.extsi %slice3A_113 : vector<512x1xi16> to vector<512x1xi32>
    %swap3A_115 = arith.constant 0 : index
    %swap3A_116 = arith.constant 0 : index
    %swap3A_117 = arith.constant 0 : index
    %swap3A_118 = vector.load %arg8[%swap3A_115, %swap3A_116, %swap3A_117] : memref<1x512x1xi32, #tpu.memory_space<vmem>>, vector<1x512x1xi32>
    %swap3A_119 = vector.shape_cast %swap3A_118 : vector<1x512x1xi32> to vector<512x1xi32>
    %swap3A_120 = vector.shape_cast %convert_element_type3A_114 : vector<512x1xi32> to vector<1x512x1xi32>
    tpu.vector_store %arg8[%swap3A_115, %swap3A_116, %swap3A_117], %swap3A_120 {strides = array<i32>} : memref<1x512x1xi32, #tpu.memory_space<vmem>>, vector<1x512x1xi32>,
    %jit3A = arith.constant 0 : i16
    %broadcast_in_dim3A_121 = vector.broadcast %jit3A : i16 to vector<512x4096xi16>
    %select_n3A = arith.select %le3A_52, %add3A_112, %broadcast_in_dim3A_121 : vector<512x4096xi1>, vector<512x4096xi16>
    %convert_element_type3A_122 = arith.sitofp %select_n3A : vector<512x4096xi16> to vector<512x4096xf32>
    %iota3A = tpu.iota {dimensions = array<i32: 1>} : vector<512x4096xi32>
    %convert_element_type3A_123 = arith.sitofp %iota3A : vector<512x4096xi32> to vector<512x4096xf32>
    %eq3A = arith.constant 1.000000e+00 : f32
    %eq3A_124 = vector.broadcast %eq3A : f32 to vector<512x4096xf32>
    %eq3A_125 = arith.cmpf oeq, %convert_element_type3A_122, %eq3A_124 : vector<512x4096xf32>
    %jit3A_126 = arith.constant 4.096000e+03 : f32
    %broadcast_in_dim3A_127 = vector.broadcast %jit3A_126 : f32 to vector<512x4096xf32>
    %select_n3A_128 = arith.select %eq3A_125, %convert_element_type3A_123, %broadcast_in_dim3A_127 : vector<512x4096xi1>, vector<512x4096xf32>
    %reduce_min3A = arith.constant dense<0x7F800000> : vector<512xf32>
    %reduce_min3A_129 = vector.multi_reduction <minimumf>, %select_n3A_128, %reduce_min3A [1] : vector<512x4096xf32> to vector<512xf32>
    %broadcast_in_dim3A_130 = vector.shape_cast %reduce_min3A_129 : vector<512xf32> to vector<512x1xf32>
    %eq3A_131 = arith.constant 2.000000e+00 : f32
    %eq3A_132 = vector.broadcast %eq3A_131 : f32 to vector<512x4096xf32>
    %eq3A_133 = arith.cmpf oeq, %convert_element_type3A_122, %eq3A_132 : vector<512x4096xf32>
    %jit3A_134 = arith.constant 4.096000e+03 : f32
    %broadcast_in_dim3A_135 = vector.broadcast %jit3A_134 : f32 to vector<512x4096xf32>
    %select_n3A_136 = arith.select %eq3A_133, %convert_element_type3A_123, %broadcast_in_dim3A_135 : vector<512x4096xi1>, vector<512x4096xf32>
    %reduce_min3A_137 = arith.constant dense<0x7F800000> : vector<512xf32>
    %reduce_min3A_138 = vector.multi_reduction <minimumf>, %select_n3A_136, %reduce_min3A_137 [1] : vector<512x4096xf32> to vector<512xf32>
    %broadcast_in_dim3A_139 = vector.shape_cast %reduce_min3A_138 : vector<512xf32> to vector<512x1xf32>
    %eq3A_140 = arith.constant 3.000000e+00 : f32
    %eq3A_141 = vector.broadcast %eq3A_140 : f32 to vector<512x4096xf32>
    %eq3A_142 = arith.cmpf oeq, %convert_element_type3A_122, %eq3A_141 : vector<512x4096xf32>
    %jit3A_143 = arith.constant 4.096000e+03 : f32
    %broadcast_in_dim3A_144 = vector.broadcast %jit3A_143 : f32 to vector<512x4096xf32>
    %select_n3A_145 = arith.select %eq3A_142, %convert_element_type3A_123, %broadcast_in_dim3A_144 : vector<512x4096xi1>, vector<512x4096xf32>
    %reduce_min3A_146 = arith.constant dense<0x7F800000> : vector<512xf32>
    %reduce_min3A_147 = vector.multi_reduction <minimumf>, %select_n3A_145, %reduce_min3A_146 [1] : vector<512x4096xf32> to vector<512xf32>
    %broadcast_in_dim3A_148 = vector.shape_cast %reduce_min3A_147 : vector<512xf32> to vector<512x1xf32>
    %eq3A_149 = arith.constant 4.000000e+00 : f32
    %eq3A_150 = vector.broadcast %eq3A_149 : f32 to vector<512x4096xf32>
    %eq3A_151 = arith.cmpf oeq, %convert_element_type3A_122, %eq3A_150 : vector<512x4096xf32>
    %jit3A_152 = arith.constant 4.096000e+03 : f32
    %broadcast_in_dim3A_153 = vector.broadcast %jit3A_152 : f32 to vector<512x4096xf32>
    %select_n3A_154 = arith.select %eq3A_151, %convert_element_type3A_123, %broadcast_in_dim3A_153 : vector<512x4096xi1>, vector<512x4096xf32>
    %reduce_min3A_155 = arith.constant dense<0x7F800000> : vector<512xf32>
    %reduce_min3A_156 = vector.multi_reduction <minimumf>, %select_n3A_154, %reduce_min3A_155 [1] : vector<512x4096xf32> to vector<512xf32>
    %broadcast_in_dim3A_157 = vector.shape_cast %reduce_min3A_156 : vector<512xf32> to vector<512x1xf32>
    %eq3A_158 = arith.constant 5.000000e+00 : f32
    %eq3A_159 = vector.broadcast %eq3A_158 : f32 to vector<512x4096xf32>
    %eq3A_160 = arith.cmpf oeq, %convert_element_type3A_122, %eq3A_159 : vector<512x4096xf32>
    %jit3A_161 = arith.constant 4.096000e+03 : f32
    %broadcast_in_dim3A_162 = vector.broadcast %jit3A_161 : f32 to vector<512x4096xf32>
    %select_n3A_163 = arith.select %eq3A_160, %convert_element_type3A_123, %broadcast_in_dim3A_162 : vector<512x4096xi1>, vector<512x4096xf32>
    %reduce_min3A_164 = arith.constant dense<0x7F800000> : vector<512xf32>
    %reduce_min3A_165 = vector.multi_reduction <minimumf>, %select_n3A_163, %reduce_min3A_164 [1] : vector<512x4096xf32> to vector<512xf32>
    %broadcast_in_dim3A_166 = vector.shape_cast %reduce_min3A_165 : vector<512xf32> to vector<512x1xf32>
    %eq3A_167 = arith.constant 6.000000e+00 : f32
    %eq3A_168 = vector.broadcast %eq3A_167 : f32 to vector<512x4096xf32>
    %eq3A_169 = arith.cmpf oeq, %convert_element_type3A_122, %eq3A_168 : vector<512x4096xf32>
    %jit3A_170 = arith.constant 4.096000e+03 : f32
    %broadcast_in_dim3A_171 = vector.broadcast %jit3A_170 : f32 to vector<512x4096xf32>
    %select_n3A_172 = arith.select %eq3A_169, %convert_element_type3A_123, %broadcast_in_dim3A_171 : vector<512x4096xi1>, vector<512x4096xf32>
    %reduce_min3A_173 = arith.constant dense<0x7F800000> : vector<512xf32>
    %reduce_min3A_174 = vector.multi_reduction <minimumf>, %select_n3A_172, %reduce_min3A_173 [1] : vector<512x4096xf32> to vector<512xf32>
    %broadcast_in_dim3A_175 = vector.shape_cast %reduce_min3A_174 : vector<512xf32> to vector<512x1xf32>
    %eq3A_176 = arith.constant 7.000000e+00 : f32
    %eq3A_177 = vector.broadcast %eq3A_176 : f32 to vector<512x4096xf32>
    %eq3A_178 = arith.cmpf oeq, %convert_element_type3A_122, %eq3A_177 : vector<512x4096xf32>
    %jit3A_179 = arith.constant 4.096000e+03 : f32
    %broadcast_in_dim3A_180 = vector.broadcast %jit3A_179 : f32 to vector<512x4096xf32>
    %select_n3A_181 = arith.select %eq3A_178, %convert_element_type3A_123, %broadcast_in_dim3A_180 : vector<512x4096xi1>, vector<512x4096xf32>
    %reduce_min3A_182 = arith.constant dense<0x7F800000> : vector<512xf32>
    %reduce_min3A_183 = vector.multi_reduction <minimumf>, %select_n3A_181, %reduce_min3A_182 [1] : vector<512x4096xf32> to vector<512xf32>
    %broadcast_in_dim3A_184 = vector.shape_cast %reduce_min3A_183 : vector<512xf32> to vector<512x1xf32>
    %eq3A_185 = arith.constant 8.000000e+00 : f32
    %eq3A_186 = vector.broadcast %eq3A_185 : f32 to vector<512x4096xf32>
    %eq3A_187 = arith.cmpf oeq, %convert_element_type3A_122, %eq3A_186 : vector<512x4096xf32>
    %jit3A_188 = arith.constant 4.096000e+03 : f32
    %broadcast_in_dim3A_189 = vector.broadcast %jit3A_188 : f32 to vector<512x4096xf32>
    %select_n3A_190 = arith.select %eq3A_187, %convert_element_type3A_123, %broadcast_in_dim3A_189 : vector<512x4096xi1>, vector<512x4096xf32>
    %reduce_min3A_191 = arith.constant dense<0x7F800000> : vector<512xf32>
    %reduce_min3A_192 = vector.multi_reduction <minimumf>, %select_n3A_190, %reduce_min3A_191 [1] : vector<512x4096xf32> to vector<512xf32>
    %broadcast_in_dim3A_193 = vector.shape_cast %reduce_min3A_192 : vector<512xf32> to vector<512x1xf32>
    %eq3A_194 = arith.constant 9.000000e+00 : f32
    %eq3A_195 = vector.broadcast %eq3A_194 : f32 to vector<512x4096xf32>
    %eq3A_196 = arith.cmpf oeq, %convert_element_type3A_122, %eq3A_195 : vector<512x4096xf32>
    %jit3A_197 = arith.constant 4.096000e+03 : f32
    %broadcast_in_dim3A_198 = vector.broadcast %jit3A_197 : f32 to vector<512x4096xf32>
    %select_n3A_199 = arith.select %eq3A_196, %convert_element_type3A_123, %broadcast_in_dim3A_198 : vector<512x4096xi1>, vector<512x4096xf32>
    %reduce_min3A_200 = arith.constant dense<0x7F800000> : vector<512xf32>
    %reduce_min3A_201 = vector.multi_reduction <minimumf>, %select_n3A_199, %reduce_min3A_200 [1] : vector<512x4096xf32> to vector<512xf32>
    %broadcast_in_dim3A_202 = vector.shape_cast %reduce_min3A_201 : vector<512xf32> to vector<512x1xf32>
    %eq3A_203 = arith.constant 1.000000e+01 : f32
    %eq3A_204 = vector.broadcast %eq3A_203 : f32 to vector<512x4096xf32>
    %eq3A_205 = arith.cmpf oeq, %convert_element_type3A_122, %eq3A_204 : vector<512x4096xf32>
    %jit3A_206 = arith.constant 4.096000e+03 : f32
    %broadcast_in_dim3A_207 = vector.broadcast %jit3A_206 : f32 to vector<512x4096xf32>
    %select_n3A_208 = arith.select %eq3A_205, %convert_element_type3A_123, %broadcast_in_dim3A_207 : vector<512x4096xi1>, vector<512x4096xf32>
    %reduce_min3A_209 = arith.constant dense<0x7F800000> : vector<512xf32>
    %reduce_min3A_210 = vector.multi_reduction <minimumf>, %select_n3A_208, %reduce_min3A_209 [1] : vector<512x4096xf32> to vector<512xf32>
    %broadcast_in_dim3A_211 = vector.shape_cast %reduce_min3A_210 : vector<512xf32> to vector<512x1xf32>
    %eq3A_212 = arith.constant 1.100000e+01 : f32
    %eq3A_213 = vector.broadcast %eq3A_212 : f32 to vector<512x4096xf32>
    %eq3A_214 = arith.cmpf oeq, %convert_element_type3A_122, %eq3A_213 : vector<512x4096xf32>
    %jit3A_215 = arith.constant 4.096000e+03 : f32
    %broadcast_in_dim3A_216 = vector.broadcast %jit3A_215 : f32 to vector<512x4096xf32>
    %select_n3A_217 = arith.select %eq3A_214, %convert_element_type3A_123, %broadcast_in_dim3A_216 : vector<512x4096xi1>, vector<512x4096xf32>
    %reduce_min3A_218 = arith.constant dense<0x7F800000> : vector<512xf32>
    %reduce_min3A_219 = vector.multi_reduction <minimumf>, %select_n3A_217, %reduce_min3A_218 [1] : vector<512x4096xf32> to vector<512xf32>
    %broadcast_in_dim3A_220 = vector.shape_cast %reduce_min3A_219 : vector<512xf32> to vector<512x1xf32>
    %eq3A_221 = arith.constant 1.200000e+01 : f32
    %eq3A_222 = vector.broadcast %eq3A_221 : f32 to vector<512x4096xf32>
    %eq3A_223 = arith.cmpf oeq, %convert_element_type3A_122, %eq3A_222 : vector<512x4096xf32>
    %jit3A_224 = arith.constant 4.096000e+03 : f32
    %broadcast_in_dim3A_225 = vector.broadcast %jit3A_224 : f32 to vector<512x4096xf32>
    %select_n3A_226 = arith.select %eq3A_223, %convert_element_type3A_123, %broadcast_in_dim3A_225 : vector<512x4096xi1>, vector<512x4096xf32>
    %reduce_min3A_227 = arith.constant dense<0x7F800000> : vector<512xf32>
    %reduce_min3A_228 = vector.multi_reduction <minimumf>, %select_n3A_226, %reduce_min3A_227 [1] : vector<512x4096xf32> to vector<512xf32>
    %broadcast_in_dim3A_229 = vector.shape_cast %reduce_min3A_228 : vector<512xf32> to vector<512x1xf32>
    %eq3A_230 = arith.constant 1.300000e+01 : f32
    %eq3A_231 = vector.broadcast %eq3A_230 : f32 to vector<512x4096xf32>
    %eq3A_232 = arith.cmpf oeq, %convert_element_type3A_122, %eq3A_231 : vector<512x4096xf32>
    %jit3A_233 = arith.constant 4.096000e+03 : f32
    %broadcast_in_dim3A_234 = vector.broadcast %jit3A_233 : f32 to vector<512x4096xf32>
    %select_n3A_235 = arith.select %eq3A_232, %convert_element_type3A_123, %broadcast_in_dim3A_234 : vector<512x4096xi1>, vector<512x4096xf32>
    %reduce_min3A_236 = arith.constant dense<0x7F800000> : vector<512xf32>
    %reduce_min3A_237 = vector.multi_reduction <minimumf>, %select_n3A_235, %reduce_min3A_236 [1] : vector<512x4096xf32> to vector<512xf32>
    %broadcast_in_dim3A_238 = vector.shape_cast %reduce_min3A_237 : vector<512xf32> to vector<512x1xf32>
    %eq3A_239 = arith.constant 1.400000e+01 : f32
    %eq3A_240 = vector.broadcast %eq3A_239 : f32 to vector<512x4096xf32>
    %eq3A_241 = arith.cmpf oeq, %convert_element_type3A_122, %eq3A_240 : vector<512x4096xf32>
    %jit3A_242 = arith.constant 4.096000e+03 : f32
    %broadcast_in_dim3A_243 = vector.broadcast %jit3A_242 : f32 to vector<512x4096xf32>
    %select_n3A_244 = arith.select %eq3A_241, %convert_element_type3A_123, %broadcast_in_dim3A_243 : vector<512x4096xi1>, vector<512x4096xf32>
    %reduce_min3A_245 = arith.constant dense<0x7F800000> : vector<512xf32>
    %reduce_min3A_246 = vector.multi_reduction <minimumf>, %select_n3A_244, %reduce_min3A_245 [1] : vector<512x4096xf32> to vector<512xf32>
    %broadcast_in_dim3A_247 = vector.shape_cast %reduce_min3A_246 : vector<512xf32> to vector<512x1xf32>
    %eq3A_248 = arith.constant 1.500000e+01 : f32
    %eq3A_249 = vector.broadcast %eq3A_248 : f32 to vector<512x4096xf32>
    %eq3A_250 = arith.cmpf oeq, %convert_element_type3A_122, %eq3A_249 : vector<512x4096xf32>
    %jit3A_251 = arith.constant 4.096000e+03 : f32
    %broadcast_in_dim3A_252 = vector.broadcast %jit3A_251 : f32 to vector<512x4096xf32>
    %select_n3A_253 = arith.select %eq3A_250, %convert_element_type3A_123, %broadcast_in_dim3A_252 : vector<512x4096xi1>, vector<512x4096xf32>
    %reduce_min3A_254 = arith.constant dense<0x7F800000> : vector<512xf32>
    %reduce_min3A_255 = vector.multi_reduction <minimumf>, %select_n3A_253, %reduce_min3A_254 [1] : vector<512x4096xf32> to vector<512xf32>
    %broadcast_in_dim3A_256 = vector.shape_cast %reduce_min3A_255 : vector<512xf32> to vector<512x1xf32>
    %eq3A_257 = arith.constant 1.600000e+01 : f32
    %eq3A_258 = vector.broadcast %eq3A_257 : f32 to vector<512x4096xf32>
    %eq3A_259 = arith.cmpf oeq, %convert_element_type3A_122, %eq3A_258 : vector<512x4096xf32>
    %jit3A_260 = arith.constant 4.096000e+03 : f32
    %broadcast_in_dim3A_261 = vector.broadcast %jit3A_260 : f32 to vector<512x4096xf32>
    %select_n3A_262 = arith.select %eq3A_259, %convert_element_type3A_123, %broadcast_in_dim3A_261 : vector<512x4096xi1>, vector<512x4096xf32>
    %reduce_min3A_263 = arith.constant dense<0x7F800000> : vector<512xf32>
    %reduce_min3A_264 = vector.multi_reduction <minimumf>, %select_n3A_262, %reduce_min3A_263 [1] : vector<512x4096xf32> to vector<512xf32>
    %broadcast_in_dim3A_265 = vector.shape_cast %reduce_min3A_264 : vector<512xf32> to vector<512x1xf32>
    %eq3A_266 = arith.constant 1.700000e+01 : f32
    %eq3A_267 = vector.broadcast %eq3A_266 : f32 to vector<512x4096xf32>
    %eq3A_268 = arith.cmpf oeq, %convert_element_type3A_122, %eq3A_267 : vector<512x4096xf32>
    %jit3A_269 = arith.constant 4.096000e+03 : f32
    %broadcast_in_dim3A_270 = vector.broadcast %jit3A_269 : f32 to vector<512x4096xf32>
    %select_n3A_271 = arith.select %eq3A_268, %convert_element_type3A_123, %broadcast_in_dim3A_270 : vector<512x4096xi1>, vector<512x4096xf32>
    %reduce_min3A_272 = arith.constant dense<0x7F800000> : vector<512xf32>
    %reduce_min3A_273 = vector.multi_reduction <minimumf>, %select_n3A_271, %reduce_min3A_272 [1] : vector<512x4096xf32> to vector<512xf32>
    %broadcast_in_dim3A_274 = vector.shape_cast %reduce_min3A_273 : vector<512xf32> to vector<512x1xf32>
    %eq3A_275 = arith.constant 1.800000e+01 : f32
    %eq3A_276 = vector.broadcast %eq3A_275 : f32 to vector<512x4096xf32>
    %eq3A_277 = arith.cmpf oeq, %convert_element_type3A_122, %eq3A_276 : vector<512x4096xf32>
    %jit3A_278 = arith.constant 4.096000e+03 : f32
    %broadcast_in_dim3A_279 = vector.broadcast %jit3A_278 : f32 to vector<512x4096xf32>
    %select_n3A_280 = arith.select %eq3A_277, %convert_element_type3A_123, %broadcast_in_dim3A_279 : vector<512x4096xi1>, vector<512x4096xf32>
    %reduce_min3A_281 = arith.constant dense<0x7F800000> : vector<512xf32>
    %reduce_min3A_282 = vector.multi_reduction <minimumf>, %select_n3A_280, %reduce_min3A_281 [1] : vector<512x4096xf32> to vector<512xf32>
    %broadcast_in_dim3A_283 = vector.shape_cast %reduce_min3A_282 : vector<512xf32> to vector<512x1xf32>
    %eq3A_284 = arith.constant 1.900000e+01 : f32
    %eq3A_285 = vector.broadcast %eq3A_284 : f32 to vector<512x4096xf32>
    %eq3A_286 = arith.cmpf oeq, %convert_element_type3A_122, %eq3A_285 : vector<512x4096xf32>
    %jit3A_287 = arith.constant 4.096000e+03 : f32
    %broadcast_in_dim3A_288 = vector.broadcast %jit3A_287 : f32 to vector<512x4096xf32>
    %select_n3A_289 = arith.select %eq3A_286, %convert_element_type3A_123, %broadcast_in_dim3A_288 : vector<512x4096xi1>, vector<512x4096xf32>
    %reduce_min3A_290 = arith.constant dense<0x7F800000> : vector<512xf32>
    %reduce_min3A_291 = vector.multi_reduction <minimumf>, %select_n3A_289, %reduce_min3A_290 [1] : vector<512x4096xf32> to vector<512xf32>
    %broadcast_in_dim3A_292 = vector.shape_cast %reduce_min3A_291 : vector<512xf32> to vector<512x1xf32>
    %eq3A_293 = arith.constant 2.000000e+01 : f32
    %eq3A_294 = vector.broadcast %eq3A_293 : f32 to vector<512x4096xf32>
    %eq3A_295 = arith.cmpf oeq, %convert_element_type3A_122, %eq3A_294 : vector<512x4096xf32>
    %jit3A_296 = arith.constant 4.096000e+03 : f32
    %broadcast_in_dim3A_297 = vector.broadcast %jit3A_296 : f32 to vector<512x4096xf32>
    %select_n3A_298 = arith.select %eq3A_295, %convert_element_type3A_123, %broadcast_in_dim3A_297 : vector<512x4096xi1>, vector<512x4096xf32>
    %reduce_min3A_299 = arith.constant dense<0x7F800000> : vector<512xf32>
    %reduce_min3A_300 = vector.multi_reduction <minimumf>, %select_n3A_298, %reduce_min3A_299 [1] : vector<512x4096xf32> to vector<512xf32>
    %broadcast_in_dim3A_301 = vector.shape_cast %reduce_min3A_300 : vector<512xf32> to vector<512x1xf32>
    %eq3A_302 = arith.constant 2.100000e+01 : f32
    %eq3A_303 = vector.broadcast %eq3A_302 : f32 to vector<512x4096xf32>
    %eq3A_304 = arith.cmpf oeq, %convert_element_type3A_122, %eq3A_303 : vector<512x4096xf32>
    %jit3A_305 = arith.constant 4.096000e+03 : f32
    %broadcast_in_dim3A_306 = vector.broadcast %jit3A_305 : f32 to vector<512x4096xf32>
    %select_n3A_307 = arith.select %eq3A_304, %convert_element_type3A_123, %broadcast_in_dim3A_306 : vector<512x4096xi1>, vector<512x4096xf32>
    %reduce_min3A_308 = arith.constant dense<0x7F800000> : vector<512xf32>
    %reduce_min3A_309 = vector.multi_reduction <minimumf>, %select_n3A_307, %reduce_min3A_308 [1] : vector<512x4096xf32> to vector<512xf32>
    %broadcast_in_dim3A_310 = vector.shape_cast %reduce_min3A_309 : vector<512xf32> to vector<512x1xf32>
    %eq3A_311 = arith.constant 2.200000e+01 : f32
    %eq3A_312 = vector.broadcast %eq3A_311 : f32 to vector<512x4096xf32>
    %eq3A_313 = arith.cmpf oeq, %convert_element_type3A_122, %eq3A_312 : vector<512x4096xf32>
    %jit3A_314 = arith.constant 4.096000e+03 : f32
    %broadcast_in_dim3A_315 = vector.broadcast %jit3A_314 : f32 to vector<512x4096xf32>
    %select_n3A_316 = arith.select %eq3A_313, %convert_element_type3A_123, %broadcast_in_dim3A_315 : vector<512x4096xi1>, vector<512x4096xf32>
    %reduce_min3A_317 = arith.constant dense<0x7F800000> : vector<512xf32>
    %reduce_min3A_318 = vector.multi_reduction <minimumf>, %select_n3A_316, %reduce_min3A_317 [1] : vector<512x4096xf32> to vector<512xf32>
    %broadcast_in_dim3A_319 = vector.shape_cast %reduce_min3A_318 : vector<512xf32> to vector<512x1xf32>
    %eq3A_320 = arith.constant 2.300000e+01 : f32
    %eq3A_321 = vector.broadcast %eq3A_320 : f32 to vector<512x4096xf32>
    %eq3A_322 = arith.cmpf oeq, %convert_element_type3A_122, %eq3A_321 : vector<512x4096xf32>
    %jit3A_323 = arith.constant 4.096000e+03 : f32
    %broadcast_in_dim3A_324 = vector.broadcast %jit3A_323 : f32 to vector<512x4096xf32>
    %select_n3A_325 = arith.select %eq3A_322, %convert_element_type3A_123, %broadcast_in_dim3A_324 : vector<512x4096xi1>, vector<512x4096xf32>
    %reduce_min3A_326 = arith.constant dense<0x7F800000> : vector<512xf32>
    %reduce_min3A_327 = vector.multi_reduction <minimumf>, %select_n3A_325, %reduce_min3A_326 [1] : vector<512x4096xf32> to vector<512xf32>
    %broadcast_in_dim3A_328 = vector.shape_cast %reduce_min3A_327 : vector<512xf32> to vector<512x1xf32>
    %eq3A_329 = arith.constant 2.400000e+01 : f32
    %eq3A_330 = vector.broadcast %eq3A_329 : f32 to vector<512x4096xf32>
    %eq3A_331 = arith.cmpf oeq, %convert_element_type3A_122, %eq3A_330 : vector<512x4096xf32>
    %jit3A_332 = arith.constant 4.096000e+03 : f32
    %broadcast_in_dim3A_333 = vector.broadcast %jit3A_332 : f32 to vector<512x4096xf32>
    %select_n3A_334 = arith.select %eq3A_331, %convert_element_type3A_123, %broadcast_in_dim3A_333 : vector<512x4096xi1>, vector<512x4096xf32>
    %reduce_min3A_335 = arith.constant dense<0x7F800000> : vector<512xf32>
    %reduce_min3A_336 = vector.multi_reduction <minimumf>, %select_n3A_334, %reduce_min3A_335 [1] : vector<512x4096xf32> to vector<512xf32>
    %broadcast_in_dim3A_337 = vector.shape_cast %reduce_min3A_336 : vector<512xf32> to vector<512x1xf32>
    %eq3A_338 = arith.constant 2.500000e+01 : f32
    %eq3A_339 = vector.broadcast %eq3A_338 : f32 to vector<512x4096xf32>
    %eq3A_340 = arith.cmpf oeq, %convert_element_type3A_122, %eq3A_339 : vector<512x4096xf32>
    %jit3A_341 = arith.constant 4.096000e+03 : f32
    %broadcast_in_dim3A_342 = vector.broadcast %jit3A_341 : f32 to vector<512x4096xf32>
    %select_n3A_343 = arith.select %eq3A_340, %convert_element_type3A_123, %broadcast_in_dim3A_342 : vector<512x4096xi1>, vector<512x4096xf32>
    %reduce_min3A_344 = arith.constant dense<0x7F800000> : vector<512xf32>
    %reduce_min3A_345 = vector.multi_reduction <minimumf>, %select_n3A_343, %reduce_min3A_344 [1] : vector<512x4096xf32> to vector<512xf32>
    %broadcast_in_dim3A_346 = vector.shape_cast %reduce_min3A_345 : vector<512xf32> to vector<512x1xf32>
    %eq3A_347 = arith.constant 2.600000e+01 : f32
    %eq3A_348 = vector.broadcast %eq3A_347 : f32 to vector<512x4096xf32>
    %eq3A_349 = arith.cmpf oeq, %convert_element_type3A_122, %eq3A_348 : vector<512x4096xf32>
    %jit3A_350 = arith.constant 4.096000e+03 : f32
    %broadcast_in_dim3A_351 = vector.broadcast %jit3A_350 : f32 to vector<512x4096xf32>
    %select_n3A_352 = arith.select %eq3A_349, %convert_element_type3A_123, %broadcast_in_dim3A_351 : vector<512x4096xi1>, vector<512x4096xf32>
    %reduce_min3A_353 = arith.constant dense<0x7F800000> : vector<512xf32>
    %reduce_min3A_354 = vector.multi_reduction <minimumf>, %select_n3A_352, %reduce_min3A_353 [1] : vector<512x4096xf32> to vector<512xf32>
    %broadcast_in_dim3A_355 = vector.shape_cast %reduce_min3A_354 : vector<512xf32> to vector<512x1xf32>
    %eq3A_356 = arith.constant 2.700000e+01 : f32
    %eq3A_357 = vector.broadcast %eq3A_356 : f32 to vector<512x4096xf32>
    %eq3A_358 = arith.cmpf oeq, %convert_element_type3A_122, %eq3A_357 : vector<512x4096xf32>
    %jit3A_359 = arith.constant 4.096000e+03 : f32
    %broadcast_in_dim3A_360 = vector.broadcast %jit3A_359 : f32 to vector<512x4096xf32>
    %select_n3A_361 = arith.select %eq3A_358, %convert_element_type3A_123, %broadcast_in_dim3A_360 : vector<512x4096xi1>, vector<512x4096xf32>
    %reduce_min3A_362 = arith.constant dense<0x7F800000> : vector<512xf32>
    %reduce_min3A_363 = vector.multi_reduction <minimumf>, %select_n3A_361, %reduce_min3A_362 [1] : vector<512x4096xf32> to vector<512xf32>
    %broadcast_in_dim3A_364 = vector.shape_cast %reduce_min3A_363 : vector<512xf32> to vector<512x1xf32>
    %eq3A_365 = arith.constant 2.800000e+01 : f32
    %eq3A_366 = vector.broadcast %eq3A_365 : f32 to vector<512x4096xf32>
    %eq3A_367 = arith.cmpf oeq, %convert_element_type3A_122, %eq3A_366 : vector<512x4096xf32>
    %jit3A_368 = arith.constant 4.096000e+03 : f32
    %broadcast_in_dim3A_369 = vector.broadcast %jit3A_368 : f32 to vector<512x4096xf32>
    %select_n3A_370 = arith.select %eq3A_367, %convert_element_type3A_123, %broadcast_in_dim3A_369 : vector<512x4096xi1>, vector<512x4096xf32>
    %reduce_min3A_371 = arith.constant dense<0x7F800000> : vector<512xf32>
    %reduce_min3A_372 = vector.multi_reduction <minimumf>, %select_n3A_370, %reduce_min3A_371 [1] : vector<512x4096xf32> to vector<512xf32>
    %broadcast_in_dim3A_373 = vector.shape_cast %reduce_min3A_372 : vector<512xf32> to vector<512x1xf32>
    %eq3A_374 = arith.constant 2.900000e+01 : f32
    %eq3A_375 = vector.broadcast %eq3A_374 : f32 to vector<512x4096xf32>
    %eq3A_376 = arith.cmpf oeq, %convert_element_type3A_122, %eq3A_375 : vector<512x4096xf32>
    %jit3A_377 = arith.constant 4.096000e+03 : f32
    %broadcast_in_dim3A_378 = vector.broadcast %jit3A_377 : f32 to vector<512x4096xf32>
    %select_n3A_379 = arith.select %eq3A_376, %convert_element_type3A_123, %broadcast_in_dim3A_378 : vector<512x4096xi1>, vector<512x4096xf32>
    %reduce_min3A_380 = arith.constant dense<0x7F800000> : vector<512xf32>
    %reduce_min3A_381 = vector.multi_reduction <minimumf>, %select_n3A_379, %reduce_min3A_380 [1] : vector<512x4096xf32> to vector<512xf32>
    %broadcast_in_dim3A_382 = vector.shape_cast %reduce_min3A_381 : vector<512xf32> to vector<512x1xf32>
    %eq3A_383 = arith.constant 3.000000e+01 : f32
    %eq3A_384 = vector.broadcast %eq3A_383 : f32 to vector<512x4096xf32>
    %eq3A_385 = arith.cmpf oeq, %convert_element_type3A_122, %eq3A_384 : vector<512x4096xf32>
    %jit3A_386 = arith.constant 4.096000e+03 : f32
    %broadcast_in_dim3A_387 = vector.broadcast %jit3A_386 : f32 to vector<512x4096xf32>
    %select_n3A_388 = arith.select %eq3A_385, %convert_element_type3A_123, %broadcast_in_dim3A_387 : vector<512x4096xi1>, vector<512x4096xf32>
    %reduce_min3A_389 = arith.constant dense<0x7F800000> : vector<512xf32>
    %reduce_min3A_390 = vector.multi_reduction <minimumf>, %select_n3A_388, %reduce_min3A_389 [1] : vector<512x4096xf32> to vector<512xf32>
    %broadcast_in_dim3A_391 = vector.shape_cast %reduce_min3A_390 : vector<512xf32> to vector<512x1xf32>
    %eq3A_392 = arith.constant 3.100000e+01 : f32
    %eq3A_393 = vector.broadcast %eq3A_392 : f32 to vector<512x4096xf32>
    %eq3A_394 = arith.cmpf oeq, %convert_element_type3A_122, %eq3A_393 : vector<512x4096xf32>
    %jit3A_395 = arith.constant 4.096000e+03 : f32
    %broadcast_in_dim3A_396 = vector.broadcast %jit3A_395 : f32 to vector<512x4096xf32>
    %select_n3A_397 = arith.select %eq3A_394, %convert_element_type3A_123, %broadcast_in_dim3A_396 : vector<512x4096xi1>, vector<512x4096xf32>
    %reduce_min3A_398 = arith.constant dense<0x7F800000> : vector<512xf32>
    %reduce_min3A_399 = vector.multi_reduction <minimumf>, %select_n3A_397, %reduce_min3A_398 [1] : vector<512x4096xf32> to vector<512xf32>
    %broadcast_in_dim3A_400 = vector.shape_cast %reduce_min3A_399 : vector<512xf32> to vector<512x1xf32>
    %eq3A_401 = arith.constant 3.200000e+01 : f32
    %eq3A_402 = vector.broadcast %eq3A_401 : f32 to vector<512x4096xf32>
    %eq3A_403 = arith.cmpf oeq, %convert_element_type3A_122, %eq3A_402 : vector<512x4096xf32>
    %jit3A_404 = arith.constant 4.096000e+03 : f32
    %broadcast_in_dim3A_405 = vector.broadcast %jit3A_404 : f32 to vector<512x4096xf32>
    %select_n3A_406 = arith.select %eq3A_403, %convert_element_type3A_123, %broadcast_in_dim3A_405 : vector<512x4096xi1>, vector<512x4096xf32>
    %reduce_min3A_407 = arith.constant dense<0x7F800000> : vector<512xf32>
    %reduce_min3A_408 = vector.multi_reduction <minimumf>, %select_n3A_406, %reduce_min3A_407 [1] : vector<512x4096xf32> to vector<512xf32>
    %broadcast_in_dim3A_409 = vector.shape_cast %reduce_min3A_408 : vector<512xf32> to vector<512x1xf32>
    %concatenate3A_410 = tpu.concatenate %broadcast_in_dim3A_130, %broadcast_in_dim3A_139, %broadcast_in_dim3A_148, %broadcast_in_dim3A_157, %broadcast_in_dim3A_166, %broadcast_in_dim3A_175, %broadcast_in_dim3A_184, %broadcast_in_dim3A_193, %broadcast_in_dim3A_202, %broadcast_in_dim3A_211, %broadcast_in_dim3A_220, %broadcast_in_dim3A_229, %broadcast_in_dim3A_238, %broadcast_in_dim3A_247, %broadcast_in_dim3A_256, %broadcast_in_dim3A_265, %broadcast_in_dim3A_274, %broadcast_in_dim3A_283, %broadcast_in_dim3A_292, %broadcast_in_dim3A_301, %broadcast_in_dim3A_310, %broadcast_in_dim3A_319, %broadcast_in_dim3A_328, %broadcast_in_dim3A_337, %broadcast_in_dim3A_346, %broadcast_in_dim3A_355, %broadcast_in_dim3A_364, %broadcast_in_dim3A_373, %broadcast_in_dim3A_382, %broadcast_in_dim3A_391, %broadcast_in_dim3A_400, %broadcast_in_dim3A_409 in 1 : vector<512x1xf32>, vector<512x1xf32>, vector<512x1xf32>, vector<512x1xf32>, vector<512x1xf32>, vector<512x1xf32>, vector<512x1xf32>, vector<512x1xf32>, vector<512x1xf32>, vector<512x1xf32>, vector<512x1xf32>, vector<512x1xf32>, vector<512x1xf32>, vector<512x1xf32>, vector<512x1xf32>, vector<512x1xf32>, vector<512x1xf32>, vector<512x1xf32>, vector<512x1xf32>, vector<512x1xf32>, vector<512x1xf32>, vector<512x1xf32>, vector<512x1xf32>, vector<512x1xf32>, vector<512x1xf32>, vector<512x1xf32>, vector<512x1xf32>, vector<512x1xf32>, vector<512x1xf32>, vector<512x1xf32>, vector<512x1xf32>, vector<512x1xf32> -> vector<512x32xf32>
    %convert_element_type3A_411 = arith.fptosi %concatenate3A_410 : vector<512x32xf32> to vector<512x32xi32>
    %ge3A = arith.constant 4096 : i32
    %ge3A_412 = vector.broadcast %ge3A : i32 to vector<512x32xi32>
    %ge3A_413 = arith.cmpi sge, %convert_element_type3A_411, %ge3A_412 : vector<512x32xi32>
    %jit3A_414 = arith.constant 0 : i32
    %broadcast_in_dim3A_415 = vector.broadcast %jit3A_414 : i32 to vector<512x32xi32>
    %select_n3A_416 = arith.select %ge3A_413, %broadcast_in_dim3A_415, %convert_element_type3A_411 : vector<512x32xi1>, vector<512x32xi32>
    %mul3A_417 = arith.constant 4096 : i32
    %mul3A_418 = arith.muli %arg0, %mul3A_417 : i32
    %add3A_419 = vector.broadcast %mul3A_418 : i32 to vector<512x32xi32>
    %add3A_420 = arith.addi %select_n3A_416, %add3A_419 : vector<512x32xi32>
    %swap3A_421 = arith.constant 0 : index
    %swap3A_422 = arith.constant 0 : index
    %swap3A_423 = arith.constant 0 : index
    %swap3A_424 = vector.load %arg9[%swap3A_421, %swap3A_422, %swap3A_423] : memref<1x512x32xi32, #tpu.memory_space<vmem>>, vector<1x512x32xi32>
    %swap3A_425 = vector.shape_cast %swap3A_424 : vector<1x512x32xi32> to vector<512x32xi32>
    %swap3A_426 = vector.shape_cast %add3A_420 : vector<512x32xi32> to vector<1x512x32xi32>
    tpu.vector_store %arg9[%swap3A_421, %swap3A_422, %swap3A_423], %swap3A_426 {strides = array<i32>} : memref<1x512x32xi32, #tpu.memory_space<vmem>>, vector<1x512x32xi32>,
    return
  }
  func.func @transform_0(%arg0: i32) -> (i32, i32, i32) {
    %c0_i32 = arith.constant 0 : i32
    %c0_i32_0 = arith.constant 0 : i32
    %c0_i32_1 = arith.constant 0 : i32
    return %arg0, %c0_i32, %c0_i32_0 : i32, i32, i32
  }
  func.func @transform_1(%arg0: i32) -> (i32, i32, i32) {
    %c0_i32 = arith.constant 0 : i32
    %c0_i32_0 = arith.constant 0 : i32
    %c0_i32_1 = arith.constant 0 : i32
    return %arg0, %c0_i32, %c0_i32_0 : i32, i32, i32
  }
  func.func @transform_2(%arg0: i32) -> (i32, i32, i32) {
    %c0_i32 = arith.constant 0 : i32
    %c0_i32_0 = arith.constant 0 : i32
    %c0_i32_1 = arith.constant 0 : i32
    return %arg0, %c0_i32, %c0_i32_0 : i32, i32, i32
  }
  func.func @transform_3(%arg0: i32) -> (i32, i32, i32) {
    %c0_i32 = arith.constant 0 : i32
    %c0_i32_0 = arith.constant 0 : i32
    %c0_i32_1 = arith.constant 0 : i32
    return %arg0, %c0_i32, %c0_i32_0 : i32, i32, i32
  }
  func.func @transform_4(%arg0: i32) -> (i32, i32) {
    %c0_i32 = arith.constant 0 : i32
    %c0_i32_0 = arith.constant 0 : i32
    %c0_i32_1 = arith.constant 0 : i32
    return %c0_i32, %c0_i32_0 : i32, i32
  }
  func.func @transform_5(%arg0: i32) -> (i32, i32, i32) {
    %c0_i32 = arith.constant 0 : i32
    %c0_i32_0 = arith.constant 0 : i32
    %c0_i32_1 = arith.constant 0 : i32
    return %arg0, %c0_i32, %c0_i32_0 : i32, i32, i32
  }
  func.func @transform_6(%arg0: i32) -> (i32, i32, i32) {
    %c0_i32 = arith.constant 0 : i32
    %c0_i32_0 = arith.constant 0 : i32
    %c0_i32_1 = arith.constant 0 : i32
    return %arg0, %c0_i32, %c0_i32_0 : i32, i32, i32
  }
  func.func @transform_7(%arg0: i32) -> (i32, i32, i32) {
    %c0_i32 = arith.constant 0 : i32
    %c0_i32_0 = arith.constant 0 : i32
    %c0_i32_1 = arith.constant 0 : i32
    return %arg0, %c0_i32, %c0_i32_0 : i32, i32, i32
  }
  func.func @transform_8(%arg0: i32) -> (i32, i32, i32) {
    %c0_i32 = arith.constant 0 : i32
    %c0_i32_0 = arith.constant 0 : i32
    %c0_i32_1 = arith.constant 0 : i32
    return %arg0, %c0_i32, %c0_i32_0 : i32, i32, i32
  }
}

module attributes {stable_mosaic.version = 14 : i64} {
  func.func @_fps_body(%arg0: memref<8x3x512xf32, #tpu.memory_space<vmem>>, %arg1: memref<128x1x8x3xf32, #tpu.memory_space<vmem>>) attributes {dimension_semantics = [], scalar_prefetch = 0 : i64, scratch_operands = 0 : i64, tpu.core_type = #tpu.core_type<tc>} {
    %get3A = arith.constant 0 : index
    %get3A_0 = arith.constant 0 : index
    %get3A_1 = arith.constant 0 : index
    %get3A_2 = vector.load %arg0[%get3A, %get3A_0, %get3A_1] : memref<8x3x512xf32, #tpu.memory_space<vmem>>, vector<8x1x512xf32>
    %get3A_3 = vector.shape_cast %get3A_2 : vector<8x1x512xf32> to vector<8x512xf32>
    %get3A_4 = arith.constant 0 : index
    %get3A_5 = arith.constant 1 : index
    %get3A_6 = arith.constant 0 : index
    %get3A_7 = vector.load %arg0[%get3A_4, %get3A_5, %get3A_6] : memref<8x3x512xf32, #tpu.memory_space<vmem>>, vector<8x1x512xf32>
    %get3A_8 = vector.shape_cast %get3A_7 : vector<8x1x512xf32> to vector<8x512xf32>
    %get3A_9 = arith.constant 0 : index
    %get3A_10 = arith.constant 2 : index
    %get3A_11 = arith.constant 0 : index
    %get3A_12 = vector.load %arg0[%get3A_9, %get3A_10, %get3A_11] : memref<8x3x512xf32, #tpu.memory_space<vmem>>, vector<8x1x512xf32>
    %get3A_13 = vector.shape_cast %get3A_12 : vector<8x1x512xf32> to vector<8x512xf32>
    %iota3A = tpu.iota {dimensions = array<i32: 1>} : vector<8x512xi32>
    %broadcast_in_dim3A = arith.constant 1.000000e+10 : f32
    %broadcast_in_dim3A_14 = vector.broadcast %broadcast_in_dim3A : f32 to vector<8x512xf32>
    %broadcast_in_dim3A_15 = arith.constant 0 : i32
    %broadcast_in_dim3A_16 = vector.broadcast %broadcast_in_dim3A_15 : i32 to vector<8x1xi32>
    %scan3A = arith.constant 0 : i32
    %scan3A_17 = arith.constant 128 : i32
    %scan3A_18 = arith.addi %scan3A, %scan3A_17 : i32
    %scan3A_19 = arith.constant 1 : i32
    %scan3A_20:2 = scf.for %scan3A_22 = %scan3A to %scan3A_18 step %scan3A_19 iter_args(%scan3A_23 = %broadcast_in_dim3A_14, %scan3A_24 = %broadcast_in_dim3A_16) -> (vector<8x512xf32>, vector<8x1xi32>)  : i32 {
      %eq3A = vector.broadcast %scan3A_24 : vector<8x1xi32> to vector<8x512xi32>
      %eq3A_25 = arith.cmpi eq, %iota3A, %eq3A : vector<8x512xi32>
      %jit3A = arith.constant 0.000000e+00 : f32
      %broadcast_in_dim3A_26 = vector.broadcast %jit3A : f32 to vector<8x512xf32>
      %select_n3A = arith.select %eq3A_25, %get3A_3, %broadcast_in_dim3A_26 : vector<8x512xi1>, vector<8x512xf32>
      %reduce_sum3A = arith.constant dense<0.000000e+00> : vector<8xf32>
      %reduce_sum3A_27 = vector.multi_reduction <add>, %select_n3A, %reduce_sum3A [1] : vector<8x512xf32> to vector<8xf32>
      %broadcast_in_dim3A_28 = vector.shape_cast %reduce_sum3A_27 : vector<8xf32> to vector<8x1xf32>
      %jit3A_29 = arith.constant 0.000000e+00 : f32
      %broadcast_in_dim3A_30 = vector.broadcast %jit3A_29 : f32 to vector<8x512xf32>
      %select_n3A_31 = arith.select %eq3A_25, %get3A_8, %broadcast_in_dim3A_30 : vector<8x512xi1>, vector<8x512xf32>
      %reduce_sum3A_32 = arith.constant dense<0.000000e+00> : vector<8xf32>
      %reduce_sum3A_33 = vector.multi_reduction <add>, %select_n3A_31, %reduce_sum3A_32 [1] : vector<8x512xf32> to vector<8xf32>
      %broadcast_in_dim3A_34 = vector.shape_cast %reduce_sum3A_33 : vector<8xf32> to vector<8x1xf32>
      %jit3A_35 = arith.constant 0.000000e+00 : f32
      %broadcast_in_dim3A_36 = vector.broadcast %jit3A_35 : f32 to vector<8x512xf32>
      %select_n3A_37 = arith.select %eq3A_25, %get3A_13, %broadcast_in_dim3A_36 : vector<8x512xi1>, vector<8x512xf32>
      %reduce_sum3A_38 = arith.constant dense<0.000000e+00> : vector<8xf32>
      %reduce_sum3A_39 = vector.multi_reduction <add>, %select_n3A_37, %reduce_sum3A_38 [1] : vector<8x512xf32> to vector<8xf32>
      %broadcast_in_dim3A_40 = vector.shape_cast %reduce_sum3A_39 : vector<8xf32> to vector<8x1xf32>
      %sub3A = vector.broadcast %broadcast_in_dim3A_28 : vector<8x1xf32> to vector<8x512xf32>
      %sub3A_41 = arith.subf %get3A_3, %sub3A : vector<8x512xf32>
      %integer_pow3A = arith.mulf %sub3A_41, %sub3A_41 : vector<8x512xf32>
      %sub3A_42 = vector.broadcast %broadcast_in_dim3A_34 : vector<8x1xf32> to vector<8x512xf32>
      %sub3A_43 = arith.subf %get3A_8, %sub3A_42 : vector<8x512xf32>
      %integer_pow3A_44 = arith.mulf %sub3A_43, %sub3A_43 : vector<8x512xf32>
      %add3A = arith.addf %integer_pow3A, %integer_pow3A_44 : vector<8x512xf32>
      %sub3A_45 = vector.broadcast %broadcast_in_dim3A_40 : vector<8x1xf32> to vector<8x512xf32>
      %sub3A_46 = arith.subf %get3A_13, %sub3A_45 : vector<8x512xf32>
      %integer_pow3A_47 = arith.mulf %sub3A_46, %sub3A_46 : vector<8x512xf32>
      %add3A_48 = arith.addf %add3A, %integer_pow3A_47 : vector<8x512xf32>
      %min3A = arith.minimumf %scan3A_23, %add3A_48 : vector<8x512xf32>
      %reduce_max3A = arith.constant dense<0xFF800000> : vector<8xf32>
      %reduce_max3A_49 = vector.multi_reduction <maximumf>, %min3A, %reduce_max3A [1] : vector<8x512xf32> to vector<8xf32>
      %broadcast_in_dim3A_50 = vector.shape_cast %reduce_max3A_49 : vector<8xf32> to vector<8x1xf32>
      %eq3A_51 = vector.broadcast %broadcast_in_dim3A_50 : vector<8x1xf32> to vector<8x512xf32>
      %eq3A_52 = arith.cmpf oeq, %min3A, %eq3A_51 : vector<8x512xf32>
      %jit3A_53 = arith.constant 512 : i32
      %broadcast_in_dim3A_54 = vector.broadcast %jit3A_53 : i32 to vector<8x512xi32>
      %select_n3A_55 = arith.select %eq3A_52, %iota3A, %broadcast_in_dim3A_54 : vector<8x512xi1>, vector<8x512xi32>
      %reduce_min3A = arith.constant dense<2147483647> : vector<8xi32>
      %reduce_min3A_56 = vector.multi_reduction <minsi>, %select_n3A_55, %reduce_min3A [1] : vector<8x512xi32> to vector<8xi32>
      %broadcast_in_dim3A_57 = vector.shape_cast %reduce_min3A_56 : vector<8xi32> to vector<8x1xi32>
      %concatenate3A = tpu.concatenate %broadcast_in_dim3A_28, %broadcast_in_dim3A_34, %broadcast_in_dim3A_40 in 1 : vector<8x1xf32>, vector<8x1xf32>, vector<8x1xf32> -> vector<8x3xf32>
      %broadcast_in_dim3A_58 = vector.shape_cast %concatenate3A : vector<8x3xf32> to vector<1x8x3xf32>
      %swap3A = arith.index_cast %scan3A_22 : i32 to index
      %swap3A_59 = arith.constant 0 : index
      %swap3A_60 = arith.constant 0 : index
      %swap3A_61 = arith.constant 0 : index
      %swap3A_62 = vector.load %arg1[%swap3A, %swap3A_59, %swap3A_60, %swap3A_61] : memref<128x1x8x3xf32, #tpu.memory_space<vmem>>, vector<1x1x8x3xf32>
      %swap3A_63 = vector.shape_cast %swap3A_62 : vector<1x1x8x3xf32> to vector<1x8x3xf32>
      %swap3A_64 = vector.shape_cast %broadcast_in_dim3A_58 : vector<1x8x3xf32> to vector<1x1x8x3xf32>
      tpu.vector_store %arg1[%swap3A, %swap3A_59, %swap3A_60, %swap3A_61], %swap3A_64 {strides = array<i32>} : memref<128x1x8x3xf32, #tpu.memory_space<vmem>>, vector<1x1x8x3xf32>,
      scf.yield %min3A, %broadcast_in_dim3A_57 : vector<8x512xf32>, vector<8x1xi32>
    }
    %scan3A_21 = arith.constant 128 : i32
    return
  }
}

module attributes {stable_mosaic.version = 14 : i64} {
  func.func @_sa_mlp_body(%arg0: i32, %arg1: memref<1x16384x128xf32, #tpu.memory_space<vmem>>, %arg2: memref<1x512x64xf32, #tpu.memory_space<vmem>>, %arg3: memref<1x512x1xi32, #tpu.memory_space<vmem>>, %arg4: memref<1x64xf32, #tpu.memory_space<vmem>>, %arg5: memref<64x64xf32, #tpu.memory_space<vmem>>, %arg6: memref<1x64xf32, #tpu.memory_space<vmem>>, %arg7: memref<64x128xf32, #tpu.memory_space<vmem>>, %arg8: memref<1x128xf32, #tpu.memory_space<vmem>>, %arg9: memref<1x512x128xf32, #tpu.memory_space<vmem>>) attributes {dimension_semantics = [#tpu.dimension_semantics<arbitrary>], iteration_bounds = array<i64: 8>, scalar_prefetch = 0 : i64, scratch_operands = 0 : i64, tpu.core_type = #tpu.core_type<tc>, window_params = [{transform_indices = @transform_0, window_bounds = array<i64: 1, 16384, 128>}, {transform_indices = @transform_1, window_bounds = array<i64: 1, 512, 64>}, {transform_indices = @transform_2, window_bounds = array<i64: 1, 512, 1>}, {pipeline_mode = #tpu.pipeline_mode<synchronous>, transform_indices = @transform_3, window_bounds = array<i64: 1, 64>}, {pipeline_mode = #tpu.pipeline_mode<synchronous>, transform_indices = @transform_4, window_bounds = array<i64: 64, 64>}, {pipeline_mode = #tpu.pipeline_mode<synchronous>, transform_indices = @transform_5, window_bounds = array<i64: 1, 64>}, {pipeline_mode = #tpu.pipeline_mode<synchronous>, transform_indices = @transform_6, window_bounds = array<i64: 64, 128>}, {pipeline_mode = #tpu.pipeline_mode<synchronous>, transform_indices = @transform_7, window_bounds = array<i64: 1, 128>}, {transform_indices = @transform_8, window_bounds = array<i64: 1, 512, 128>}]} {
    %get3A = arith.constant 0 : index
    %get3A_0 = arith.constant 0 : index
    %get3A_1 = arith.constant 0 : index
    %get3A_2 = vector.load %arg2[%get3A, %get3A_0, %get3A_1] : memref<1x512x64xf32, #tpu.memory_space<vmem>>, vector<1x512x64xf32>
    %get3A_3 = vector.shape_cast %get3A_2 : vector<1x512x64xf32> to vector<512x64xf32>
    %get3A_4 = arith.constant 0 : index
    %get3A_5 = arith.constant 0 : index
    %get3A_6 = arith.constant 0 : index
    %get3A_7 = vector.load %arg1[%get3A_4, %get3A_5, %get3A_6] : memref<1x16384x128xf32, #tpu.memory_space<vmem>>, vector<1x16384x128xf32>
    %get3A_8 = vector.shape_cast %get3A_7 : vector<1x16384x128xf32> to vector<16384x128xf32>
    %slice3A = vector.extract_strided_slice %get3A_8 {offsets = [0, 0], sizes = [16384, 64], strides = [1, 1]} : vector<16384x128xf32> to vector<16384x64xf32>
    %broadcast_in_dim3A = vector.shape_cast %get3A_3 : vector<512x64xf32> to vector<512x1x64xf32>
    %broadcast_in_dim3A_9 = vector.shape_cast %broadcast_in_dim3A : vector<512x1x64xf32> to vector<512x1x64xf32>
    %broadcast_in_dim3A_10 = vector.broadcast %broadcast_in_dim3A_9 : vector<512x1x64xf32> to vector<512x32x64xf32>
    %reshape3A = vector.shape_cast %broadcast_in_dim3A_10 : vector<512x32x64xf32> to vector<16384x64xf32>
    %sub3A = arith.subf %slice3A, %reshape3A : vector<16384x64xf32>
    %get3A_11 = arith.constant 0 : index
    %get3A_12 = arith.constant 0 : index
    %get3A_13 = vector.load %arg4[%get3A_11, %get3A_12] : memref<1x64xf32, #tpu.memory_space<vmem>>, vector<1x64xf32>
    %add3A = vector.broadcast %get3A_13 : vector<1x64xf32> to vector<16384x64xf32>
    %add3A_14 = arith.addf %sub3A, %add3A : vector<16384x64xf32>
    %max3A = arith.constant 0.000000e+00 : f32
    %max3A_15 = vector.broadcast %max3A : f32 to vector<16384x64xf32>
    %max3A_16 = arith.maximumf %add3A_14, %max3A_15 : vector<16384x64xf32>
    %get3A_17 = arith.constant 0 : index
    %get3A_18 = arith.constant 0 : index
    %get3A_19 = vector.load %arg5[%get3A_17, %get3A_18] : memref<64x64xf32, #tpu.memory_space<vmem>>, vector<64x64xf32>
    %dot_general3A = arith.constant dense<0.000000e+00> : vector<16384x64xf32>
    %dot_general3A_20 = tpu.matmul %max3A_16, %get3A_19, %dot_general3A {dimension_numbers = #tpu.dot_dimension_numbers<[1], [0], [0], [1], [0, 0, 1, 1], [], []>, transpose_lhs_hint = false} : vector<16384x64xf32>, vector<64x64xf32>, vector<16384x64xf32> -> vector<16384x64xf32>
    %get3A_21 = arith.constant 0 : index
    %get3A_22 = arith.constant 0 : index
    %get3A_23 = vector.load %arg6[%get3A_21, %get3A_22] : memref<1x64xf32, #tpu.memory_space<vmem>>, vector<1x64xf32>
    %add3A_24 = vector.broadcast %get3A_23 : vector<1x64xf32> to vector<16384x64xf32>
    %add3A_25 = arith.addf %dot_general3A_20, %add3A_24 : vector<16384x64xf32>
    %max3A_26 = arith.constant 0.000000e+00 : f32
    %max3A_27 = vector.broadcast %max3A_26 : f32 to vector<16384x64xf32>
    %max3A_28 = arith.maximumf %add3A_25, %max3A_27 : vector<16384x64xf32>
    %get3A_29 = arith.constant 0 : index
    %get3A_30 = arith.constant 0 : index
    %get3A_31 = vector.load %arg7[%get3A_29, %get3A_30] : memref<64x128xf32, #tpu.memory_space<vmem>>, vector<64x128xf32>
    %dot_general3A_32 = arith.constant dense<0.000000e+00> : vector<16384x128xf32>
    %dot_general3A_33 = tpu.matmul %max3A_28, %get3A_31, %dot_general3A_32 {dimension_numbers = #tpu.dot_dimension_numbers<[1], [0], [0], [1], [0, 0, 1, 1], [], []>, transpose_lhs_hint = false} : vector<16384x64xf32>, vector<64x128xf32>, vector<16384x128xf32> -> vector<16384x128xf32>
    %get3A_34 = arith.constant 0 : index
    %get3A_35 = arith.constant 0 : index
    %get3A_36 = vector.load %arg8[%get3A_34, %get3A_35] : memref<1x128xf32, #tpu.memory_space<vmem>>, vector<1x128xf32>
    %add3A_37 = vector.broadcast %get3A_36 : vector<1x128xf32> to vector<16384x128xf32>
    %add3A_38 = arith.addf %dot_general3A_33, %add3A_37 : vector<16384x128xf32>
    %max3A_39 = arith.constant 0.000000e+00 : f32
    %max3A_40 = vector.broadcast %max3A_39 : f32 to vector<16384x128xf32>
    %max3A_41 = arith.maximumf %add3A_38, %max3A_40 : vector<16384x128xf32>
    %reshape3A_42 = vector.shape_cast %max3A_41 : vector<16384x128xf32> to vector<512x32x128xf32>
    %iota3A = tpu.iota {dimensions = array<i32: 1>} : vector<512x32x1xi32>
    %get3A_43 = arith.constant 0 : index
    %get3A_44 = arith.constant 0 : index
    %get3A_45 = arith.constant 0 : index
    %get3A_46 = vector.load %arg3[%get3A_43, %get3A_44, %get3A_45] : memref<1x512x1xi32, #tpu.memory_space<vmem>>, vector<1x512x1xi32>
    %get3A_47 = vector.shape_cast %get3A_46 : vector<1x512x1xi32> to vector<512x1xi32>
    %broadcast_in_dim3A_48 = vector.shape_cast %get3A_47 : vector<512x1xi32> to vector<512x1x1xi32>
    %gt3A = vector.broadcast %broadcast_in_dim3A_48 : vector<512x1x1xi32> to vector<512x32x1xi32>
    %gt3A_49 = arith.cmpi sgt, %gt3A, %iota3A : vector<512x32x1xi32>
    %jit3A = arith.constant 0.000000e+00 : f32
    %broadcast_in_dim3A_50 = vector.shape_cast %gt3A_49 : vector<512x32x1xi1> to vector<512x32x1xi1>
    %broadcast_in_dim3A_51 = vector.broadcast %broadcast_in_dim3A_50 : vector<512x32x1xi1> to vector<512x32x128xi1>
    %broadcast_in_dim3A_52 = vector.broadcast %jit3A : f32 to vector<512x32x128xf32>
    %select_n3A = arith.select %broadcast_in_dim3A_51, %reshape3A_42, %broadcast_in_dim3A_52 : vector<512x32x128xi1>, vector<512x32x128xf32>
    %reduce_max3A = arith.constant dense<0xFF800000> : vector<512x128xf32>
    %reduce_max3A_53 = vector.multi_reduction <maximumf>, %select_n3A, %reduce_max3A [1] : vector<512x32x128xf32> to vector<512x128xf32>
    %swap3A = arith.constant 0 : index
    %swap3A_54 = arith.constant 0 : index
    %swap3A_55 = arith.constant 0 : index
    %swap3A_56 = vector.load %arg9[%swap3A, %swap3A_54, %swap3A_55] : memref<1x512x128xf32, #tpu.memory_space<vmem>>, vector<1x512x128xf32>
    %swap3A_57 = vector.shape_cast %swap3A_56 : vector<1x512x128xf32> to vector<512x128xf32>
    %swap3A_58 = vector.shape_cast %reduce_max3A_53 : vector<512x128xf32> to vector<1x512x128xf32>
    tpu.vector_store %arg9[%swap3A, %swap3A_54, %swap3A_55], %swap3A_58 {strides = array<i32>} : memref<1x512x128xf32, #tpu.memory_space<vmem>>, vector<1x512x128xf32>,
    return
  }
  func.func @transform_0(%arg0: i32) -> (i32, i32, i32) {
    %c0_i32 = arith.constant 0 : i32
    %c0_i32_0 = arith.constant 0 : i32
    %c0_i32_1 = arith.constant 0 : i32
    return %arg0, %c0_i32, %c0_i32_0 : i32, i32, i32
  }
  func.func @transform_1(%arg0: i32) -> (i32, i32, i32) {
    %c0_i32 = arith.constant 0 : i32
    %c0_i32_0 = arith.constant 0 : i32
    %c0_i32_1 = arith.constant 0 : i32
    return %arg0, %c0_i32, %c0_i32_0 : i32, i32, i32
  }
  func.func @transform_2(%arg0: i32) -> (i32, i32, i32) {
    %c0_i32 = arith.constant 0 : i32
    %c0_i32_0 = arith.constant 0 : i32
    %c0_i32_1 = arith.constant 0 : i32
    return %arg0, %c0_i32, %c0_i32_0 : i32, i32, i32
  }
  func.func @transform_3(%arg0: i32) -> (i32, i32) {
    %c0_i32 = arith.constant 0 : i32
    %c0_i32_0 = arith.constant 0 : i32
    %c0_i32_1 = arith.constant 0 : i32
    return %c0_i32, %c0_i32_0 : i32, i32
  }
  func.func @transform_4(%arg0: i32) -> (i32, i32) {
    %c0_i32 = arith.constant 0 : i32
    %c0_i32_0 = arith.constant 0 : i32
    %c0_i32_1 = arith.constant 0 : i32
    return %c0_i32, %c0_i32_0 : i32, i32
  }
  func.func @transform_5(%arg0: i32) -> (i32, i32) {
    %c0_i32 = arith.constant 0 : i32
    %c0_i32_0 = arith.constant 0 : i32
    %c0_i32_1 = arith.constant 0 : i32
    return %c0_i32, %c0_i32_0 : i32, i32
  }
  func.func @transform_6(%arg0: i32) -> (i32, i32) {
    %c0_i32 = arith.constant 0 : i32
    %c0_i32_0 = arith.constant 0 : i32
    %c0_i32_1 = arith.constant 0 : i32
    return %c0_i32, %c0_i32_0 : i32, i32
  }
  func.func @transform_7(%arg0: i32) -> (i32, i32) {
    %c0_i32 = arith.constant 0 : i32
    %c0_i32_0 = arith.constant 0 : i32
    %c0_i32_1 = arith.constant 0 : i32
    return %c0_i32, %c0_i32_0 : i32, i32
  }
  func.func @transform_8(%arg0: i32) -> (i32, i32, i32) {
    %c0_i32 = arith.constant 0 : i32
    %c0_i32_0 = arith.constant 0 : i32
    %c0_i32_1 = arith.constant 0 : i32
    return %arg0, %c0_i32, %c0_i32_0 : i32, i32, i32
  }
}

module attributes {stable_mosaic.version = 14 : i64} {
  func.func @_sa_body(%arg0: i32, %arg1: memref<1x512x3xf32, #tpu.memory_space<vmem>>, %arg2: memref<1x3x512xf32, #tpu.memory_space<vmem>>, %arg3: memref<1x512x128xf32, #tpu.memory_space<vmem>>, %arg4: memref<1x128x3xf32, #tpu.memory_space<vmem>>, %arg5: memref<131x128xf32, #tpu.memory_space<vmem>>, %arg6: memref<1x128xf32, #tpu.memory_space<vmem>>, %arg7: memref<128x128xf32, #tpu.memory_space<vmem>>, %arg8: memref<1x128xf32, #tpu.memory_space<vmem>>, %arg9: memref<128x256xf32, #tpu.memory_space<vmem>>, %arg10: memref<1x256xf32, #tpu.memory_space<vmem>>, %arg11: memref<1x128x256xf32, #tpu.memory_space<vmem>>) attributes {dimension_semantics = [#tpu.dimension_semantics<arbitrary>], iteration_bounds = array<i64: 8>, scalar_prefetch = 0 : i64, scratch_operands = 0 : i64, tpu.core_type = #tpu.core_type<tc>, window_params = [{transform_indices = @transform_0, window_bounds = array<i64: 1, 512, 3>}, {transform_indices = @transform_1, window_bounds = array<i64: 1, 3, 512>}, {transform_indices = @transform_2, window_bounds = array<i64: 1, 512, 128>}, {transform_indices = @transform_3, window_bounds = array<i64: 1, 128, 3>}, {pipeline_mode = #tpu.pipeline_mode<synchronous>, transform_indices = @transform_4, window_bounds = array<i64: 131, 128>}, {pipeline_mode = #tpu.pipeline_mode<synchronous>, transform_indices = @transform_5, window_bounds = array<i64: 1, 128>}, {pipeline_mode = #tpu.pipeline_mode<synchronous>, transform_indices = @transform_6, window_bounds = array<i64: 128, 128>}, {pipeline_mode = #tpu.pipeline_mode<synchronous>, transform_indices = @transform_7, window_bounds = array<i64: 1, 128>}, {pipeline_mode = #tpu.pipeline_mode<synchronous>, transform_indices = @transform_8, window_bounds = array<i64: 128, 256>}, {pipeline_mode = #tpu.pipeline_mode<synchronous>, transform_indices = @transform_9, window_bounds = array<i64: 1, 256>}, {transform_indices = @transform_10, window_bounds = array<i64: 1, 128, 256>}]} {
    %get3A = arith.constant 0 : index
    %get3A_0 = arith.constant 0 : index
    %get3A_1 = arith.constant 0 : index
    %get3A_2 = vector.load %arg1[%get3A, %get3A_0, %get3A_1] : memref<1x512x3xf32, #tpu.memory_space<vmem>>, vector<1x512x3xf32>
    %get3A_3 = vector.shape_cast %get3A_2 : vector<1x512x3xf32> to vector<512x3xf32>
    %get3A_4 = arith.constant 0 : index
    %get3A_5 = arith.constant 0 : index
    %get3A_6 = arith.constant 0 : index
    %get3A_7 = vector.load %arg2[%get3A_4, %get3A_5, %get3A_6] : memref<1x3x512xf32, #tpu.memory_space<vmem>>, vector<1x3x512xf32>
    %get3A_8 = vector.shape_cast %get3A_7 : vector<1x3x512xf32> to vector<3x512xf32>
    %get3A_9 = arith.constant 0 : index
    %get3A_10 = arith.constant 0 : index
    %get3A_11 = arith.constant 0 : index
    %get3A_12 = vector.load %arg3[%get3A_9, %get3A_10, %get3A_11] : memref<1x512x128xf32, #tpu.memory_space<vmem>>, vector<1x512x128xf32>
    %get3A_13 = vector.shape_cast %get3A_12 : vector<1x512x128xf32> to vector<512x128xf32>
    %get3A_14 = arith.constant 0 : index
    %get3A_15 = arith.constant 0 : index
    %get3A_16 = arith.constant 0 : index
    %get3A_17 = vector.load %arg4[%get3A_14, %get3A_15, %get3A_16] : memref<1x128x3xf32, #tpu.memory_space<vmem>>, vector<1x128x3xf32>
    %get3A_18 = vector.shape_cast %get3A_17 : vector<1x128x3xf32> to vector<128x3xf32>
    %get3A_19 = arith.constant 0 : index
    %get3A_20 = arith.constant 0 : index
    %get3A_21 = vector.load %arg5[%get3A_19, %get3A_20] : memref<131x128xf32, #tpu.memory_space<vmem>>, vector<131x128xf32>
    %get3A_22 = arith.constant 0 : index
    %get3A_23 = arith.constant 0 : index
    %get3A_24 = vector.load %arg6[%get3A_22, %get3A_23] : memref<1x128xf32, #tpu.memory_space<vmem>>, vector<1x128xf32>
    %concatenate3A = tpu.concatenate %get3A_3, %get3A_13 in 1 : vector<512x3xf32>, vector<512x128xf32> -> vector<512x131xf32>
    %dot_general3A = arith.constant dense<0.000000e+00> : vector<512x128xf32>
    %dot_general3A_25 = tpu.matmul %concatenate3A, %get3A_21, %dot_general3A {dimension_numbers = #tpu.dot_dimension_numbers<[1], [0], [0], [1], [0, 0, 1, 1], [], []>, transpose_lhs_hint = false} : vector<512x131xf32>, vector<131x128xf32>, vector<512x128xf32> -> vector<512x128xf32>
    %slice3A = vector.extract_strided_slice %get3A_21 {offsets = [0, 0], sizes = [3, 128], strides = [1, 1]} : vector<131x128xf32> to vector<3x128xf32>
    %dot_general3A_26 = arith.constant dense<0.000000e+00> : vector<128x128xf32>
    %dot_general3A_27 = tpu.matmul %get3A_18, %slice3A, %dot_general3A_26 {dimension_numbers = #tpu.dot_dimension_numbers<[1], [0], [0], [1], [0, 0, 1, 1], [], []>, transpose_lhs_hint = false} : vector<128x3xf32>, vector<3x128xf32>, vector<128x128xf32> -> vector<128x128xf32>
    %mul3A = arith.mulf %get3A_18, %get3A_18 : vector<128x3xf32>
    %reduce_sum3A = arith.constant dense<0.000000e+00> : vector<128xf32>
    %reduce_sum3A_28 = vector.multi_reduction <add>, %mul3A, %reduce_sum3A [1] : vector<128x3xf32> to vector<128xf32>
    %broadcast_in_dim3A = vector.shape_cast %reduce_sum3A_28 : vector<128xf32> to vector<128x1xf32>
    %mul3A_29 = arith.mulf %get3A_8, %get3A_8 : vector<3x512xf32>
    %reduce_sum3A_30 = arith.constant dense<0.000000e+00> : vector<512xf32>
    %reduce_sum3A_31 = vector.multi_reduction <add>, %mul3A_29, %reduce_sum3A_30 [0] : vector<3x512xf32> to vector<512xf32>
    %broadcast_in_dim3A_32 = vector.shape_cast %reduce_sum3A_31 : vector<512xf32> to vector<1x512xf32>
    %dot_general3A_33 = arith.constant dense<0.000000e+00> : vector<128x512xf32>
    %dot_general3A_34 = tpu.matmul %get3A_18, %get3A_8, %dot_general3A_33 {dimension_numbers = #tpu.dot_dimension_numbers<[1], [0], [0], [1], [0, 0, 1, 1], [], []>, transpose_lhs_hint = false} : vector<128x3xf32>, vector<3x512xf32>, vector<128x512xf32> -> vector<128x512xf32>
    %add3A = vector.broadcast %broadcast_in_dim3A : vector<128x1xf32> to vector<128x512xf32>
    %add3A_35 = vector.broadcast %broadcast_in_dim3A_32 : vector<1x512xf32> to vector<128x512xf32>
    %add3A_36 = arith.addf %add3A, %add3A_35 : vector<128x512xf32>
    %mul3A_37 = arith.constant 2.000000e+00 : f32
    %mul3A_38 = vector.broadcast %mul3A_37 : f32 to vector<128x512xf32>
    %mul3A_39 = arith.mulf %mul3A_38, %dot_general3A_34 : vector<128x512xf32>
    %sub3A = arith.subf %add3A_36, %mul3A_39 : vector<128x512xf32>
    %le3A = arith.constant 1.600000e-01 : f32
    %le3A_40 = vector.broadcast %le3A : f32 to vector<128x512xf32>
    %le3A_41 = arith.cmpf ole, %sub3A, %le3A_40 : vector<128x512xf32>
    %convert_element_type3A = arith.extui %le3A_41 : vector<128x512xi1> to vector<128x512xi16>
    %broadcast_in_dim3A_42 = arith.constant 0 : i16
    %broadcast_in_dim3A_43 = vector.broadcast %broadcast_in_dim3A_42 : i16 to vector<128x1xi16>
    %slice3A_44 = vector.extract_strided_slice %convert_element_type3A {offsets = [0, 0], sizes = [128, 511], strides = [1, 1]} : vector<128x512xi16> to vector<128x511xi16>
    %concatenate3A_45 = tpu.concatenate %broadcast_in_dim3A_43, %slice3A_44 in 1 : vector<128x1xi16>, vector<128x511xi16> -> vector<128x512xi16>
    %add3A_46 = arith.addi %convert_element_type3A, %concatenate3A_45 : vector<128x512xi16>
    %broadcast_in_dim3A_47 = arith.constant 0 : i16
    %broadcast_in_dim3A_48 = vector.broadcast %broadcast_in_dim3A_47 : i16 to vector<128x2xi16>
    %slice3A_49 = vector.extract_strided_slice %add3A_46 {offsets = [0, 0], sizes = [128, 510], strides = [1, 1]} : vector<128x512xi16> to vector<128x510xi16>
    %concatenate3A_50 = tpu.concatenate %broadcast_in_dim3A_48, %slice3A_49 in 1 : vector<128x2xi16>, vector<128x510xi16> -> vector<128x512xi16>
    %add3A_51 = arith.addi %add3A_46, %concatenate3A_50 : vector<128x512xi16>
    %broadcast_in_dim3A_52 = arith.constant 0 : i16
    %broadcast_in_dim3A_53 = vector.broadcast %broadcast_in_dim3A_52 : i16 to vector<128x4xi16>
    %slice3A_54 = vector.extract_strided_slice %add3A_51 {offsets = [0, 0], sizes = [128, 508], strides = [1, 1]} : vector<128x512xi16> to vector<128x508xi16>
    %concatenate3A_55 = tpu.concatenate %broadcast_in_dim3A_53, %slice3A_54 in 1 : vector<128x4xi16>, vector<128x508xi16> -> vector<128x512xi16>
    %add3A_56 = arith.addi %add3A_51, %concatenate3A_55 : vector<128x512xi16>
    %broadcast_in_dim3A_57 = arith.constant 0 : i16
    %broadcast_in_dim3A_58 = vector.broadcast %broadcast_in_dim3A_57 : i16 to vector<128x8xi16>
    %slice3A_59 = vector.extract_strided_slice %add3A_56 {offsets = [0, 0], sizes = [128, 504], strides = [1, 1]} : vector<128x512xi16> to vector<128x504xi16>
    %concatenate3A_60 = tpu.concatenate %broadcast_in_dim3A_58, %slice3A_59 in 1 : vector<128x8xi16>, vector<128x504xi16> -> vector<128x512xi16>
    %add3A_61 = arith.addi %add3A_56, %concatenate3A_60 : vector<128x512xi16>
    %broadcast_in_dim3A_62 = arith.constant 0 : i16
    %broadcast_in_dim3A_63 = vector.broadcast %broadcast_in_dim3A_62 : i16 to vector<128x16xi16>
    %slice3A_64 = vector.extract_strided_slice %add3A_61 {offsets = [0, 0], sizes = [128, 496], strides = [1, 1]} : vector<128x512xi16> to vector<128x496xi16>
    %concatenate3A_65 = tpu.concatenate %broadcast_in_dim3A_63, %slice3A_64 in 1 : vector<128x16xi16>, vector<128x496xi16> -> vector<128x512xi16>
    %add3A_66 = arith.addi %add3A_61, %concatenate3A_65 : vector<128x512xi16>
    %broadcast_in_dim3A_67 = arith.constant 0 : i16
    %broadcast_in_dim3A_68 = vector.broadcast %broadcast_in_dim3A_67 : i16 to vector<128x32xi16>
    %slice3A_69 = vector.extract_strided_slice %add3A_66 {offsets = [0, 0], sizes = [128, 480], strides = [1, 1]} : vector<128x512xi16> to vector<128x480xi16>
    %concatenate3A_70 = tpu.concatenate %broadcast_in_dim3A_68, %slice3A_69 in 1 : vector<128x32xi16>, vector<128x480xi16> -> vector<128x512xi16>
    %add3A_71 = arith.addi %add3A_66, %concatenate3A_70 : vector<128x512xi16>
    %broadcast_in_dim3A_72 = arith.constant 0 : i16
    %broadcast_in_dim3A_73 = vector.broadcast %broadcast_in_dim3A_72 : i16 to vector<128x64xi16>
    %slice3A_74 = vector.extract_strided_slice %add3A_71 {offsets = [0, 0], sizes = [128, 448], strides = [1, 1]} : vector<128x512xi16> to vector<128x448xi16>
    %concatenate3A_75 = tpu.concatenate %broadcast_in_dim3A_73, %slice3A_74 in 1 : vector<128x64xi16>, vector<128x448xi16> -> vector<128x512xi16>
    %add3A_76 = arith.addi %add3A_71, %concatenate3A_75 : vector<128x512xi16>
    %broadcast_in_dim3A_77 = arith.constant 0 : i16
    %broadcast_in_dim3A_78 = vector.broadcast %broadcast_in_dim3A_77 : i16 to vector<128x128xi16>
    %slice3A_79 = vector.extract_strided_slice %add3A_76 {offsets = [0, 0], sizes = [128, 384], strides = [1, 1]} : vector<128x512xi16> to vector<128x384xi16>
    %concatenate3A_80 = tpu.concatenate %broadcast_in_dim3A_78, %slice3A_79 in 1 : vector<128x128xi16>, vector<128x384xi16> -> vector<128x512xi16>
    %add3A_81 = arith.addi %add3A_76, %concatenate3A_80 : vector<128x512xi16>
    %broadcast_in_dim3A_82 = arith.constant 0 : i16
    %broadcast_in_dim3A_83 = vector.broadcast %broadcast_in_dim3A_82 : i16 to vector<128x256xi16>
    %slice3A_84 = vector.extract_strided_slice %add3A_81 {offsets = [0, 0], sizes = [128, 256], strides = [1, 1]} : vector<128x512xi16> to vector<128x256xi16>
    %concatenate3A_85 = tpu.concatenate %broadcast_in_dim3A_83, %slice3A_84 in 1 : vector<128x256xi16>, vector<128x256xi16> -> vector<128x512xi16>
    %add3A_86 = arith.addi %add3A_81, %concatenate3A_85 : vector<128x512xi16>
    %slice3A_87 = vector.extract_strided_slice %add3A_86 {offsets = [0, 511], sizes = [128, 1], strides = [1, 1]} : vector<128x512xi16> to vector<128x1xi16>
    %convert_element_type3A_88 = arith.extsi %slice3A_87 : vector<128x1xi16> to vector<128x1xi32>
    %jit3A = arith.constant 0 : i16
    %broadcast_in_dim3A_89 = vector.broadcast %jit3A : i16 to vector<128x512xi16>
    %select_n3A = arith.select %le3A_41, %add3A_86, %broadcast_in_dim3A_89 : vector<128x512xi1>, vector<128x512xi16>
    %convert_element_type3A_90 = arith.sitofp %select_n3A : vector<128x512xi16> to vector<128x512xbf16>
    %convert_element_type3A_91 = arith.truncf %dot_general3A_25 : vector<512x128xf32> to vector<512x128xbf16>
    %eq3A = arith.constant 1.000000e+00 : bf16
    %eq3A_92 = vector.broadcast %eq3A : bf16 to vector<128x512xbf16>
    %eq3A_93 = arith.cmpf oeq, %convert_element_type3A_90, %eq3A_92 : vector<128x512xbf16>
    %jit3A_94 = arith.constant 1.000000e+00 : bf16
    %jit3A_95 = arith.constant 0.000000e+00 : bf16
    %broadcast_in_dim3A_96 = vector.broadcast %jit3A_94 : bf16 to vector<128x512xbf16>
    %broadcast_in_dim3A_97 = vector.broadcast %jit3A_95 : bf16 to vector<128x512xbf16>
    %select_n3A_98 = arith.select %eq3A_93, %broadcast_in_dim3A_96, %broadcast_in_dim3A_97 : vector<128x512xi1>, vector<128x512xbf16>
    %dot_general3A_99 = arith.constant dense<0.000000e+00> : vector<128x128xf32>
    %dot_general3A_100 = tpu.matmul %select_n3A_98, %convert_element_type3A_91, %dot_general3A_99 {dimension_numbers = #tpu.dot_dimension_numbers<[1], [0], [0], [1], [0, 0, 1, 1], [], []>, transpose_lhs_hint = false} : vector<128x512xbf16>, vector<512x128xbf16>, vector<128x128xf32> -> vector<128x128xf32>
    %sub3A_101 = arith.subf %dot_general3A_100, %dot_general3A_27 : vector<128x128xf32>
    %add3A_102 = vector.broadcast %get3A_24 : vector<1x128xf32> to vector<128x128xf32>
    %add3A_103 = arith.addf %sub3A_101, %add3A_102 : vector<128x128xf32>
    %max3A = arith.constant 0.000000e+00 : f32
    %max3A_104 = vector.broadcast %max3A : f32 to vector<128x128xf32>
    %max3A_105 = arith.maximumf %add3A_103, %max3A_104 : vector<128x128xf32>
    %eq3A_106 = arith.constant 2.000000e+00 : bf16
    %eq3A_107 = vector.broadcast %eq3A_106 : bf16 to vector<128x512xbf16>
    %eq3A_108 = arith.cmpf oeq, %convert_element_type3A_90, %eq3A_107 : vector<128x512xbf16>
    %jit3A_109 = arith.constant 1.000000e+00 : bf16
    %jit3A_110 = arith.constant 0.000000e+00 : bf16
    %broadcast_in_dim3A_111 = vector.broadcast %jit3A_109 : bf16 to vector<128x512xbf16>
    %broadcast_in_dim3A_112 = vector.broadcast %jit3A_110 : bf16 to vector<128x512xbf16>
    %select_n3A_113 = arith.select %eq3A_108, %broadcast_in_dim3A_111, %broadcast_in_dim3A_112 : vector<128x512xi1>, vector<128x512xbf16>
    %dot_general3A_114 = arith.constant dense<0.000000e+00> : vector<128x128xf32>
    %dot_general3A_115 = tpu.matmul %select_n3A_113, %convert_element_type3A_91, %dot_general3A_114 {dimension_numbers = #tpu.dot_dimension_numbers<[1], [0], [0], [1], [0, 0, 1, 1], [], []>, transpose_lhs_hint = false} : vector<128x512xbf16>, vector<512x128xbf16>, vector<128x128xf32> -> vector<128x128xf32>
    %sub3A_116 = arith.subf %dot_general3A_115, %dot_general3A_27 : vector<128x128xf32>
    %add3A_117 = vector.broadcast %get3A_24 : vector<1x128xf32> to vector<128x128xf32>
    %add3A_118 = arith.addf %sub3A_116, %add3A_117 : vector<128x128xf32>
    %max3A_119 = arith.constant 0.000000e+00 : f32
    %max3A_120 = vector.broadcast %max3A_119 : f32 to vector<128x128xf32>
    %max3A_121 = arith.maximumf %add3A_118, %max3A_120 : vector<128x128xf32>
    %eq3A_122 = arith.constant 3.000000e+00 : bf16
    %eq3A_123 = vector.broadcast %eq3A_122 : bf16 to vector<128x512xbf16>
    %eq3A_124 = arith.cmpf oeq, %convert_element_type3A_90, %eq3A_123 : vector<128x512xbf16>
    %jit3A_125 = arith.constant 1.000000e+00 : bf16
    %jit3A_126 = arith.constant 0.000000e+00 : bf16
    %broadcast_in_dim3A_127 = vector.broadcast %jit3A_125 : bf16 to vector<128x512xbf16>
    %broadcast_in_dim3A_128 = vector.broadcast %jit3A_126 : bf16 to vector<128x512xbf16>
    %select_n3A_129 = arith.select %eq3A_124, %broadcast_in_dim3A_127, %broadcast_in_dim3A_128 : vector<128x512xi1>, vector<128x512xbf16>
    %dot_general3A_130 = arith.constant dense<0.000000e+00> : vector<128x128xf32>
    %dot_general3A_131 = tpu.matmul %select_n3A_129, %convert_element_type3A_91, %dot_general3A_130 {dimension_numbers = #tpu.dot_dimension_numbers<[1], [0], [0], [1], [0, 0, 1, 1], [], []>, transpose_lhs_hint = false} : vector<128x512xbf16>, vector<512x128xbf16>, vector<128x128xf32> -> vector<128x128xf32>
    %sub3A_132 = arith.subf %dot_general3A_131, %dot_general3A_27 : vector<128x128xf32>
    %add3A_133 = vector.broadcast %get3A_24 : vector<1x128xf32> to vector<128x128xf32>
    %add3A_134 = arith.addf %sub3A_132, %add3A_133 : vector<128x128xf32>
    %max3A_135 = arith.constant 0.000000e+00 : f32
    %max3A_136 = vector.broadcast %max3A_135 : f32 to vector<128x128xf32>
    %max3A_137 = arith.maximumf %add3A_134, %max3A_136 : vector<128x128xf32>
    %eq3A_138 = arith.constant 4.000000e+00 : bf16
    %eq3A_139 = vector.broadcast %eq3A_138 : bf16 to vector<128x512xbf16>
    %eq3A_140 = arith.cmpf oeq, %convert_element_type3A_90, %eq3A_139 : vector<128x512xbf16>
    %jit3A_141 = arith.constant 1.000000e+00 : bf16
    %jit3A_142 = arith.constant 0.000000e+00 : bf16
    %broadcast_in_dim3A_143 = vector.broadcast %jit3A_141 : bf16 to vector<128x512xbf16>
    %broadcast_in_dim3A_144 = vector.broadcast %jit3A_142 : bf16 to vector<128x512xbf16>
    %select_n3A_145 = arith.select %eq3A_140, %broadcast_in_dim3A_143, %broadcast_in_dim3A_144 : vector<128x512xi1>, vector<128x512xbf16>
    %dot_general3A_146 = arith.constant dense<0.000000e+00> : vector<128x128xf32>
    %dot_general3A_147 = tpu.matmul %select_n3A_145, %convert_element_type3A_91, %dot_general3A_146 {dimension_numbers = #tpu.dot_dimension_numbers<[1], [0], [0], [1], [0, 0, 1, 1], [], []>, transpose_lhs_hint = false} : vector<128x512xbf16>, vector<512x128xbf16>, vector<128x128xf32> -> vector<128x128xf32>
    %sub3A_148 = arith.subf %dot_general3A_147, %dot_general3A_27 : vector<128x128xf32>
    %add3A_149 = vector.broadcast %get3A_24 : vector<1x128xf32> to vector<128x128xf32>
    %add3A_150 = arith.addf %sub3A_148, %add3A_149 : vector<128x128xf32>
    %max3A_151 = arith.constant 0.000000e+00 : f32
    %max3A_152 = vector.broadcast %max3A_151 : f32 to vector<128x128xf32>
    %max3A_153 = arith.maximumf %add3A_150, %max3A_152 : vector<128x128xf32>
    %eq3A_154 = arith.constant 5.000000e+00 : bf16
    %eq3A_155 = vector.broadcast %eq3A_154 : bf16 to vector<128x512xbf16>
    %eq3A_156 = arith.cmpf oeq, %convert_element_type3A_90, %eq3A_155 : vector<128x512xbf16>
    %jit3A_157 = arith.constant 1.000000e+00 : bf16
    %jit3A_158 = arith.constant 0.000000e+00 : bf16
    %broadcast_in_dim3A_159 = vector.broadcast %jit3A_157 : bf16 to vector<128x512xbf16>
    %broadcast_in_dim3A_160 = vector.broadcast %jit3A_158 : bf16 to vector<128x512xbf16>
    %select_n3A_161 = arith.select %eq3A_156, %broadcast_in_dim3A_159, %broadcast_in_dim3A_160 : vector<128x512xi1>, vector<128x512xbf16>
    %dot_general3A_162 = arith.constant dense<0.000000e+00> : vector<128x128xf32>
    %dot_general3A_163 = tpu.matmul %select_n3A_161, %convert_element_type3A_91, %dot_general3A_162 {dimension_numbers = #tpu.dot_dimension_numbers<[1], [0], [0], [1], [0, 0, 1, 1], [], []>, transpose_lhs_hint = false} : vector<128x512xbf16>, vector<512x128xbf16>, vector<128x128xf32> -> vector<128x128xf32>
    %sub3A_164 = arith.subf %dot_general3A_163, %dot_general3A_27 : vector<128x128xf32>
    %add3A_165 = vector.broadcast %get3A_24 : vector<1x128xf32> to vector<128x128xf32>
    %add3A_166 = arith.addf %sub3A_164, %add3A_165 : vector<128x128xf32>
    %max3A_167 = arith.constant 0.000000e+00 : f32
    %max3A_168 = vector.broadcast %max3A_167 : f32 to vector<128x128xf32>
    %max3A_169 = arith.maximumf %add3A_166, %max3A_168 : vector<128x128xf32>
    %eq3A_170 = arith.constant 6.000000e+00 : bf16
    %eq3A_171 = vector.broadcast %eq3A_170 : bf16 to vector<128x512xbf16>
    %eq3A_172 = arith.cmpf oeq, %convert_element_type3A_90, %eq3A_171 : vector<128x512xbf16>
    %jit3A_173 = arith.constant 1.000000e+00 : bf16
    %jit3A_174 = arith.constant 0.000000e+00 : bf16
    %broadcast_in_dim3A_175 = vector.broadcast %jit3A_173 : bf16 to vector<128x512xbf16>
    %broadcast_in_dim3A_176 = vector.broadcast %jit3A_174 : bf16 to vector<128x512xbf16>
    %select_n3A_177 = arith.select %eq3A_172, %broadcast_in_dim3A_175, %broadcast_in_dim3A_176 : vector<128x512xi1>, vector<128x512xbf16>
    %dot_general3A_178 = arith.constant dense<0.000000e+00> : vector<128x128xf32>
    %dot_general3A_179 = tpu.matmul %select_n3A_177, %convert_element_type3A_91, %dot_general3A_178 {dimension_numbers = #tpu.dot_dimension_numbers<[1], [0], [0], [1], [0, 0, 1, 1], [], []>, transpose_lhs_hint = false} : vector<128x512xbf16>, vector<512x128xbf16>, vector<128x128xf32> -> vector<128x128xf32>
    %sub3A_180 = arith.subf %dot_general3A_179, %dot_general3A_27 : vector<128x128xf32>
    %add3A_181 = vector.broadcast %get3A_24 : vector<1x128xf32> to vector<128x128xf32>
    %add3A_182 = arith.addf %sub3A_180, %add3A_181 : vector<128x128xf32>
    %max3A_183 = arith.constant 0.000000e+00 : f32
    %max3A_184 = vector.broadcast %max3A_183 : f32 to vector<128x128xf32>
    %max3A_185 = arith.maximumf %add3A_182, %max3A_184 : vector<128x128xf32>
    %eq3A_186 = arith.constant 7.000000e+00 : bf16
    %eq3A_187 = vector.broadcast %eq3A_186 : bf16 to vector<128x512xbf16>
    %eq3A_188 = arith.cmpf oeq, %convert_element_type3A_90, %eq3A_187 : vector<128x512xbf16>
    %jit3A_189 = arith.constant 1.000000e+00 : bf16
    %jit3A_190 = arith.constant 0.000000e+00 : bf16
    %broadcast_in_dim3A_191 = vector.broadcast %jit3A_189 : bf16 to vector<128x512xbf16>
    %broadcast_in_dim3A_192 = vector.broadcast %jit3A_190 : bf16 to vector<128x512xbf16>
    %select_n3A_193 = arith.select %eq3A_188, %broadcast_in_dim3A_191, %broadcast_in_dim3A_192 : vector<128x512xi1>, vector<128x512xbf16>
    %dot_general3A_194 = arith.constant dense<0.000000e+00> : vector<128x128xf32>
    %dot_general3A_195 = tpu.matmul %select_n3A_193, %convert_element_type3A_91, %dot_general3A_194 {dimension_numbers = #tpu.dot_dimension_numbers<[1], [0], [0], [1], [0, 0, 1, 1], [], []>, transpose_lhs_hint = false} : vector<128x512xbf16>, vector<512x128xbf16>, vector<128x128xf32> -> vector<128x128xf32>
    %sub3A_196 = arith.subf %dot_general3A_195, %dot_general3A_27 : vector<128x128xf32>
    %add3A_197 = vector.broadcast %get3A_24 : vector<1x128xf32> to vector<128x128xf32>
    %add3A_198 = arith.addf %sub3A_196, %add3A_197 : vector<128x128xf32>
    %max3A_199 = arith.constant 0.000000e+00 : f32
    %max3A_200 = vector.broadcast %max3A_199 : f32 to vector<128x128xf32>
    %max3A_201 = arith.maximumf %add3A_198, %max3A_200 : vector<128x128xf32>
    %eq3A_202 = arith.constant 8.000000e+00 : bf16
    %eq3A_203 = vector.broadcast %eq3A_202 : bf16 to vector<128x512xbf16>
    %eq3A_204 = arith.cmpf oeq, %convert_element_type3A_90, %eq3A_203 : vector<128x512xbf16>
    %jit3A_205 = arith.constant 1.000000e+00 : bf16
    %jit3A_206 = arith.constant 0.000000e+00 : bf16
    %broadcast_in_dim3A_207 = vector.broadcast %jit3A_205 : bf16 to vector<128x512xbf16>
    %broadcast_in_dim3A_208 = vector.broadcast %jit3A_206 : bf16 to vector<128x512xbf16>
    %select_n3A_209 = arith.select %eq3A_204, %broadcast_in_dim3A_207, %broadcast_in_dim3A_208 : vector<128x512xi1>, vector<128x512xbf16>
    %dot_general3A_210 = arith.constant dense<0.000000e+00> : vector<128x128xf32>
    %dot_general3A_211 = tpu.matmul %select_n3A_209, %convert_element_type3A_91, %dot_general3A_210 {dimension_numbers = #tpu.dot_dimension_numbers<[1], [0], [0], [1], [0, 0, 1, 1], [], []>, transpose_lhs_hint = false} : vector<128x512xbf16>, vector<512x128xbf16>, vector<128x128xf32> -> vector<128x128xf32>
    %sub3A_212 = arith.subf %dot_general3A_211, %dot_general3A_27 : vector<128x128xf32>
    %add3A_213 = vector.broadcast %get3A_24 : vector<1x128xf32> to vector<128x128xf32>
    %add3A_214 = arith.addf %sub3A_212, %add3A_213 : vector<128x128xf32>
    %max3A_215 = arith.constant 0.000000e+00 : f32
    %max3A_216 = vector.broadcast %max3A_215 : f32 to vector<128x128xf32>
    %max3A_217 = arith.maximumf %add3A_214, %max3A_216 : vector<128x128xf32>
    %eq3A_218 = arith.constant 9.000000e+00 : bf16
    %eq3A_219 = vector.broadcast %eq3A_218 : bf16 to vector<128x512xbf16>
    %eq3A_220 = arith.cmpf oeq, %convert_element_type3A_90, %eq3A_219 : vector<128x512xbf16>
    %jit3A_221 = arith.constant 1.000000e+00 : bf16
    %jit3A_222 = arith.constant 0.000000e+00 : bf16
    %broadcast_in_dim3A_223 = vector.broadcast %jit3A_221 : bf16 to vector<128x512xbf16>
    %broadcast_in_dim3A_224 = vector.broadcast %jit3A_222 : bf16 to vector<128x512xbf16>
    %select_n3A_225 = arith.select %eq3A_220, %broadcast_in_dim3A_223, %broadcast_in_dim3A_224 : vector<128x512xi1>, vector<128x512xbf16>
    %dot_general3A_226 = arith.constant dense<0.000000e+00> : vector<128x128xf32>
    %dot_general3A_227 = tpu.matmul %select_n3A_225, %convert_element_type3A_91, %dot_general3A_226 {dimension_numbers = #tpu.dot_dimension_numbers<[1], [0], [0], [1], [0, 0, 1, 1], [], []>, transpose_lhs_hint = false} : vector<128x512xbf16>, vector<512x128xbf16>, vector<128x128xf32> -> vector<128x128xf32>
    %sub3A_228 = arith.subf %dot_general3A_227, %dot_general3A_27 : vector<128x128xf32>
    %add3A_229 = vector.broadcast %get3A_24 : vector<1x128xf32> to vector<128x128xf32>
    %add3A_230 = arith.addf %sub3A_228, %add3A_229 : vector<128x128xf32>
    %max3A_231 = arith.constant 0.000000e+00 : f32
    %max3A_232 = vector.broadcast %max3A_231 : f32 to vector<128x128xf32>
    %max3A_233 = arith.maximumf %add3A_230, %max3A_232 : vector<128x128xf32>
    %eq3A_234 = arith.constant 1.000000e+01 : bf16
    %eq3A_235 = vector.broadcast %eq3A_234 : bf16 to vector<128x512xbf16>
    %eq3A_236 = arith.cmpf oeq, %convert_element_type3A_90, %eq3A_235 : vector<128x512xbf16>
    %jit3A_237 = arith.constant 1.000000e+00 : bf16
    %jit3A_238 = arith.constant 0.000000e+00 : bf16
    %broadcast_in_dim3A_239 = vector.broadcast %jit3A_237 : bf16 to vector<128x512xbf16>
    %broadcast_in_dim3A_240 = vector.broadcast %jit3A_238 : bf16 to vector<128x512xbf16>
    %select_n3A_241 = arith.select %eq3A_236, %broadcast_in_dim3A_239, %broadcast_in_dim3A_240 : vector<128x512xi1>, vector<128x512xbf16>
    %dot_general3A_242 = arith.constant dense<0.000000e+00> : vector<128x128xf32>
    %dot_general3A_243 = tpu.matmul %select_n3A_241, %convert_element_type3A_91, %dot_general3A_242 {dimension_numbers = #tpu.dot_dimension_numbers<[1], [0], [0], [1], [0, 0, 1, 1], [], []>, transpose_lhs_hint = false} : vector<128x512xbf16>, vector<512x128xbf16>, vector<128x128xf32> -> vector<128x128xf32>
    %sub3A_244 = arith.subf %dot_general3A_243, %dot_general3A_27 : vector<128x128xf32>
    %add3A_245 = vector.broadcast %get3A_24 : vector<1x128xf32> to vector<128x128xf32>
    %add3A_246 = arith.addf %sub3A_244, %add3A_245 : vector<128x128xf32>
    %max3A_247 = arith.constant 0.000000e+00 : f32
    %max3A_248 = vector.broadcast %max3A_247 : f32 to vector<128x128xf32>
    %max3A_249 = arith.maximumf %add3A_246, %max3A_248 : vector<128x128xf32>
    %eq3A_250 = arith.constant 1.100000e+01 : bf16
    %eq3A_251 = vector.broadcast %eq3A_250 : bf16 to vector<128x512xbf16>
    %eq3A_252 = arith.cmpf oeq, %convert_element_type3A_90, %eq3A_251 : vector<128x512xbf16>
    %jit3A_253 = arith.constant 1.000000e+00 : bf16
    %jit3A_254 = arith.constant 0.000000e+00 : bf16
    %broadcast_in_dim3A_255 = vector.broadcast %jit3A_253 : bf16 to vector<128x512xbf16>
    %broadcast_in_dim3A_256 = vector.broadcast %jit3A_254 : bf16 to vector<128x512xbf16>
    %select_n3A_257 = arith.select %eq3A_252, %broadcast_in_dim3A_255, %broadcast_in_dim3A_256 : vector<128x512xi1>, vector<128x512xbf16>
    %dot_general3A_258 = arith.constant dense<0.000000e+00> : vector<128x128xf32>
    %dot_general3A_259 = tpu.matmul %select_n3A_257, %convert_element_type3A_91, %dot_general3A_258 {dimension_numbers = #tpu.dot_dimension_numbers<[1], [0], [0], [1], [0, 0, 1, 1], [], []>, transpose_lhs_hint = false} : vector<128x512xbf16>, vector<512x128xbf16>, vector<128x128xf32> -> vector<128x128xf32>
    %sub3A_260 = arith.subf %dot_general3A_259, %dot_general3A_27 : vector<128x128xf32>
    %add3A_261 = vector.broadcast %get3A_24 : vector<1x128xf32> to vector<128x128xf32>
    %add3A_262 = arith.addf %sub3A_260, %add3A_261 : vector<128x128xf32>
    %max3A_263 = arith.constant 0.000000e+00 : f32
    %max3A_264 = vector.broadcast %max3A_263 : f32 to vector<128x128xf32>
    %max3A_265 = arith.maximumf %add3A_262, %max3A_264 : vector<128x128xf32>
    %eq3A_266 = arith.constant 1.200000e+01 : bf16
    %eq3A_267 = vector.broadcast %eq3A_266 : bf16 to vector<128x512xbf16>
    %eq3A_268 = arith.cmpf oeq, %convert_element_type3A_90, %eq3A_267 : vector<128x512xbf16>
    %jit3A_269 = arith.constant 1.000000e+00 : bf16
    %jit3A_270 = arith.constant 0.000000e+00 : bf16
    %broadcast_in_dim3A_271 = vector.broadcast %jit3A_269 : bf16 to vector<128x512xbf16>
    %broadcast_in_dim3A_272 = vector.broadcast %jit3A_270 : bf16 to vector<128x512xbf16>
    %select_n3A_273 = arith.select %eq3A_268, %broadcast_in_dim3A_271, %broadcast_in_dim3A_272 : vector<128x512xi1>, vector<128x512xbf16>
    %dot_general3A_274 = arith.constant dense<0.000000e+00> : vector<128x128xf32>
    %dot_general3A_275 = tpu.matmul %select_n3A_273, %convert_element_type3A_91, %dot_general3A_274 {dimension_numbers = #tpu.dot_dimension_numbers<[1], [0], [0], [1], [0, 0, 1, 1], [], []>, transpose_lhs_hint = false} : vector<128x512xbf16>, vector<512x128xbf16>, vector<128x128xf32> -> vector<128x128xf32>
    %sub3A_276 = arith.subf %dot_general3A_275, %dot_general3A_27 : vector<128x128xf32>
    %add3A_277 = vector.broadcast %get3A_24 : vector<1x128xf32> to vector<128x128xf32>
    %add3A_278 = arith.addf %sub3A_276, %add3A_277 : vector<128x128xf32>
    %max3A_279 = arith.constant 0.000000e+00 : f32
    %max3A_280 = vector.broadcast %max3A_279 : f32 to vector<128x128xf32>
    %max3A_281 = arith.maximumf %add3A_278, %max3A_280 : vector<128x128xf32>
    %eq3A_282 = arith.constant 1.300000e+01 : bf16
    %eq3A_283 = vector.broadcast %eq3A_282 : bf16 to vector<128x512xbf16>
    %eq3A_284 = arith.cmpf oeq, %convert_element_type3A_90, %eq3A_283 : vector<128x512xbf16>
    %jit3A_285 = arith.constant 1.000000e+00 : bf16
    %jit3A_286 = arith.constant 0.000000e+00 : bf16
    %broadcast_in_dim3A_287 = vector.broadcast %jit3A_285 : bf16 to vector<128x512xbf16>
    %broadcast_in_dim3A_288 = vector.broadcast %jit3A_286 : bf16 to vector<128x512xbf16>
    %select_n3A_289 = arith.select %eq3A_284, %broadcast_in_dim3A_287, %broadcast_in_dim3A_288 : vector<128x512xi1>, vector<128x512xbf16>
    %dot_general3A_290 = arith.constant dense<0.000000e+00> : vector<128x128xf32>
    %dot_general3A_291 = tpu.matmul %select_n3A_289, %convert_element_type3A_91, %dot_general3A_290 {dimension_numbers = #tpu.dot_dimension_numbers<[1], [0], [0], [1], [0, 0, 1, 1], [], []>, transpose_lhs_hint = false} : vector<128x512xbf16>, vector<512x128xbf16>, vector<128x128xf32> -> vector<128x128xf32>
    %sub3A_292 = arith.subf %dot_general3A_291, %dot_general3A_27 : vector<128x128xf32>
    %add3A_293 = vector.broadcast %get3A_24 : vector<1x128xf32> to vector<128x128xf32>
    %add3A_294 = arith.addf %sub3A_292, %add3A_293 : vector<128x128xf32>
    %max3A_295 = arith.constant 0.000000e+00 : f32
    %max3A_296 = vector.broadcast %max3A_295 : f32 to vector<128x128xf32>
    %max3A_297 = arith.maximumf %add3A_294, %max3A_296 : vector<128x128xf32>
    %eq3A_298 = arith.constant 1.400000e+01 : bf16
    %eq3A_299 = vector.broadcast %eq3A_298 : bf16 to vector<128x512xbf16>
    %eq3A_300 = arith.cmpf oeq, %convert_element_type3A_90, %eq3A_299 : vector<128x512xbf16>
    %jit3A_301 = arith.constant 1.000000e+00 : bf16
    %jit3A_302 = arith.constant 0.000000e+00 : bf16
    %broadcast_in_dim3A_303 = vector.broadcast %jit3A_301 : bf16 to vector<128x512xbf16>
    %broadcast_in_dim3A_304 = vector.broadcast %jit3A_302 : bf16 to vector<128x512xbf16>
    %select_n3A_305 = arith.select %eq3A_300, %broadcast_in_dim3A_303, %broadcast_in_dim3A_304 : vector<128x512xi1>, vector<128x512xbf16>
    %dot_general3A_306 = arith.constant dense<0.000000e+00> : vector<128x128xf32>
    %dot_general3A_307 = tpu.matmul %select_n3A_305, %convert_element_type3A_91, %dot_general3A_306 {dimension_numbers = #tpu.dot_dimension_numbers<[1], [0], [0], [1], [0, 0, 1, 1], [], []>, transpose_lhs_hint = false} : vector<128x512xbf16>, vector<512x128xbf16>, vector<128x128xf32> -> vector<128x128xf32>
    %sub3A_308 = arith.subf %dot_general3A_307, %dot_general3A_27 : vector<128x128xf32>
    %add3A_309 = vector.broadcast %get3A_24 : vector<1x128xf32> to vector<128x128xf32>
    %add3A_310 = arith.addf %sub3A_308, %add3A_309 : vector<128x128xf32>
    %max3A_311 = arith.constant 0.000000e+00 : f32
    %max3A_312 = vector.broadcast %max3A_311 : f32 to vector<128x128xf32>
    %max3A_313 = arith.maximumf %add3A_310, %max3A_312 : vector<128x128xf32>
    %eq3A_314 = arith.constant 1.500000e+01 : bf16
    %eq3A_315 = vector.broadcast %eq3A_314 : bf16 to vector<128x512xbf16>
    %eq3A_316 = arith.cmpf oeq, %convert_element_type3A_90, %eq3A_315 : vector<128x512xbf16>
    %jit3A_317 = arith.constant 1.000000e+00 : bf16
    %jit3A_318 = arith.constant 0.000000e+00 : bf16
    %broadcast_in_dim3A_319 = vector.broadcast %jit3A_317 : bf16 to vector<128x512xbf16>
    %broadcast_in_dim3A_320 = vector.broadcast %jit3A_318 : bf16 to vector<128x512xbf16>
    %select_n3A_321 = arith.select %eq3A_316, %broadcast_in_dim3A_319, %broadcast_in_dim3A_320 : vector<128x512xi1>, vector<128x512xbf16>
    %dot_general3A_322 = arith.constant dense<0.000000e+00> : vector<128x128xf32>
    %dot_general3A_323 = tpu.matmul %select_n3A_321, %convert_element_type3A_91, %dot_general3A_322 {dimension_numbers = #tpu.dot_dimension_numbers<[1], [0], [0], [1], [0, 0, 1, 1], [], []>, transpose_lhs_hint = false} : vector<128x512xbf16>, vector<512x128xbf16>, vector<128x128xf32> -> vector<128x128xf32>
    %sub3A_324 = arith.subf %dot_general3A_323, %dot_general3A_27 : vector<128x128xf32>
    %add3A_325 = vector.broadcast %get3A_24 : vector<1x128xf32> to vector<128x128xf32>
    %add3A_326 = arith.addf %sub3A_324, %add3A_325 : vector<128x128xf32>
    %max3A_327 = arith.constant 0.000000e+00 : f32
    %max3A_328 = vector.broadcast %max3A_327 : f32 to vector<128x128xf32>
    %max3A_329 = arith.maximumf %add3A_326, %max3A_328 : vector<128x128xf32>
    %eq3A_330 = arith.constant 1.600000e+01 : bf16
    %eq3A_331 = vector.broadcast %eq3A_330 : bf16 to vector<128x512xbf16>
    %eq3A_332 = arith.cmpf oeq, %convert_element_type3A_90, %eq3A_331 : vector<128x512xbf16>
    %jit3A_333 = arith.constant 1.000000e+00 : bf16
    %jit3A_334 = arith.constant 0.000000e+00 : bf16
    %broadcast_in_dim3A_335 = vector.broadcast %jit3A_333 : bf16 to vector<128x512xbf16>
    %broadcast_in_dim3A_336 = vector.broadcast %jit3A_334 : bf16 to vector<128x512xbf16>
    %select_n3A_337 = arith.select %eq3A_332, %broadcast_in_dim3A_335, %broadcast_in_dim3A_336 : vector<128x512xi1>, vector<128x512xbf16>
    %dot_general3A_338 = arith.constant dense<0.000000e+00> : vector<128x128xf32>
    %dot_general3A_339 = tpu.matmul %select_n3A_337, %convert_element_type3A_91, %dot_general3A_338 {dimension_numbers = #tpu.dot_dimension_numbers<[1], [0], [0], [1], [0, 0, 1, 1], [], []>, transpose_lhs_hint = false} : vector<128x512xbf16>, vector<512x128xbf16>, vector<128x128xf32> -> vector<128x128xf32>
    %sub3A_340 = arith.subf %dot_general3A_339, %dot_general3A_27 : vector<128x128xf32>
    %add3A_341 = vector.broadcast %get3A_24 : vector<1x128xf32> to vector<128x128xf32>
    %add3A_342 = arith.addf %sub3A_340, %add3A_341 : vector<128x128xf32>
    %max3A_343 = arith.constant 0.000000e+00 : f32
    %max3A_344 = vector.broadcast %max3A_343 : f32 to vector<128x128xf32>
    %max3A_345 = arith.maximumf %add3A_342, %max3A_344 : vector<128x128xf32>
    %eq3A_346 = arith.constant 1.700000e+01 : bf16
    %eq3A_347 = vector.broadcast %eq3A_346 : bf16 to vector<128x512xbf16>
    %eq3A_348 = arith.cmpf oeq, %convert_element_type3A_90, %eq3A_347 : vector<128x512xbf16>
    %jit3A_349 = arith.constant 1.000000e+00 : bf16
    %jit3A_350 = arith.constant 0.000000e+00 : bf16
    %broadcast_in_dim3A_351 = vector.broadcast %jit3A_349 : bf16 to vector<128x512xbf16>
    %broadcast_in_dim3A_352 = vector.broadcast %jit3A_350 : bf16 to vector<128x512xbf16>
    %select_n3A_353 = arith.select %eq3A_348, %broadcast_in_dim3A_351, %broadcast_in_dim3A_352 : vector<128x512xi1>, vector<128x512xbf16>
    %dot_general3A_354 = arith.constant dense<0.000000e+00> : vector<128x128xf32>
    %dot_general3A_355 = tpu.matmul %select_n3A_353, %convert_element_type3A_91, %dot_general3A_354 {dimension_numbers = #tpu.dot_dimension_numbers<[1], [0], [0], [1], [0, 0, 1, 1], [], []>, transpose_lhs_hint = false} : vector<128x512xbf16>, vector<512x128xbf16>, vector<128x128xf32> -> vector<128x128xf32>
    %sub3A_356 = arith.subf %dot_general3A_355, %dot_general3A_27 : vector<128x128xf32>
    %add3A_357 = vector.broadcast %get3A_24 : vector<1x128xf32> to vector<128x128xf32>
    %add3A_358 = arith.addf %sub3A_356, %add3A_357 : vector<128x128xf32>
    %max3A_359 = arith.constant 0.000000e+00 : f32
    %max3A_360 = vector.broadcast %max3A_359 : f32 to vector<128x128xf32>
    %max3A_361 = arith.maximumf %add3A_358, %max3A_360 : vector<128x128xf32>
    %eq3A_362 = arith.constant 1.800000e+01 : bf16
    %eq3A_363 = vector.broadcast %eq3A_362 : bf16 to vector<128x512xbf16>
    %eq3A_364 = arith.cmpf oeq, %convert_element_type3A_90, %eq3A_363 : vector<128x512xbf16>
    %jit3A_365 = arith.constant 1.000000e+00 : bf16
    %jit3A_366 = arith.constant 0.000000e+00 : bf16
    %broadcast_in_dim3A_367 = vector.broadcast %jit3A_365 : bf16 to vector<128x512xbf16>
    %broadcast_in_dim3A_368 = vector.broadcast %jit3A_366 : bf16 to vector<128x512xbf16>
    %select_n3A_369 = arith.select %eq3A_364, %broadcast_in_dim3A_367, %broadcast_in_dim3A_368 : vector<128x512xi1>, vector<128x512xbf16>
    %dot_general3A_370 = arith.constant dense<0.000000e+00> : vector<128x128xf32>
    %dot_general3A_371 = tpu.matmul %select_n3A_369, %convert_element_type3A_91, %dot_general3A_370 {dimension_numbers = #tpu.dot_dimension_numbers<[1], [0], [0], [1], [0, 0, 1, 1], [], []>, transpose_lhs_hint = false} : vector<128x512xbf16>, vector<512x128xbf16>, vector<128x128xf32> -> vector<128x128xf32>
    %sub3A_372 = arith.subf %dot_general3A_371, %dot_general3A_27 : vector<128x128xf32>
    %add3A_373 = vector.broadcast %get3A_24 : vector<1x128xf32> to vector<128x128xf32>
    %add3A_374 = arith.addf %sub3A_372, %add3A_373 : vector<128x128xf32>
    %max3A_375 = arith.constant 0.000000e+00 : f32
    %max3A_376 = vector.broadcast %max3A_375 : f32 to vector<128x128xf32>
    %max3A_377 = arith.maximumf %add3A_374, %max3A_376 : vector<128x128xf32>
    %eq3A_378 = arith.constant 1.900000e+01 : bf16
    %eq3A_379 = vector.broadcast %eq3A_378 : bf16 to vector<128x512xbf16>
    %eq3A_380 = arith.cmpf oeq, %convert_element_type3A_90, %eq3A_379 : vector<128x512xbf16>
    %jit3A_381 = arith.constant 1.000000e+00 : bf16
    %jit3A_382 = arith.constant 0.000000e+00 : bf16
    %broadcast_in_dim3A_383 = vector.broadcast %jit3A_381 : bf16 to vector<128x512xbf16>
    %broadcast_in_dim3A_384 = vector.broadcast %jit3A_382 : bf16 to vector<128x512xbf16>
    %select_n3A_385 = arith.select %eq3A_380, %broadcast_in_dim3A_383, %broadcast_in_dim3A_384 : vector<128x512xi1>, vector<128x512xbf16>
    %dot_general3A_386 = arith.constant dense<0.000000e+00> : vector<128x128xf32>
    %dot_general3A_387 = tpu.matmul %select_n3A_385, %convert_element_type3A_91, %dot_general3A_386 {dimension_numbers = #tpu.dot_dimension_numbers<[1], [0], [0], [1], [0, 0, 1, 1], [], []>, transpose_lhs_hint = false} : vector<128x512xbf16>, vector<512x128xbf16>, vector<128x128xf32> -> vector<128x128xf32>
    %sub3A_388 = arith.subf %dot_general3A_387, %dot_general3A_27 : vector<128x128xf32>
    %add3A_389 = vector.broadcast %get3A_24 : vector<1x128xf32> to vector<128x128xf32>
    %add3A_390 = arith.addf %sub3A_388, %add3A_389 : vector<128x128xf32>
    %max3A_391 = arith.constant 0.000000e+00 : f32
    %max3A_392 = vector.broadcast %max3A_391 : f32 to vector<128x128xf32>
    %max3A_393 = arith.maximumf %add3A_390, %max3A_392 : vector<128x128xf32>
    %eq3A_394 = arith.constant 2.000000e+01 : bf16
    %eq3A_395 = vector.broadcast %eq3A_394 : bf16 to vector<128x512xbf16>
    %eq3A_396 = arith.cmpf oeq, %convert_element_type3A_90, %eq3A_395 : vector<128x512xbf16>
    %jit3A_397 = arith.constant 1.000000e+00 : bf16
    %jit3A_398 = arith.constant 0.000000e+00 : bf16
    %broadcast_in_dim3A_399 = vector.broadcast %jit3A_397 : bf16 to vector<128x512xbf16>
    %broadcast_in_dim3A_400 = vector.broadcast %jit3A_398 : bf16 to vector<128x512xbf16>
    %select_n3A_401 = arith.select %eq3A_396, %broadcast_in_dim3A_399, %broadcast_in_dim3A_400 : vector<128x512xi1>, vector<128x512xbf16>
    %dot_general3A_402 = arith.constant dense<0.000000e+00> : vector<128x128xf32>
    %dot_general3A_403 = tpu.matmul %select_n3A_401, %convert_element_type3A_91, %dot_general3A_402 {dimension_numbers = #tpu.dot_dimension_numbers<[1], [0], [0], [1], [0, 0, 1, 1], [], []>, transpose_lhs_hint = false} : vector<128x512xbf16>, vector<512x128xbf16>, vector<128x128xf32> -> vector<128x128xf32>
    %sub3A_404 = arith.subf %dot_general3A_403, %dot_general3A_27 : vector<128x128xf32>
    %add3A_405 = vector.broadcast %get3A_24 : vector<1x128xf32> to vector<128x128xf32>
    %add3A_406 = arith.addf %sub3A_404, %add3A_405 : vector<128x128xf32>
    %max3A_407 = arith.constant 0.000000e+00 : f32
    %max3A_408 = vector.broadcast %max3A_407 : f32 to vector<128x128xf32>
    %max3A_409 = arith.maximumf %add3A_406, %max3A_408 : vector<128x128xf32>
    %eq3A_410 = arith.constant 2.100000e+01 : bf16
    %eq3A_411 = vector.broadcast %eq3A_410 : bf16 to vector<128x512xbf16>
    %eq3A_412 = arith.cmpf oeq, %convert_element_type3A_90, %eq3A_411 : vector<128x512xbf16>
    %jit3A_413 = arith.constant 1.000000e+00 : bf16
    %jit3A_414 = arith.constant 0.000000e+00 : bf16
    %broadcast_in_dim3A_415 = vector.broadcast %jit3A_413 : bf16 to vector<128x512xbf16>
    %broadcast_in_dim3A_416 = vector.broadcast %jit3A_414 : bf16 to vector<128x512xbf16>
    %select_n3A_417 = arith.select %eq3A_412, %broadcast_in_dim3A_415, %broadcast_in_dim3A_416 : vector<128x512xi1>, vector<128x512xbf16>
    %dot_general3A_418 = arith.constant dense<0.000000e+00> : vector<128x128xf32>
    %dot_general3A_419 = tpu.matmul %select_n3A_417, %convert_element_type3A_91, %dot_general3A_418 {dimension_numbers = #tpu.dot_dimension_numbers<[1], [0], [0], [1], [0, 0, 1, 1], [], []>, transpose_lhs_hint = false} : vector<128x512xbf16>, vector<512x128xbf16>, vector<128x128xf32> -> vector<128x128xf32>
    %sub3A_420 = arith.subf %dot_general3A_419, %dot_general3A_27 : vector<128x128xf32>
    %add3A_421 = vector.broadcast %get3A_24 : vector<1x128xf32> to vector<128x128xf32>
    %add3A_422 = arith.addf %sub3A_420, %add3A_421 : vector<128x128xf32>
    %max3A_423 = arith.constant 0.000000e+00 : f32
    %max3A_424 = vector.broadcast %max3A_423 : f32 to vector<128x128xf32>
    %max3A_425 = arith.maximumf %add3A_422, %max3A_424 : vector<128x128xf32>
    %eq3A_426 = arith.constant 2.200000e+01 : bf16
    %eq3A_427 = vector.broadcast %eq3A_426 : bf16 to vector<128x512xbf16>
    %eq3A_428 = arith.cmpf oeq, %convert_element_type3A_90, %eq3A_427 : vector<128x512xbf16>
    %jit3A_429 = arith.constant 1.000000e+00 : bf16
    %jit3A_430 = arith.constant 0.000000e+00 : bf16
    %broadcast_in_dim3A_431 = vector.broadcast %jit3A_429 : bf16 to vector<128x512xbf16>
    %broadcast_in_dim3A_432 = vector.broadcast %jit3A_430 : bf16 to vector<128x512xbf16>
    %select_n3A_433 = arith.select %eq3A_428, %broadcast_in_dim3A_431, %broadcast_in_dim3A_432 : vector<128x512xi1>, vector<128x512xbf16>
    %dot_general3A_434 = arith.constant dense<0.000000e+00> : vector<128x128xf32>
    %dot_general3A_435 = tpu.matmul %select_n3A_433, %convert_element_type3A_91, %dot_general3A_434 {dimension_numbers = #tpu.dot_dimension_numbers<[1], [0], [0], [1], [0, 0, 1, 1], [], []>, transpose_lhs_hint = false} : vector<128x512xbf16>, vector<512x128xbf16>, vector<128x128xf32> -> vector<128x128xf32>
    %sub3A_436 = arith.subf %dot_general3A_435, %dot_general3A_27 : vector<128x128xf32>
    %add3A_437 = vector.broadcast %get3A_24 : vector<1x128xf32> to vector<128x128xf32>
    %add3A_438 = arith.addf %sub3A_436, %add3A_437 : vector<128x128xf32>
    %max3A_439 = arith.constant 0.000000e+00 : f32
    %max3A_440 = vector.broadcast %max3A_439 : f32 to vector<128x128xf32>
    %max3A_441 = arith.maximumf %add3A_438, %max3A_440 : vector<128x128xf32>
    %eq3A_442 = arith.constant 2.300000e+01 : bf16
    %eq3A_443 = vector.broadcast %eq3A_442 : bf16 to vector<128x512xbf16>
    %eq3A_444 = arith.cmpf oeq, %convert_element_type3A_90, %eq3A_443 : vector<128x512xbf16>
    %jit3A_445 = arith.constant 1.000000e+00 : bf16
    %jit3A_446 = arith.constant 0.000000e+00 : bf16
    %broadcast_in_dim3A_447 = vector.broadcast %jit3A_445 : bf16 to vector<128x512xbf16>
    %broadcast_in_dim3A_448 = vector.broadcast %jit3A_446 : bf16 to vector<128x512xbf16>
    %select_n3A_449 = arith.select %eq3A_444, %broadcast_in_dim3A_447, %broadcast_in_dim3A_448 : vector<128x512xi1>, vector<128x512xbf16>
    %dot_general3A_450 = arith.constant dense<0.000000e+00> : vector<128x128xf32>
    %dot_general3A_451 = tpu.matmul %select_n3A_449, %convert_element_type3A_91, %dot_general3A_450 {dimension_numbers = #tpu.dot_dimension_numbers<[1], [0], [0], [1], [0, 0, 1, 1], [], []>, transpose_lhs_hint = false} : vector<128x512xbf16>, vector<512x128xbf16>, vector<128x128xf32> -> vector<128x128xf32>
    %sub3A_452 = arith.subf %dot_general3A_451, %dot_general3A_27 : vector<128x128xf32>
    %add3A_453 = vector.broadcast %get3A_24 : vector<1x128xf32> to vector<128x128xf32>
    %add3A_454 = arith.addf %sub3A_452, %add3A_453 : vector<128x128xf32>
    %max3A_455 = arith.constant 0.000000e+00 : f32
    %max3A_456 = vector.broadcast %max3A_455 : f32 to vector<128x128xf32>
    %max3A_457 = arith.maximumf %add3A_454, %max3A_456 : vector<128x128xf32>
    %eq3A_458 = arith.constant 2.400000e+01 : bf16
    %eq3A_459 = vector.broadcast %eq3A_458 : bf16 to vector<128x512xbf16>
    %eq3A_460 = arith.cmpf oeq, %convert_element_type3A_90, %eq3A_459 : vector<128x512xbf16>
    %jit3A_461 = arith.constant 1.000000e+00 : bf16
    %jit3A_462 = arith.constant 0.000000e+00 : bf16
    %broadcast_in_dim3A_463 = vector.broadcast %jit3A_461 : bf16 to vector<128x512xbf16>
    %broadcast_in_dim3A_464 = vector.broadcast %jit3A_462 : bf16 to vector<128x512xbf16>
    %select_n3A_465 = arith.select %eq3A_460, %broadcast_in_dim3A_463, %broadcast_in_dim3A_464 : vector<128x512xi1>, vector<128x512xbf16>
    %dot_general3A_466 = arith.constant dense<0.000000e+00> : vector<128x128xf32>
    %dot_general3A_467 = tpu.matmul %select_n3A_465, %convert_element_type3A_91, %dot_general3A_466 {dimension_numbers = #tpu.dot_dimension_numbers<[1], [0], [0], [1], [0, 0, 1, 1], [], []>, transpose_lhs_hint = false} : vector<128x512xbf16>, vector<512x128xbf16>, vector<128x128xf32> -> vector<128x128xf32>
    %sub3A_468 = arith.subf %dot_general3A_467, %dot_general3A_27 : vector<128x128xf32>
    %add3A_469 = vector.broadcast %get3A_24 : vector<1x128xf32> to vector<128x128xf32>
    %add3A_470 = arith.addf %sub3A_468, %add3A_469 : vector<128x128xf32>
    %max3A_471 = arith.constant 0.000000e+00 : f32
    %max3A_472 = vector.broadcast %max3A_471 : f32 to vector<128x128xf32>
    %max3A_473 = arith.maximumf %add3A_470, %max3A_472 : vector<128x128xf32>
    %eq3A_474 = arith.constant 2.500000e+01 : bf16
    %eq3A_475 = vector.broadcast %eq3A_474 : bf16 to vector<128x512xbf16>
    %eq3A_476 = arith.cmpf oeq, %convert_element_type3A_90, %eq3A_475 : vector<128x512xbf16>
    %jit3A_477 = arith.constant 1.000000e+00 : bf16
    %jit3A_478 = arith.constant 0.000000e+00 : bf16
    %broadcast_in_dim3A_479 = vector.broadcast %jit3A_477 : bf16 to vector<128x512xbf16>
    %broadcast_in_dim3A_480 = vector.broadcast %jit3A_478 : bf16 to vector<128x512xbf16>
    %select_n3A_481 = arith.select %eq3A_476, %broadcast_in_dim3A_479, %broadcast_in_dim3A_480 : vector<128x512xi1>, vector<128x512xbf16>
    %dot_general3A_482 = arith.constant dense<0.000000e+00> : vector<128x128xf32>
    %dot_general3A_483 = tpu.matmul %select_n3A_481, %convert_element_type3A_91, %dot_general3A_482 {dimension_numbers = #tpu.dot_dimension_numbers<[1], [0], [0], [1], [0, 0, 1, 1], [], []>, transpose_lhs_hint = false} : vector<128x512xbf16>, vector<512x128xbf16>, vector<128x128xf32> -> vector<128x128xf32>
    %sub3A_484 = arith.subf %dot_general3A_483, %dot_general3A_27 : vector<128x128xf32>
    %add3A_485 = vector.broadcast %get3A_24 : vector<1x128xf32> to vector<128x128xf32>
    %add3A_486 = arith.addf %sub3A_484, %add3A_485 : vector<128x128xf32>
    %max3A_487 = arith.constant 0.000000e+00 : f32
    %max3A_488 = vector.broadcast %max3A_487 : f32 to vector<128x128xf32>
    %max3A_489 = arith.maximumf %add3A_486, %max3A_488 : vector<128x128xf32>
    %eq3A_490 = arith.constant 2.600000e+01 : bf16
    %eq3A_491 = vector.broadcast %eq3A_490 : bf16 to vector<128x512xbf16>
    %eq3A_492 = arith.cmpf oeq, %convert_element_type3A_90, %eq3A_491 : vector<128x512xbf16>
    %jit3A_493 = arith.constant 1.000000e+00 : bf16
    %jit3A_494 = arith.constant 0.000000e+00 : bf16
    %broadcast_in_dim3A_495 = vector.broadcast %jit3A_493 : bf16 to vector<128x512xbf16>
    %broadcast_in_dim3A_496 = vector.broadcast %jit3A_494 : bf16 to vector<128x512xbf16>
    %select_n3A_497 = arith.select %eq3A_492, %broadcast_in_dim3A_495, %broadcast_in_dim3A_496 : vector<128x512xi1>, vector<128x512xbf16>
    %dot_general3A_498 = arith.constant dense<0.000000e+00> : vector<128x128xf32>
    %dot_general3A_499 = tpu.matmul %select_n3A_497, %convert_element_type3A_91, %dot_general3A_498 {dimension_numbers = #tpu.dot_dimension_numbers<[1], [0], [0], [1], [0, 0, 1, 1], [], []>, transpose_lhs_hint = false} : vector<128x512xbf16>, vector<512x128xbf16>, vector<128x128xf32> -> vector<128x128xf32>
    %sub3A_500 = arith.subf %dot_general3A_499, %dot_general3A_27 : vector<128x128xf32>
    %add3A_501 = vector.broadcast %get3A_24 : vector<1x128xf32> to vector<128x128xf32>
    %add3A_502 = arith.addf %sub3A_500, %add3A_501 : vector<128x128xf32>
    %max3A_503 = arith.constant 0.000000e+00 : f32
    %max3A_504 = vector.broadcast %max3A_503 : f32 to vector<128x128xf32>
    %max3A_505 = arith.maximumf %add3A_502, %max3A_504 : vector<128x128xf32>
    %eq3A_506 = arith.constant 2.700000e+01 : bf16
    %eq3A_507 = vector.broadcast %eq3A_506 : bf16 to vector<128x512xbf16>
    %eq3A_508 = arith.cmpf oeq, %convert_element_type3A_90, %eq3A_507 : vector<128x512xbf16>
    %jit3A_509 = arith.constant 1.000000e+00 : bf16
    %jit3A_510 = arith.constant 0.000000e+00 : bf16
    %broadcast_in_dim3A_511 = vector.broadcast %jit3A_509 : bf16 to vector<128x512xbf16>
    %broadcast_in_dim3A_512 = vector.broadcast %jit3A_510 : bf16 to vector<128x512xbf16>
    %select_n3A_513 = arith.select %eq3A_508, %broadcast_in_dim3A_511, %broadcast_in_dim3A_512 : vector<128x512xi1>, vector<128x512xbf16>
    %dot_general3A_514 = arith.constant dense<0.000000e+00> : vector<128x128xf32>
    %dot_general3A_515 = tpu.matmul %select_n3A_513, %convert_element_type3A_91, %dot_general3A_514 {dimension_numbers = #tpu.dot_dimension_numbers<[1], [0], [0], [1], [0, 0, 1, 1], [], []>, transpose_lhs_hint = false} : vector<128x512xbf16>, vector<512x128xbf16>, vector<128x128xf32> -> vector<128x128xf32>
    %sub3A_516 = arith.subf %dot_general3A_515, %dot_general3A_27 : vector<128x128xf32>
    %add3A_517 = vector.broadcast %get3A_24 : vector<1x128xf32> to vector<128x128xf32>
    %add3A_518 = arith.addf %sub3A_516, %add3A_517 : vector<128x128xf32>
    %max3A_519 = arith.constant 0.000000e+00 : f32
    %max3A_520 = vector.broadcast %max3A_519 : f32 to vector<128x128xf32>
    %max3A_521 = arith.maximumf %add3A_518, %max3A_520 : vector<128x128xf32>
    %eq3A_522 = arith.constant 2.800000e+01 : bf16
    %eq3A_523 = vector.broadcast %eq3A_522 : bf16 to vector<128x512xbf16>
    %eq3A_524 = arith.cmpf oeq, %convert_element_type3A_90, %eq3A_523 : vector<128x512xbf16>
    %jit3A_525 = arith.constant 1.000000e+00 : bf16
    %jit3A_526 = arith.constant 0.000000e+00 : bf16
    %broadcast_in_dim3A_527 = vector.broadcast %jit3A_525 : bf16 to vector<128x512xbf16>
    %broadcast_in_dim3A_528 = vector.broadcast %jit3A_526 : bf16 to vector<128x512xbf16>
    %select_n3A_529 = arith.select %eq3A_524, %broadcast_in_dim3A_527, %broadcast_in_dim3A_528 : vector<128x512xi1>, vector<128x512xbf16>
    %dot_general3A_530 = arith.constant dense<0.000000e+00> : vector<128x128xf32>
    %dot_general3A_531 = tpu.matmul %select_n3A_529, %convert_element_type3A_91, %dot_general3A_530 {dimension_numbers = #tpu.dot_dimension_numbers<[1], [0], [0], [1], [0, 0, 1, 1], [], []>, transpose_lhs_hint = false} : vector<128x512xbf16>, vector<512x128xbf16>, vector<128x128xf32> -> vector<128x128xf32>
    %sub3A_532 = arith.subf %dot_general3A_531, %dot_general3A_27 : vector<128x128xf32>
    %add3A_533 = vector.broadcast %get3A_24 : vector<1x128xf32> to vector<128x128xf32>
    %add3A_534 = arith.addf %sub3A_532, %add3A_533 : vector<128x128xf32>
    %max3A_535 = arith.constant 0.000000e+00 : f32
    %max3A_536 = vector.broadcast %max3A_535 : f32 to vector<128x128xf32>
    %max3A_537 = arith.maximumf %add3A_534, %max3A_536 : vector<128x128xf32>
    %eq3A_538 = arith.constant 2.900000e+01 : bf16
    %eq3A_539 = vector.broadcast %eq3A_538 : bf16 to vector<128x512xbf16>
    %eq3A_540 = arith.cmpf oeq, %convert_element_type3A_90, %eq3A_539 : vector<128x512xbf16>
    %jit3A_541 = arith.constant 1.000000e+00 : bf16
    %jit3A_542 = arith.constant 0.000000e+00 : bf16
    %broadcast_in_dim3A_543 = vector.broadcast %jit3A_541 : bf16 to vector<128x512xbf16>
    %broadcast_in_dim3A_544 = vector.broadcast %jit3A_542 : bf16 to vector<128x512xbf16>
    %select_n3A_545 = arith.select %eq3A_540, %broadcast_in_dim3A_543, %broadcast_in_dim3A_544 : vector<128x512xi1>, vector<128x512xbf16>
    %dot_general3A_546 = arith.constant dense<0.000000e+00> : vector<128x128xf32>
    %dot_general3A_547 = tpu.matmul %select_n3A_545, %convert_element_type3A_91, %dot_general3A_546 {dimension_numbers = #tpu.dot_dimension_numbers<[1], [0], [0], [1], [0, 0, 1, 1], [], []>, transpose_lhs_hint = false} : vector<128x512xbf16>, vector<512x128xbf16>, vector<128x128xf32> -> vector<128x128xf32>
    %sub3A_548 = arith.subf %dot_general3A_547, %dot_general3A_27 : vector<128x128xf32>
    %add3A_549 = vector.broadcast %get3A_24 : vector<1x128xf32> to vector<128x128xf32>
    %add3A_550 = arith.addf %sub3A_548, %add3A_549 : vector<128x128xf32>
    %max3A_551 = arith.constant 0.000000e+00 : f32
    %max3A_552 = vector.broadcast %max3A_551 : f32 to vector<128x128xf32>
    %max3A_553 = arith.maximumf %add3A_550, %max3A_552 : vector<128x128xf32>
    %eq3A_554 = arith.constant 3.000000e+01 : bf16
    %eq3A_555 = vector.broadcast %eq3A_554 : bf16 to vector<128x512xbf16>
    %eq3A_556 = arith.cmpf oeq, %convert_element_type3A_90, %eq3A_555 : vector<128x512xbf16>
    %jit3A_557 = arith.constant 1.000000e+00 : bf16
    %jit3A_558 = arith.constant 0.000000e+00 : bf16
    %broadcast_in_dim3A_559 = vector.broadcast %jit3A_557 : bf16 to vector<128x512xbf16>
    %broadcast_in_dim3A_560 = vector.broadcast %jit3A_558 : bf16 to vector<128x512xbf16>
    %select_n3A_561 = arith.select %eq3A_556, %broadcast_in_dim3A_559, %broadcast_in_dim3A_560 : vector<128x512xi1>, vector<128x512xbf16>
    %dot_general3A_562 = arith.constant dense<0.000000e+00> : vector<128x128xf32>
    %dot_general3A_563 = tpu.matmul %select_n3A_561, %convert_element_type3A_91, %dot_general3A_562 {dimension_numbers = #tpu.dot_dimension_numbers<[1], [0], [0], [1], [0, 0, 1, 1], [], []>, transpose_lhs_hint = false} : vector<128x512xbf16>, vector<512x128xbf16>, vector<128x128xf32> -> vector<128x128xf32>
    %sub3A_564 = arith.subf %dot_general3A_563, %dot_general3A_27 : vector<128x128xf32>
    %add3A_565 = vector.broadcast %get3A_24 : vector<1x128xf32> to vector<128x128xf32>
    %add3A_566 = arith.addf %sub3A_564, %add3A_565 : vector<128x128xf32>
    %max3A_567 = arith.constant 0.000000e+00 : f32
    %max3A_568 = vector.broadcast %max3A_567 : f32 to vector<128x128xf32>
    %max3A_569 = arith.maximumf %add3A_566, %max3A_568 : vector<128x128xf32>
    %eq3A_570 = arith.constant 3.100000e+01 : bf16
    %eq3A_571 = vector.broadcast %eq3A_570 : bf16 to vector<128x512xbf16>
    %eq3A_572 = arith.cmpf oeq, %convert_element_type3A_90, %eq3A_571 : vector<128x512xbf16>
    %jit3A_573 = arith.constant 1.000000e+00 : bf16
    %jit3A_574 = arith.constant 0.000000e+00 : bf16
    %broadcast_in_dim3A_575 = vector.broadcast %jit3A_573 : bf16 to vector<128x512xbf16>
    %broadcast_in_dim3A_576 = vector.broadcast %jit3A_574 : bf16 to vector<128x512xbf16>
    %select_n3A_577 = arith.select %eq3A_572, %broadcast_in_dim3A_575, %broadcast_in_dim3A_576 : vector<128x512xi1>, vector<128x512xbf16>
    %dot_general3A_578 = arith.constant dense<0.000000e+00> : vector<128x128xf32>
    %dot_general3A_579 = tpu.matmul %select_n3A_577, %convert_element_type3A_91, %dot_general3A_578 {dimension_numbers = #tpu.dot_dimension_numbers<[1], [0], [0], [1], [0, 0, 1, 1], [], []>, transpose_lhs_hint = false} : vector<128x512xbf16>, vector<512x128xbf16>, vector<128x128xf32> -> vector<128x128xf32>
    %sub3A_580 = arith.subf %dot_general3A_579, %dot_general3A_27 : vector<128x128xf32>
    %add3A_581 = vector.broadcast %get3A_24 : vector<1x128xf32> to vector<128x128xf32>
    %add3A_582 = arith.addf %sub3A_580, %add3A_581 : vector<128x128xf32>
    %max3A_583 = arith.constant 0.000000e+00 : f32
    %max3A_584 = vector.broadcast %max3A_583 : f32 to vector<128x128xf32>
    %max3A_585 = arith.maximumf %add3A_582, %max3A_584 : vector<128x128xf32>
    %eq3A_586 = arith.constant 3.200000e+01 : bf16
    %eq3A_587 = vector.broadcast %eq3A_586 : bf16 to vector<128x512xbf16>
    %eq3A_588 = arith.cmpf oeq, %convert_element_type3A_90, %eq3A_587 : vector<128x512xbf16>
    %jit3A_589 = arith.constant 1.000000e+00 : bf16
    %jit3A_590 = arith.constant 0.000000e+00 : bf16
    %broadcast_in_dim3A_591 = vector.broadcast %jit3A_589 : bf16 to vector<128x512xbf16>
    %broadcast_in_dim3A_592 = vector.broadcast %jit3A_590 : bf16 to vector<128x512xbf16>
    %select_n3A_593 = arith.select %eq3A_588, %broadcast_in_dim3A_591, %broadcast_in_dim3A_592 : vector<128x512xi1>, vector<128x512xbf16>
    %dot_general3A_594 = arith.constant dense<0.000000e+00> : vector<128x128xf32>
    %dot_general3A_595 = tpu.matmul %select_n3A_593, %convert_element_type3A_91, %dot_general3A_594 {dimension_numbers = #tpu.dot_dimension_numbers<[1], [0], [0], [1], [0, 0, 1, 1], [], []>, transpose_lhs_hint = false} : vector<128x512xbf16>, vector<512x128xbf16>, vector<128x128xf32> -> vector<128x128xf32>
    %sub3A_596 = arith.subf %dot_general3A_595, %dot_general3A_27 : vector<128x128xf32>
    %add3A_597 = vector.broadcast %get3A_24 : vector<1x128xf32> to vector<128x128xf32>
    %add3A_598 = arith.addf %sub3A_596, %add3A_597 : vector<128x128xf32>
    %max3A_599 = arith.constant 0.000000e+00 : f32
    %max3A_600 = vector.broadcast %max3A_599 : f32 to vector<128x128xf32>
    %max3A_601 = arith.maximumf %add3A_598, %max3A_600 : vector<128x128xf32>
    %eq3A_602 = arith.constant 3.300000e+01 : bf16
    %eq3A_603 = vector.broadcast %eq3A_602 : bf16 to vector<128x512xbf16>
    %eq3A_604 = arith.cmpf oeq, %convert_element_type3A_90, %eq3A_603 : vector<128x512xbf16>
    %jit3A_605 = arith.constant 1.000000e+00 : bf16
    %jit3A_606 = arith.constant 0.000000e+00 : bf16
    %broadcast_in_dim3A_607 = vector.broadcast %jit3A_605 : bf16 to vector<128x512xbf16>
    %broadcast_in_dim3A_608 = vector.broadcast %jit3A_606 : bf16 to vector<128x512xbf16>
    %select_n3A_609 = arith.select %eq3A_604, %broadcast_in_dim3A_607, %broadcast_in_dim3A_608 : vector<128x512xi1>, vector<128x512xbf16>
    %dot_general3A_610 = arith.constant dense<0.000000e+00> : vector<128x128xf32>
    %dot_general3A_611 = tpu.matmul %select_n3A_609, %convert_element_type3A_91, %dot_general3A_610 {dimension_numbers = #tpu.dot_dimension_numbers<[1], [0], [0], [1], [0, 0, 1, 1], [], []>, transpose_lhs_hint = false} : vector<128x512xbf16>, vector<512x128xbf16>, vector<128x128xf32> -> vector<128x128xf32>
    %sub3A_612 = arith.subf %dot_general3A_611, %dot_general3A_27 : vector<128x128xf32>
    %add3A_613 = vector.broadcast %get3A_24 : vector<1x128xf32> to vector<128x128xf32>
    %add3A_614 = arith.addf %sub3A_612, %add3A_613 : vector<128x128xf32>
    %max3A_615 = arith.constant 0.000000e+00 : f32
    %max3A_616 = vector.broadcast %max3A_615 : f32 to vector<128x128xf32>
    %max3A_617 = arith.maximumf %add3A_614, %max3A_616 : vector<128x128xf32>
    %eq3A_618 = arith.constant 3.400000e+01 : bf16
    %eq3A_619 = vector.broadcast %eq3A_618 : bf16 to vector<128x512xbf16>
    %eq3A_620 = arith.cmpf oeq, %convert_element_type3A_90, %eq3A_619 : vector<128x512xbf16>
    %jit3A_621 = arith.constant 1.000000e+00 : bf16
    %jit3A_622 = arith.constant 0.000000e+00 : bf16
    %broadcast_in_dim3A_623 = vector.broadcast %jit3A_621 : bf16 to vector<128x512xbf16>
    %broadcast_in_dim3A_624 = vector.broadcast %jit3A_622 : bf16 to vector<128x512xbf16>
    %select_n3A_625 = arith.select %eq3A_620, %broadcast_in_dim3A_623, %broadcast_in_dim3A_624 : vector<128x512xi1>, vector<128x512xbf16>
    %dot_general3A_626 = arith.constant dense<0.000000e+00> : vector<128x128xf32>
    %dot_general3A_627 = tpu.matmul %select_n3A_625, %convert_element_type3A_91, %dot_general3A_626 {dimension_numbers = #tpu.dot_dimension_numbers<[1], [0], [0], [1], [0, 0, 1, 1], [], []>, transpose_lhs_hint = false} : vector<128x512xbf16>, vector<512x128xbf16>, vector<128x128xf32> -> vector<128x128xf32>
    %sub3A_628 = arith.subf %dot_general3A_627, %dot_general3A_27 : vector<128x128xf32>
    %add3A_629 = vector.broadcast %get3A_24 : vector<1x128xf32> to vector<128x128xf32>
    %add3A_630 = arith.addf %sub3A_628, %add3A_629 : vector<128x128xf32>
    %max3A_631 = arith.constant 0.000000e+00 : f32
    %max3A_632 = vector.broadcast %max3A_631 : f32 to vector<128x128xf32>
    %max3A_633 = arith.maximumf %add3A_630, %max3A_632 : vector<128x128xf32>
    %eq3A_634 = arith.constant 3.500000e+01 : bf16
    %eq3A_635 = vector.broadcast %eq3A_634 : bf16 to vector<128x512xbf16>
    %eq3A_636 = arith.cmpf oeq, %convert_element_type3A_90, %eq3A_635 : vector<128x512xbf16>
    %jit3A_637 = arith.constant 1.000000e+00 : bf16
    %jit3A_638 = arith.constant 0.000000e+00 : bf16
    %broadcast_in_dim3A_639 = vector.broadcast %jit3A_637 : bf16 to vector<128x512xbf16>
    %broadcast_in_dim3A_640 = vector.broadcast %jit3A_638 : bf16 to vector<128x512xbf16>
    %select_n3A_641 = arith.select %eq3A_636, %broadcast_in_dim3A_639, %broadcast_in_dim3A_640 : vector<128x512xi1>, vector<128x512xbf16>
    %dot_general3A_642 = arith.constant dense<0.000000e+00> : vector<128x128xf32>
    %dot_general3A_643 = tpu.matmul %select_n3A_641, %convert_element_type3A_91, %dot_general3A_642 {dimension_numbers = #tpu.dot_dimension_numbers<[1], [0], [0], [1], [0, 0, 1, 1], [], []>, transpose_lhs_hint = false} : vector<128x512xbf16>, vector<512x128xbf16>, vector<128x128xf32> -> vector<128x128xf32>
    %sub3A_644 = arith.subf %dot_general3A_643, %dot_general3A_27 : vector<128x128xf32>
    %add3A_645 = vector.broadcast %get3A_24 : vector<1x128xf32> to vector<128x128xf32>
    %add3A_646 = arith.addf %sub3A_644, %add3A_645 : vector<128x128xf32>
    %max3A_647 = arith.constant 0.000000e+00 : f32
    %max3A_648 = vector.broadcast %max3A_647 : f32 to vector<128x128xf32>
    %max3A_649 = arith.maximumf %add3A_646, %max3A_648 : vector<128x128xf32>
    %eq3A_650 = arith.constant 3.600000e+01 : bf16
    %eq3A_651 = vector.broadcast %eq3A_650 : bf16 to vector<128x512xbf16>
    %eq3A_652 = arith.cmpf oeq, %convert_element_type3A_90, %eq3A_651 : vector<128x512xbf16>
    %jit3A_653 = arith.constant 1.000000e+00 : bf16
    %jit3A_654 = arith.constant 0.000000e+00 : bf16
    %broadcast_in_dim3A_655 = vector.broadcast %jit3A_653 : bf16 to vector<128x512xbf16>
    %broadcast_in_dim3A_656 = vector.broadcast %jit3A_654 : bf16 to vector<128x512xbf16>
    %select_n3A_657 = arith.select %eq3A_652, %broadcast_in_dim3A_655, %broadcast_in_dim3A_656 : vector<128x512xi1>, vector<128x512xbf16>
    %dot_general3A_658 = arith.constant dense<0.000000e+00> : vector<128x128xf32>
    %dot_general3A_659 = tpu.matmul %select_n3A_657, %convert_element_type3A_91, %dot_general3A_658 {dimension_numbers = #tpu.dot_dimension_numbers<[1], [0], [0], [1], [0, 0, 1, 1], [], []>, transpose_lhs_hint = false} : vector<128x512xbf16>, vector<512x128xbf16>, vector<128x128xf32> -> vector<128x128xf32>
    %sub3A_660 = arith.subf %dot_general3A_659, %dot_general3A_27 : vector<128x128xf32>
    %add3A_661 = vector.broadcast %get3A_24 : vector<1x128xf32> to vector<128x128xf32>
    %add3A_662 = arith.addf %sub3A_660, %add3A_661 : vector<128x128xf32>
    %max3A_663 = arith.constant 0.000000e+00 : f32
    %max3A_664 = vector.broadcast %max3A_663 : f32 to vector<128x128xf32>
    %max3A_665 = arith.maximumf %add3A_662, %max3A_664 : vector<128x128xf32>
    %eq3A_666 = arith.constant 3.700000e+01 : bf16
    %eq3A_667 = vector.broadcast %eq3A_666 : bf16 to vector<128x512xbf16>
    %eq3A_668 = arith.cmpf oeq, %convert_element_type3A_90, %eq3A_667 : vector<128x512xbf16>
    %jit3A_669 = arith.constant 1.000000e+00 : bf16
    %jit3A_670 = arith.constant 0.000000e+00 : bf16
    %broadcast_in_dim3A_671 = vector.broadcast %jit3A_669 : bf16 to vector<128x512xbf16>
    %broadcast_in_dim3A_672 = vector.broadcast %jit3A_670 : bf16 to vector<128x512xbf16>
    %select_n3A_673 = arith.select %eq3A_668, %broadcast_in_dim3A_671, %broadcast_in_dim3A_672 : vector<128x512xi1>, vector<128x512xbf16>
    %dot_general3A_674 = arith.constant dense<0.000000e+00> : vector<128x128xf32>
    %dot_general3A_675 = tpu.matmul %select_n3A_673, %convert_element_type3A_91, %dot_general3A_674 {dimension_numbers = #tpu.dot_dimension_numbers<[1], [0], [0], [1], [0, 0, 1, 1], [], []>, transpose_lhs_hint = false} : vector<128x512xbf16>, vector<512x128xbf16>, vector<128x128xf32> -> vector<128x128xf32>
    %sub3A_676 = arith.subf %dot_general3A_675, %dot_general3A_27 : vector<128x128xf32>
    %add3A_677 = vector.broadcast %get3A_24 : vector<1x128xf32> to vector<128x128xf32>
    %add3A_678 = arith.addf %sub3A_676, %add3A_677 : vector<128x128xf32>
    %max3A_679 = arith.constant 0.000000e+00 : f32
    %max3A_680 = vector.broadcast %max3A_679 : f32 to vector<128x128xf32>
    %max3A_681 = arith.maximumf %add3A_678, %max3A_680 : vector<128x128xf32>
    %eq3A_682 = arith.constant 3.800000e+01 : bf16
    %eq3A_683 = vector.broadcast %eq3A_682 : bf16 to vector<128x512xbf16>
    %eq3A_684 = arith.cmpf oeq, %convert_element_type3A_90, %eq3A_683 : vector<128x512xbf16>
    %jit3A_685 = arith.constant 1.000000e+00 : bf16
    %jit3A_686 = arith.constant 0.000000e+00 : bf16
    %broadcast_in_dim3A_687 = vector.broadcast %jit3A_685 : bf16 to vector<128x512xbf16>
    %broadcast_in_dim3A_688 = vector.broadcast %jit3A_686 : bf16 to vector<128x512xbf16>
    %select_n3A_689 = arith.select %eq3A_684, %broadcast_in_dim3A_687, %broadcast_in_dim3A_688 : vector<128x512xi1>, vector<128x512xbf16>
    %dot_general3A_690 = arith.constant dense<0.000000e+00> : vector<128x128xf32>
    %dot_general3A_691 = tpu.matmul %select_n3A_689, %convert_element_type3A_91, %dot_general3A_690 {dimension_numbers = #tpu.dot_dimension_numbers<[1], [0], [0], [1], [0, 0, 1, 1], [], []>, transpose_lhs_hint = false} : vector<128x512xbf16>, vector<512x128xbf16>, vector<128x128xf32> -> vector<128x128xf32>
    %sub3A_692 = arith.subf %dot_general3A_691, %dot_general3A_27 : vector<128x128xf32>
    %add3A_693 = vector.broadcast %get3A_24 : vector<1x128xf32> to vector<128x128xf32>
    %add3A_694 = arith.addf %sub3A_692, %add3A_693 : vector<128x128xf32>
    %max3A_695 = arith.constant 0.000000e+00 : f32
    %max3A_696 = vector.broadcast %max3A_695 : f32 to vector<128x128xf32>
    %max3A_697 = arith.maximumf %add3A_694, %max3A_696 : vector<128x128xf32>
    %eq3A_698 = arith.constant 3.900000e+01 : bf16
    %eq3A_699 = vector.broadcast %eq3A_698 : bf16 to vector<128x512xbf16>
    %eq3A_700 = arith.cmpf oeq, %convert_element_type3A_90, %eq3A_699 : vector<128x512xbf16>
    %jit3A_701 = arith.constant 1.000000e+00 : bf16
    %jit3A_702 = arith.constant 0.000000e+00 : bf16
    %broadcast_in_dim3A_703 = vector.broadcast %jit3A_701 : bf16 to vector<128x512xbf16>
    %broadcast_in_dim3A_704 = vector.broadcast %jit3A_702 : bf16 to vector<128x512xbf16>
    %select_n3A_705 = arith.select %eq3A_700, %broadcast_in_dim3A_703, %broadcast_in_dim3A_704 : vector<128x512xi1>, vector<128x512xbf16>
    %dot_general3A_706 = arith.constant dense<0.000000e+00> : vector<128x128xf32>
    %dot_general3A_707 = tpu.matmul %select_n3A_705, %convert_element_type3A_91, %dot_general3A_706 {dimension_numbers = #tpu.dot_dimension_numbers<[1], [0], [0], [1], [0, 0, 1, 1], [], []>, transpose_lhs_hint = false} : vector<128x512xbf16>, vector<512x128xbf16>, vector<128x128xf32> -> vector<128x128xf32>
    %sub3A_708 = arith.subf %dot_general3A_707, %dot_general3A_27 : vector<128x128xf32>
    %add3A_709 = vector.broadcast %get3A_24 : vector<1x128xf32> to vector<128x128xf32>
    %add3A_710 = arith.addf %sub3A_708, %add3A_709 : vector<128x128xf32>
    %max3A_711 = arith.constant 0.000000e+00 : f32
    %max3A_712 = vector.broadcast %max3A_711 : f32 to vector<128x128xf32>
    %max3A_713 = arith.maximumf %add3A_710, %max3A_712 : vector<128x128xf32>
    %eq3A_714 = arith.constant 4.000000e+01 : bf16
    %eq3A_715 = vector.broadcast %eq3A_714 : bf16 to vector<128x512xbf16>
    %eq3A_716 = arith.cmpf oeq, %convert_element_type3A_90, %eq3A_715 : vector<128x512xbf16>
    %jit3A_717 = arith.constant 1.000000e+00 : bf16
    %jit3A_718 = arith.constant 0.000000e+00 : bf16
    %broadcast_in_dim3A_719 = vector.broadcast %jit3A_717 : bf16 to vector<128x512xbf16>
    %broadcast_in_dim3A_720 = vector.broadcast %jit3A_718 : bf16 to vector<128x512xbf16>
    %select_n3A_721 = arith.select %eq3A_716, %broadcast_in_dim3A_719, %broadcast_in_dim3A_720 : vector<128x512xi1>, vector<128x512xbf16>
    %dot_general3A_722 = arith.constant dense<0.000000e+00> : vector<128x128xf32>
    %dot_general3A_723 = tpu.matmul %select_n3A_721, %convert_element_type3A_91, %dot_general3A_722 {dimension_numbers = #tpu.dot_dimension_numbers<[1], [0], [0], [1], [0, 0, 1, 1], [], []>, transpose_lhs_hint = false} : vector<128x512xbf16>, vector<512x128xbf16>, vector<128x128xf32> -> vector<128x128xf32>
    %sub3A_724 = arith.subf %dot_general3A_723, %dot_general3A_27 : vector<128x128xf32>
    %add3A_725 = vector.broadcast %get3A_24 : vector<1x128xf32> to vector<128x128xf32>
    %add3A_726 = arith.addf %sub3A_724, %add3A_725 : vector<128x128xf32>
    %max3A_727 = arith.constant 0.000000e+00 : f32
    %max3A_728 = vector.broadcast %max3A_727 : f32 to vector<128x128xf32>
    %max3A_729 = arith.maximumf %add3A_726, %max3A_728 : vector<128x128xf32>
    %eq3A_730 = arith.constant 4.100000e+01 : bf16
    %eq3A_731 = vector.broadcast %eq3A_730 : bf16 to vector<128x512xbf16>
    %eq3A_732 = arith.cmpf oeq, %convert_element_type3A_90, %eq3A_731 : vector<128x512xbf16>
    %jit3A_733 = arith.constant 1.000000e+00 : bf16
    %jit3A_734 = arith.constant 0.000000e+00 : bf16
    %broadcast_in_dim3A_735 = vector.broadcast %jit3A_733 : bf16 to vector<128x512xbf16>
    %broadcast_in_dim3A_736 = vector.broadcast %jit3A_734 : bf16 to vector<128x512xbf16>
    %select_n3A_737 = arith.select %eq3A_732, %broadcast_in_dim3A_735, %broadcast_in_dim3A_736 : vector<128x512xi1>, vector<128x512xbf16>
    %dot_general3A_738 = arith.constant dense<0.000000e+00> : vector<128x128xf32>
    %dot_general3A_739 = tpu.matmul %select_n3A_737, %convert_element_type3A_91, %dot_general3A_738 {dimension_numbers = #tpu.dot_dimension_numbers<[1], [0], [0], [1], [0, 0, 1, 1], [], []>, transpose_lhs_hint = false} : vector<128x512xbf16>, vector<512x128xbf16>, vector<128x128xf32> -> vector<128x128xf32>
    %sub3A_740 = arith.subf %dot_general3A_739, %dot_general3A_27 : vector<128x128xf32>
    %add3A_741 = vector.broadcast %get3A_24 : vector<1x128xf32> to vector<128x128xf32>
    %add3A_742 = arith.addf %sub3A_740, %add3A_741 : vector<128x128xf32>
    %max3A_743 = arith.constant 0.000000e+00 : f32
    %max3A_744 = vector.broadcast %max3A_743 : f32 to vector<128x128xf32>
    %max3A_745 = arith.maximumf %add3A_742, %max3A_744 : vector<128x128xf32>
    %eq3A_746 = arith.constant 4.200000e+01 : bf16
    %eq3A_747 = vector.broadcast %eq3A_746 : bf16 to vector<128x512xbf16>
    %eq3A_748 = arith.cmpf oeq, %convert_element_type3A_90, %eq3A_747 : vector<128x512xbf16>
    %jit3A_749 = arith.constant 1.000000e+00 : bf16
    %jit3A_750 = arith.constant 0.000000e+00 : bf16
    %broadcast_in_dim3A_751 = vector.broadcast %jit3A_749 : bf16 to vector<128x512xbf16>
    %broadcast_in_dim3A_752 = vector.broadcast %jit3A_750 : bf16 to vector<128x512xbf16>
    %select_n3A_753 = arith.select %eq3A_748, %broadcast_in_dim3A_751, %broadcast_in_dim3A_752 : vector<128x512xi1>, vector<128x512xbf16>
    %dot_general3A_754 = arith.constant dense<0.000000e+00> : vector<128x128xf32>
    %dot_general3A_755 = tpu.matmul %select_n3A_753, %convert_element_type3A_91, %dot_general3A_754 {dimension_numbers = #tpu.dot_dimension_numbers<[1], [0], [0], [1], [0, 0, 1, 1], [], []>, transpose_lhs_hint = false} : vector<128x512xbf16>, vector<512x128xbf16>, vector<128x128xf32> -> vector<128x128xf32>
    %sub3A_756 = arith.subf %dot_general3A_755, %dot_general3A_27 : vector<128x128xf32>
    %add3A_757 = vector.broadcast %get3A_24 : vector<1x128xf32> to vector<128x128xf32>
    %add3A_758 = arith.addf %sub3A_756, %add3A_757 : vector<128x128xf32>
    %max3A_759 = arith.constant 0.000000e+00 : f32
    %max3A_760 = vector.broadcast %max3A_759 : f32 to vector<128x128xf32>
    %max3A_761 = arith.maximumf %add3A_758, %max3A_760 : vector<128x128xf32>
    %eq3A_762 = arith.constant 4.300000e+01 : bf16
    %eq3A_763 = vector.broadcast %eq3A_762 : bf16 to vector<128x512xbf16>
    %eq3A_764 = arith.cmpf oeq, %convert_element_type3A_90, %eq3A_763 : vector<128x512xbf16>
    %jit3A_765 = arith.constant 1.000000e+00 : bf16
    %jit3A_766 = arith.constant 0.000000e+00 : bf16
    %broadcast_in_dim3A_767 = vector.broadcast %jit3A_765 : bf16 to vector<128x512xbf16>
    %broadcast_in_dim3A_768 = vector.broadcast %jit3A_766 : bf16 to vector<128x512xbf16>
    %select_n3A_769 = arith.select %eq3A_764, %broadcast_in_dim3A_767, %broadcast_in_dim3A_768 : vector<128x512xi1>, vector<128x512xbf16>
    %dot_general3A_770 = arith.constant dense<0.000000e+00> : vector<128x128xf32>
    %dot_general3A_771 = tpu.matmul %select_n3A_769, %convert_element_type3A_91, %dot_general3A_770 {dimension_numbers = #tpu.dot_dimension_numbers<[1], [0], [0], [1], [0, 0, 1, 1], [], []>, transpose_lhs_hint = false} : vector<128x512xbf16>, vector<512x128xbf16>, vector<128x128xf32> -> vector<128x128xf32>
    %sub3A_772 = arith.subf %dot_general3A_771, %dot_general3A_27 : vector<128x128xf32>
    %add3A_773 = vector.broadcast %get3A_24 : vector<1x128xf32> to vector<128x128xf32>
    %add3A_774 = arith.addf %sub3A_772, %add3A_773 : vector<128x128xf32>
    %max3A_775 = arith.constant 0.000000e+00 : f32
    %max3A_776 = vector.broadcast %max3A_775 : f32 to vector<128x128xf32>
    %max3A_777 = arith.maximumf %add3A_774, %max3A_776 : vector<128x128xf32>
    %eq3A_778 = arith.constant 4.400000e+01 : bf16
    %eq3A_779 = vector.broadcast %eq3A_778 : bf16 to vector<128x512xbf16>
    %eq3A_780 = arith.cmpf oeq, %convert_element_type3A_90, %eq3A_779 : vector<128x512xbf16>
    %jit3A_781 = arith.constant 1.000000e+00 : bf16
    %jit3A_782 = arith.constant 0.000000e+00 : bf16
    %broadcast_in_dim3A_783 = vector.broadcast %jit3A_781 : bf16 to vector<128x512xbf16>
    %broadcast_in_dim3A_784 = vector.broadcast %jit3A_782 : bf16 to vector<128x512xbf16>
    %select_n3A_785 = arith.select %eq3A_780, %broadcast_in_dim3A_783, %broadcast_in_dim3A_784 : vector<128x512xi1>, vector<128x512xbf16>
    %dot_general3A_786 = arith.constant dense<0.000000e+00> : vector<128x128xf32>
    %dot_general3A_787 = tpu.matmul %select_n3A_785, %convert_element_type3A_91, %dot_general3A_786 {dimension_numbers = #tpu.dot_dimension_numbers<[1], [0], [0], [1], [0, 0, 1, 1], [], []>, transpose_lhs_hint = false} : vector<128x512xbf16>, vector<512x128xbf16>, vector<128x128xf32> -> vector<128x128xf32>
    %sub3A_788 = arith.subf %dot_general3A_787, %dot_general3A_27 : vector<128x128xf32>
    %add3A_789 = vector.broadcast %get3A_24 : vector<1x128xf32> to vector<128x128xf32>
    %add3A_790 = arith.addf %sub3A_788, %add3A_789 : vector<128x128xf32>
    %max3A_791 = arith.constant 0.000000e+00 : f32
    %max3A_792 = vector.broadcast %max3A_791 : f32 to vector<128x128xf32>
    %max3A_793 = arith.maximumf %add3A_790, %max3A_792 : vector<128x128xf32>
    %eq3A_794 = arith.constant 4.500000e+01 : bf16
    %eq3A_795 = vector.broadcast %eq3A_794 : bf16 to vector<128x512xbf16>
    %eq3A_796 = arith.cmpf oeq, %convert_element_type3A_90, %eq3A_795 : vector<128x512xbf16>
    %jit3A_797 = arith.constant 1.000000e+00 : bf16
    %jit3A_798 = arith.constant 0.000000e+00 : bf16
    %broadcast_in_dim3A_799 = vector.broadcast %jit3A_797 : bf16 to vector<128x512xbf16>
    %broadcast_in_dim3A_800 = vector.broadcast %jit3A_798 : bf16 to vector<128x512xbf16>
    %select_n3A_801 = arith.select %eq3A_796, %broadcast_in_dim3A_799, %broadcast_in_dim3A_800 : vector<128x512xi1>, vector<128x512xbf16>
    %dot_general3A_802 = arith.constant dense<0.000000e+00> : vector<128x128xf32>
    %dot_general3A_803 = tpu.matmul %select_n3A_801, %convert_element_type3A_91, %dot_general3A_802 {dimension_numbers = #tpu.dot_dimension_numbers<[1], [0], [0], [1], [0, 0, 1, 1], [], []>, transpose_lhs_hint = false} : vector<128x512xbf16>, vector<512x128xbf16>, vector<128x128xf32> -> vector<128x128xf32>
    %sub3A_804 = arith.subf %dot_general3A_803, %dot_general3A_27 : vector<128x128xf32>
    %add3A_805 = vector.broadcast %get3A_24 : vector<1x128xf32> to vector<128x128xf32>
    %add3A_806 = arith.addf %sub3A_804, %add3A_805 : vector<128x128xf32>
    %max3A_807 = arith.constant 0.000000e+00 : f32
    %max3A_808 = vector.broadcast %max3A_807 : f32 to vector<128x128xf32>
    %max3A_809 = arith.maximumf %add3A_806, %max3A_808 : vector<128x128xf32>
    %eq3A_810 = arith.constant 4.600000e+01 : bf16
    %eq3A_811 = vector.broadcast %eq3A_810 : bf16 to vector<128x512xbf16>
    %eq3A_812 = arith.cmpf oeq, %convert_element_type3A_90, %eq3A_811 : vector<128x512xbf16>
    %jit3A_813 = arith.constant 1.000000e+00 : bf16
    %jit3A_814 = arith.constant 0.000000e+00 : bf16
    %broadcast_in_dim3A_815 = vector.broadcast %jit3A_813 : bf16 to vector<128x512xbf16>
    %broadcast_in_dim3A_816 = vector.broadcast %jit3A_814 : bf16 to vector<128x512xbf16>
    %select_n3A_817 = arith.select %eq3A_812, %broadcast_in_dim3A_815, %broadcast_in_dim3A_816 : vector<128x512xi1>, vector<128x512xbf16>
    %dot_general3A_818 = arith.constant dense<0.000000e+00> : vector<128x128xf32>
    %dot_general3A_819 = tpu.matmul %select_n3A_817, %convert_element_type3A_91, %dot_general3A_818 {dimension_numbers = #tpu.dot_dimension_numbers<[1], [0], [0], [1], [0, 0, 1, 1], [], []>, transpose_lhs_hint = false} : vector<128x512xbf16>, vector<512x128xbf16>, vector<128x128xf32> -> vector<128x128xf32>
    %sub3A_820 = arith.subf %dot_general3A_819, %dot_general3A_27 : vector<128x128xf32>
    %add3A_821 = vector.broadcast %get3A_24 : vector<1x128xf32> to vector<128x128xf32>
    %add3A_822 = arith.addf %sub3A_820, %add3A_821 : vector<128x128xf32>
    %max3A_823 = arith.constant 0.000000e+00 : f32
    %max3A_824 = vector.broadcast %max3A_823 : f32 to vector<128x128xf32>
    %max3A_825 = arith.maximumf %add3A_822, %max3A_824 : vector<128x128xf32>
    %eq3A_826 = arith.constant 4.700000e+01 : bf16
    %eq3A_827 = vector.broadcast %eq3A_826 : bf16 to vector<128x512xbf16>
    %eq3A_828 = arith.cmpf oeq, %convert_element_type3A_90, %eq3A_827 : vector<128x512xbf16>
    %jit3A_829 = arith.constant 1.000000e+00 : bf16
    %jit3A_830 = arith.constant 0.000000e+00 : bf16
    %broadcast_in_dim3A_831 = vector.broadcast %jit3A_829 : bf16 to vector<128x512xbf16>
    %broadcast_in_dim3A_832 = vector.broadcast %jit3A_830 : bf16 to vector<128x512xbf16>
    %select_n3A_833 = arith.select %eq3A_828, %broadcast_in_dim3A_831, %broadcast_in_dim3A_832 : vector<128x512xi1>, vector<128x512xbf16>
    %dot_general3A_834 = arith.constant dense<0.000000e+00> : vector<128x128xf32>
    %dot_general3A_835 = tpu.matmul %select_n3A_833, %convert_element_type3A_91, %dot_general3A_834 {dimension_numbers = #tpu.dot_dimension_numbers<[1], [0], [0], [1], [0, 0, 1, 1], [], []>, transpose_lhs_hint = false} : vector<128x512xbf16>, vector<512x128xbf16>, vector<128x128xf32> -> vector<128x128xf32>
    %sub3A_836 = arith.subf %dot_general3A_835, %dot_general3A_27 : vector<128x128xf32>
    %add3A_837 = vector.broadcast %get3A_24 : vector<1x128xf32> to vector<128x128xf32>
    %add3A_838 = arith.addf %sub3A_836, %add3A_837 : vector<128x128xf32>
    %max3A_839 = arith.constant 0.000000e+00 : f32
    %max3A_840 = vector.broadcast %max3A_839 : f32 to vector<128x128xf32>
    %max3A_841 = arith.maximumf %add3A_838, %max3A_840 : vector<128x128xf32>
    %eq3A_842 = arith.constant 4.800000e+01 : bf16
    %eq3A_843 = vector.broadcast %eq3A_842 : bf16 to vector<128x512xbf16>
    %eq3A_844 = arith.cmpf oeq, %convert_element_type3A_90, %eq3A_843 : vector<128x512xbf16>
    %jit3A_845 = arith.constant 1.000000e+00 : bf16
    %jit3A_846 = arith.constant 0.000000e+00 : bf16
    %broadcast_in_dim3A_847 = vector.broadcast %jit3A_845 : bf16 to vector<128x512xbf16>
    %broadcast_in_dim3A_848 = vector.broadcast %jit3A_846 : bf16 to vector<128x512xbf16>
    %select_n3A_849 = arith.select %eq3A_844, %broadcast_in_dim3A_847, %broadcast_in_dim3A_848 : vector<128x512xi1>, vector<128x512xbf16>
    %dot_general3A_850 = arith.constant dense<0.000000e+00> : vector<128x128xf32>
    %dot_general3A_851 = tpu.matmul %select_n3A_849, %convert_element_type3A_91, %dot_general3A_850 {dimension_numbers = #tpu.dot_dimension_numbers<[1], [0], [0], [1], [0, 0, 1, 1], [], []>, transpose_lhs_hint = false} : vector<128x512xbf16>, vector<512x128xbf16>, vector<128x128xf32> -> vector<128x128xf32>
    %sub3A_852 = arith.subf %dot_general3A_851, %dot_general3A_27 : vector<128x128xf32>
    %add3A_853 = vector.broadcast %get3A_24 : vector<1x128xf32> to vector<128x128xf32>
    %add3A_854 = arith.addf %sub3A_852, %add3A_853 : vector<128x128xf32>
    %max3A_855 = arith.constant 0.000000e+00 : f32
    %max3A_856 = vector.broadcast %max3A_855 : f32 to vector<128x128xf32>
    %max3A_857 = arith.maximumf %add3A_854, %max3A_856 : vector<128x128xf32>
    %eq3A_858 = arith.constant 4.900000e+01 : bf16
    %eq3A_859 = vector.broadcast %eq3A_858 : bf16 to vector<128x512xbf16>
    %eq3A_860 = arith.cmpf oeq, %convert_element_type3A_90, %eq3A_859 : vector<128x512xbf16>
    %jit3A_861 = arith.constant 1.000000e+00 : bf16
    %jit3A_862 = arith.constant 0.000000e+00 : bf16
    %broadcast_in_dim3A_863 = vector.broadcast %jit3A_861 : bf16 to vector<128x512xbf16>
    %broadcast_in_dim3A_864 = vector.broadcast %jit3A_862 : bf16 to vector<128x512xbf16>
    %select_n3A_865 = arith.select %eq3A_860, %broadcast_in_dim3A_863, %broadcast_in_dim3A_864 : vector<128x512xi1>, vector<128x512xbf16>
    %dot_general3A_866 = arith.constant dense<0.000000e+00> : vector<128x128xf32>
    %dot_general3A_867 = tpu.matmul %select_n3A_865, %convert_element_type3A_91, %dot_general3A_866 {dimension_numbers = #tpu.dot_dimension_numbers<[1], [0], [0], [1], [0, 0, 1, 1], [], []>, transpose_lhs_hint = false} : vector<128x512xbf16>, vector<512x128xbf16>, vector<128x128xf32> -> vector<128x128xf32>
    %sub3A_868 = arith.subf %dot_general3A_867, %dot_general3A_27 : vector<128x128xf32>
    %add3A_869 = vector.broadcast %get3A_24 : vector<1x128xf32> to vector<128x128xf32>
    %add3A_870 = arith.addf %sub3A_868, %add3A_869 : vector<128x128xf32>
    %max3A_871 = arith.constant 0.000000e+00 : f32
    %max3A_872 = vector.broadcast %max3A_871 : f32 to vector<128x128xf32>
    %max3A_873 = arith.maximumf %add3A_870, %max3A_872 : vector<128x128xf32>
    %eq3A_874 = arith.constant 5.000000e+01 : bf16
    %eq3A_875 = vector.broadcast %eq3A_874 : bf16 to vector<128x512xbf16>
    %eq3A_876 = arith.cmpf oeq, %convert_element_type3A_90, %eq3A_875 : vector<128x512xbf16>
    %jit3A_877 = arith.constant 1.000000e+00 : bf16
    %jit3A_878 = arith.constant 0.000000e+00 : bf16
    %broadcast_in_dim3A_879 = vector.broadcast %jit3A_877 : bf16 to vector<128x512xbf16>
    %broadcast_in_dim3A_880 = vector.broadcast %jit3A_878 : bf16 to vector<128x512xbf16>
    %select_n3A_881 = arith.select %eq3A_876, %broadcast_in_dim3A_879, %broadcast_in_dim3A_880 : vector<128x512xi1>, vector<128x512xbf16>
    %dot_general3A_882 = arith.constant dense<0.000000e+00> : vector<128x128xf32>
    %dot_general3A_883 = tpu.matmul %select_n3A_881, %convert_element_type3A_91, %dot_general3A_882 {dimension_numbers = #tpu.dot_dimension_numbers<[1], [0], [0], [1], [0, 0, 1, 1], [], []>, transpose_lhs_hint = false} : vector<128x512xbf16>, vector<512x128xbf16>, vector<128x128xf32> -> vector<128x128xf32>
    %sub3A_884 = arith.subf %dot_general3A_883, %dot_general3A_27 : vector<128x128xf32>
    %add3A_885 = vector.broadcast %get3A_24 : vector<1x128xf32> to vector<128x128xf32>
    %add3A_886 = arith.addf %sub3A_884, %add3A_885 : vector<128x128xf32>
    %max3A_887 = arith.constant 0.000000e+00 : f32
    %max3A_888 = vector.broadcast %max3A_887 : f32 to vector<128x128xf32>
    %max3A_889 = arith.maximumf %add3A_886, %max3A_888 : vector<128x128xf32>
    %eq3A_890 = arith.constant 5.100000e+01 : bf16
    %eq3A_891 = vector.broadcast %eq3A_890 : bf16 to vector<128x512xbf16>
    %eq3A_892 = arith.cmpf oeq, %convert_element_type3A_90, %eq3A_891 : vector<128x512xbf16>
    %jit3A_893 = arith.constant 1.000000e+00 : bf16
    %jit3A_894 = arith.constant 0.000000e+00 : bf16
    %broadcast_in_dim3A_895 = vector.broadcast %jit3A_893 : bf16 to vector<128x512xbf16>
    %broadcast_in_dim3A_896 = vector.broadcast %jit3A_894 : bf16 to vector<128x512xbf16>
    %select_n3A_897 = arith.select %eq3A_892, %broadcast_in_dim3A_895, %broadcast_in_dim3A_896 : vector<128x512xi1>, vector<128x512xbf16>
    %dot_general3A_898 = arith.constant dense<0.000000e+00> : vector<128x128xf32>
    %dot_general3A_899 = tpu.matmul %select_n3A_897, %convert_element_type3A_91, %dot_general3A_898 {dimension_numbers = #tpu.dot_dimension_numbers<[1], [0], [0], [1], [0, 0, 1, 1], [], []>, transpose_lhs_hint = false} : vector<128x512xbf16>, vector<512x128xbf16>, vector<128x128xf32> -> vector<128x128xf32>
    %sub3A_900 = arith.subf %dot_general3A_899, %dot_general3A_27 : vector<128x128xf32>
    %add3A_901 = vector.broadcast %get3A_24 : vector<1x128xf32> to vector<128x128xf32>
    %add3A_902 = arith.addf %sub3A_900, %add3A_901 : vector<128x128xf32>
    %max3A_903 = arith.constant 0.000000e+00 : f32
    %max3A_904 = vector.broadcast %max3A_903 : f32 to vector<128x128xf32>
    %max3A_905 = arith.maximumf %add3A_902, %max3A_904 : vector<128x128xf32>
    %eq3A_906 = arith.constant 5.200000e+01 : bf16
    %eq3A_907 = vector.broadcast %eq3A_906 : bf16 to vector<128x512xbf16>
    %eq3A_908 = arith.cmpf oeq, %convert_element_type3A_90, %eq3A_907 : vector<128x512xbf16>
    %jit3A_909 = arith.constant 1.000000e+00 : bf16
    %jit3A_910 = arith.constant 0.000000e+00 : bf16
    %broadcast_in_dim3A_911 = vector.broadcast %jit3A_909 : bf16 to vector<128x512xbf16>
    %broadcast_in_dim3A_912 = vector.broadcast %jit3A_910 : bf16 to vector<128x512xbf16>
    %select_n3A_913 = arith.select %eq3A_908, %broadcast_in_dim3A_911, %broadcast_in_dim3A_912 : vector<128x512xi1>, vector<128x512xbf16>
    %dot_general3A_914 = arith.constant dense<0.000000e+00> : vector<128x128xf32>
    %dot_general3A_915 = tpu.matmul %select_n3A_913, %convert_element_type3A_91, %dot_general3A_914 {dimension_numbers = #tpu.dot_dimension_numbers<[1], [0], [0], [1], [0, 0, 1, 1], [], []>, transpose_lhs_hint = false} : vector<128x512xbf16>, vector<512x128xbf16>, vector<128x128xf32> -> vector<128x128xf32>
    %sub3A_916 = arith.subf %dot_general3A_915, %dot_general3A_27 : vector<128x128xf32>
    %add3A_917 = vector.broadcast %get3A_24 : vector<1x128xf32> to vector<128x128xf32>
    %add3A_918 = arith.addf %sub3A_916, %add3A_917 : vector<128x128xf32>
    %max3A_919 = arith.constant 0.000000e+00 : f32
    %max3A_920 = vector.broadcast %max3A_919 : f32 to vector<128x128xf32>
    %max3A_921 = arith.maximumf %add3A_918, %max3A_920 : vector<128x128xf32>
    %eq3A_922 = arith.constant 5.300000e+01 : bf16
    %eq3A_923 = vector.broadcast %eq3A_922 : bf16 to vector<128x512xbf16>
    %eq3A_924 = arith.cmpf oeq, %convert_element_type3A_90, %eq3A_923 : vector<128x512xbf16>
    %jit3A_925 = arith.constant 1.000000e+00 : bf16
    %jit3A_926 = arith.constant 0.000000e+00 : bf16
    %broadcast_in_dim3A_927 = vector.broadcast %jit3A_925 : bf16 to vector<128x512xbf16>
    %broadcast_in_dim3A_928 = vector.broadcast %jit3A_926 : bf16 to vector<128x512xbf16>
    %select_n3A_929 = arith.select %eq3A_924, %broadcast_in_dim3A_927, %broadcast_in_dim3A_928 : vector<128x512xi1>, vector<128x512xbf16>
    %dot_general3A_930 = arith.constant dense<0.000000e+00> : vector<128x128xf32>
    %dot_general3A_931 = tpu.matmul %select_n3A_929, %convert_element_type3A_91, %dot_general3A_930 {dimension_numbers = #tpu.dot_dimension_numbers<[1], [0], [0], [1], [0, 0, 1, 1], [], []>, transpose_lhs_hint = false} : vector<128x512xbf16>, vector<512x128xbf16>, vector<128x128xf32> -> vector<128x128xf32>
    %sub3A_932 = arith.subf %dot_general3A_931, %dot_general3A_27 : vector<128x128xf32>
    %add3A_933 = vector.broadcast %get3A_24 : vector<1x128xf32> to vector<128x128xf32>
    %add3A_934 = arith.addf %sub3A_932, %add3A_933 : vector<128x128xf32>
    %max3A_935 = arith.constant 0.000000e+00 : f32
    %max3A_936 = vector.broadcast %max3A_935 : f32 to vector<128x128xf32>
    %max3A_937 = arith.maximumf %add3A_934, %max3A_936 : vector<128x128xf32>
    %eq3A_938 = arith.constant 5.400000e+01 : bf16
    %eq3A_939 = vector.broadcast %eq3A_938 : bf16 to vector<128x512xbf16>
    %eq3A_940 = arith.cmpf oeq, %convert_element_type3A_90, %eq3A_939 : vector<128x512xbf16>
    %jit3A_941 = arith.constant 1.000000e+00 : bf16
    %jit3A_942 = arith.constant 0.000000e+00 : bf16
    %broadcast_in_dim3A_943 = vector.broadcast %jit3A_941 : bf16 to vector<128x512xbf16>
    %broadcast_in_dim3A_944 = vector.broadcast %jit3A_942 : bf16 to vector<128x512xbf16>
    %select_n3A_945 = arith.select %eq3A_940, %broadcast_in_dim3A_943, %broadcast_in_dim3A_944 : vector<128x512xi1>, vector<128x512xbf16>
    %dot_general3A_946 = arith.constant dense<0.000000e+00> : vector<128x128xf32>
    %dot_general3A_947 = tpu.matmul %select_n3A_945, %convert_element_type3A_91, %dot_general3A_946 {dimension_numbers = #tpu.dot_dimension_numbers<[1], [0], [0], [1], [0, 0, 1, 1], [], []>, transpose_lhs_hint = false} : vector<128x512xbf16>, vector<512x128xbf16>, vector<128x128xf32> -> vector<128x128xf32>
    %sub3A_948 = arith.subf %dot_general3A_947, %dot_general3A_27 : vector<128x128xf32>
    %add3A_949 = vector.broadcast %get3A_24 : vector<1x128xf32> to vector<128x128xf32>
    %add3A_950 = arith.addf %sub3A_948, %add3A_949 : vector<128x128xf32>
    %max3A_951 = arith.constant 0.000000e+00 : f32
    %max3A_952 = vector.broadcast %max3A_951 : f32 to vector<128x128xf32>
    %max3A_953 = arith.maximumf %add3A_950, %max3A_952 : vector<128x128xf32>
    %eq3A_954 = arith.constant 5.500000e+01 : bf16
    %eq3A_955 = vector.broadcast %eq3A_954 : bf16 to vector<128x512xbf16>
    %eq3A_956 = arith.cmpf oeq, %convert_element_type3A_90, %eq3A_955 : vector<128x512xbf16>
    %jit3A_957 = arith.constant 1.000000e+00 : bf16
    %jit3A_958 = arith.constant 0.000000e+00 : bf16
    %broadcast_in_dim3A_959 = vector.broadcast %jit3A_957 : bf16 to vector<128x512xbf16>
    %broadcast_in_dim3A_960 = vector.broadcast %jit3A_958 : bf16 to vector<128x512xbf16>
    %select_n3A_961 = arith.select %eq3A_956, %broadcast_in_dim3A_959, %broadcast_in_dim3A_960 : vector<128x512xi1>, vector<128x512xbf16>
    %dot_general3A_962 = arith.constant dense<0.000000e+00> : vector<128x128xf32>
    %dot_general3A_963 = tpu.matmul %select_n3A_961, %convert_element_type3A_91, %dot_general3A_962 {dimension_numbers = #tpu.dot_dimension_numbers<[1], [0], [0], [1], [0, 0, 1, 1], [], []>, transpose_lhs_hint = false} : vector<128x512xbf16>, vector<512x128xbf16>, vector<128x128xf32> -> vector<128x128xf32>
    %sub3A_964 = arith.subf %dot_general3A_963, %dot_general3A_27 : vector<128x128xf32>
    %add3A_965 = vector.broadcast %get3A_24 : vector<1x128xf32> to vector<128x128xf32>
    %add3A_966 = arith.addf %sub3A_964, %add3A_965 : vector<128x128xf32>
    %max3A_967 = arith.constant 0.000000e+00 : f32
    %max3A_968 = vector.broadcast %max3A_967 : f32 to vector<128x128xf32>
    %max3A_969 = arith.maximumf %add3A_966, %max3A_968 : vector<128x128xf32>
    %eq3A_970 = arith.constant 5.600000e+01 : bf16
    %eq3A_971 = vector.broadcast %eq3A_970 : bf16 to vector<128x512xbf16>
    %eq3A_972 = arith.cmpf oeq, %convert_element_type3A_90, %eq3A_971 : vector<128x512xbf16>
    %jit3A_973 = arith.constant 1.000000e+00 : bf16
    %jit3A_974 = arith.constant 0.000000e+00 : bf16
    %broadcast_in_dim3A_975 = vector.broadcast %jit3A_973 : bf16 to vector<128x512xbf16>
    %broadcast_in_dim3A_976 = vector.broadcast %jit3A_974 : bf16 to vector<128x512xbf16>
    %select_n3A_977 = arith.select %eq3A_972, %broadcast_in_dim3A_975, %broadcast_in_dim3A_976 : vector<128x512xi1>, vector<128x512xbf16>
    %dot_general3A_978 = arith.constant dense<0.000000e+00> : vector<128x128xf32>
    %dot_general3A_979 = tpu.matmul %select_n3A_977, %convert_element_type3A_91, %dot_general3A_978 {dimension_numbers = #tpu.dot_dimension_numbers<[1], [0], [0], [1], [0, 0, 1, 1], [], []>, transpose_lhs_hint = false} : vector<128x512xbf16>, vector<512x128xbf16>, vector<128x128xf32> -> vector<128x128xf32>
    %sub3A_980 = arith.subf %dot_general3A_979, %dot_general3A_27 : vector<128x128xf32>
    %add3A_981 = vector.broadcast %get3A_24 : vector<1x128xf32> to vector<128x128xf32>
    %add3A_982 = arith.addf %sub3A_980, %add3A_981 : vector<128x128xf32>
    %max3A_983 = arith.constant 0.000000e+00 : f32
    %max3A_984 = vector.broadcast %max3A_983 : f32 to vector<128x128xf32>
    %max3A_985 = arith.maximumf %add3A_982, %max3A_984 : vector<128x128xf32>
    %eq3A_986 = arith.constant 5.700000e+01 : bf16
    %eq3A_987 = vector.broadcast %eq3A_986 : bf16 to vector<128x512xbf16>
    %eq3A_988 = arith.cmpf oeq, %convert_element_type3A_90, %eq3A_987 : vector<128x512xbf16>
    %jit3A_989 = arith.constant 1.000000e+00 : bf16
    %jit3A_990 = arith.constant 0.000000e+00 : bf16
    %broadcast_in_dim3A_991 = vector.broadcast %jit3A_989 : bf16 to vector<128x512xbf16>
    %broadcast_in_dim3A_992 = vector.broadcast %jit3A_990 : bf16 to vector<128x512xbf16>
    %select_n3A_993 = arith.select %eq3A_988, %broadcast_in_dim3A_991, %broadcast_in_dim3A_992 : vector<128x512xi1>, vector<128x512xbf16>
    %dot_general3A_994 = arith.constant dense<0.000000e+00> : vector<128x128xf32>
    %dot_general3A_995 = tpu.matmul %select_n3A_993, %convert_element_type3A_91, %dot_general3A_994 {dimension_numbers = #tpu.dot_dimension_numbers<[1], [0], [0], [1], [0, 0, 1, 1], [], []>, transpose_lhs_hint = false} : vector<128x512xbf16>, vector<512x128xbf16>, vector<128x128xf32> -> vector<128x128xf32>
    %sub3A_996 = arith.subf %dot_general3A_995, %dot_general3A_27 : vector<128x128xf32>
    %add3A_997 = vector.broadcast %get3A_24 : vector<1x128xf32> to vector<128x128xf32>
    %add3A_998 = arith.addf %sub3A_996, %add3A_997 : vector<128x128xf32>
    %max3A_999 = arith.constant 0.000000e+00 : f32
    %max3A_1000 = vector.broadcast %max3A_999 : f32 to vector<128x128xf32>
    %max3A_1001 = arith.maximumf %add3A_998, %max3A_1000 : vector<128x128xf32>
    %eq3A_1002 = arith.constant 5.800000e+01 : bf16
    %eq3A_1003 = vector.broadcast %eq3A_1002 : bf16 to vector<128x512xbf16>
    %eq3A_1004 = arith.cmpf oeq, %convert_element_type3A_90, %eq3A_1003 : vector<128x512xbf16>
    %jit3A_1005 = arith.constant 1.000000e+00 : bf16
    %jit3A_1006 = arith.constant 0.000000e+00 : bf16
    %broadcast_in_dim3A_1007 = vector.broadcast %jit3A_1005 : bf16 to vector<128x512xbf16>
    %broadcast_in_dim3A_1008 = vector.broadcast %jit3A_1006 : bf16 to vector<128x512xbf16>
    %select_n3A_1009 = arith.select %eq3A_1004, %broadcast_in_dim3A_1007, %broadcast_in_dim3A_1008 : vector<128x512xi1>, vector<128x512xbf16>
    %dot_general3A_1010 = arith.constant dense<0.000000e+00> : vector<128x128xf32>
    %dot_general3A_1011 = tpu.matmul %select_n3A_1009, %convert_element_type3A_91, %dot_general3A_1010 {dimension_numbers = #tpu.dot_dimension_numbers<[1], [0], [0], [1], [0, 0, 1, 1], [], []>, transpose_lhs_hint = false} : vector<128x512xbf16>, vector<512x128xbf16>, vector<128x128xf32> -> vector<128x128xf32>
    %sub3A_1012 = arith.subf %dot_general3A_1011, %dot_general3A_27 : vector<128x128xf32>
    %add3A_1013 = vector.broadcast %get3A_24 : vector<1x128xf32> to vector<128x128xf32>
    %add3A_1014 = arith.addf %sub3A_1012, %add3A_1013 : vector<128x128xf32>
    %max3A_1015 = arith.constant 0.000000e+00 : f32
    %max3A_1016 = vector.broadcast %max3A_1015 : f32 to vector<128x128xf32>
    %max3A_1017 = arith.maximumf %add3A_1014, %max3A_1016 : vector<128x128xf32>
    %eq3A_1018 = arith.constant 5.900000e+01 : bf16
    %eq3A_1019 = vector.broadcast %eq3A_1018 : bf16 to vector<128x512xbf16>
    %eq3A_1020 = arith.cmpf oeq, %convert_element_type3A_90, %eq3A_1019 : vector<128x512xbf16>
    %jit3A_1021 = arith.constant 1.000000e+00 : bf16
    %jit3A_1022 = arith.constant 0.000000e+00 : bf16
    %broadcast_in_dim3A_1023 = vector.broadcast %jit3A_1021 : bf16 to vector<128x512xbf16>
    %broadcast_in_dim3A_1024 = vector.broadcast %jit3A_1022 : bf16 to vector<128x512xbf16>
    %select_n3A_1025 = arith.select %eq3A_1020, %broadcast_in_dim3A_1023, %broadcast_in_dim3A_1024 : vector<128x512xi1>, vector<128x512xbf16>
    %dot_general3A_1026 = arith.constant dense<0.000000e+00> : vector<128x128xf32>
    %dot_general3A_1027 = tpu.matmul %select_n3A_1025, %convert_element_type3A_91, %dot_general3A_1026 {dimension_numbers = #tpu.dot_dimension_numbers<[1], [0], [0], [1], [0, 0, 1, 1], [], []>, transpose_lhs_hint = false} : vector<128x512xbf16>, vector<512x128xbf16>, vector<128x128xf32> -> vector<128x128xf32>
    %sub3A_1028 = arith.subf %dot_general3A_1027, %dot_general3A_27 : vector<128x128xf32>
    %add3A_1029 = vector.broadcast %get3A_24 : vector<1x128xf32> to vector<128x128xf32>
    %add3A_1030 = arith.addf %sub3A_1028, %add3A_1029 : vector<128x128xf32>
    %max3A_1031 = arith.constant 0.000000e+00 : f32
    %max3A_1032 = vector.broadcast %max3A_1031 : f32 to vector<128x128xf32>
    %max3A_1033 = arith.maximumf %add3A_1030, %max3A_1032 : vector<128x128xf32>
    %eq3A_1034 = arith.constant 6.000000e+01 : bf16
    %eq3A_1035 = vector.broadcast %eq3A_1034 : bf16 to vector<128x512xbf16>
    %eq3A_1036 = arith.cmpf oeq, %convert_element_type3A_90, %eq3A_1035 : vector<128x512xbf16>
    %jit3A_1037 = arith.constant 1.000000e+00 : bf16
    %jit3A_1038 = arith.constant 0.000000e+00 : bf16
    %broadcast_in_dim3A_1039 = vector.broadcast %jit3A_1037 : bf16 to vector<128x512xbf16>
    %broadcast_in_dim3A_1040 = vector.broadcast %jit3A_1038 : bf16 to vector<128x512xbf16>
    %select_n3A_1041 = arith.select %eq3A_1036, %broadcast_in_dim3A_1039, %broadcast_in_dim3A_1040 : vector<128x512xi1>, vector<128x512xbf16>
    %dot_general3A_1042 = arith.constant dense<0.000000e+00> : vector<128x128xf32>
    %dot_general3A_1043 = tpu.matmul %select_n3A_1041, %convert_element_type3A_91, %dot_general3A_1042 {dimension_numbers = #tpu.dot_dimension_numbers<[1], [0], [0], [1], [0, 0, 1, 1], [], []>, transpose_lhs_hint = false} : vector<128x512xbf16>, vector<512x128xbf16>, vector<128x128xf32> -> vector<128x128xf32>
    %sub3A_1044 = arith.subf %dot_general3A_1043, %dot_general3A_27 : vector<128x128xf32>
    %add3A_1045 = vector.broadcast %get3A_24 : vector<1x128xf32> to vector<128x128xf32>
    %add3A_1046 = arith.addf %sub3A_1044, %add3A_1045 : vector<128x128xf32>
    %max3A_1047 = arith.constant 0.000000e+00 : f32
    %max3A_1048 = vector.broadcast %max3A_1047 : f32 to vector<128x128xf32>
    %max3A_1049 = arith.maximumf %add3A_1046, %max3A_1048 : vector<128x128xf32>
    %eq3A_1050 = arith.constant 6.100000e+01 : bf16
    %eq3A_1051 = vector.broadcast %eq3A_1050 : bf16 to vector<128x512xbf16>
    %eq3A_1052 = arith.cmpf oeq, %convert_element_type3A_90, %eq3A_1051 : vector<128x512xbf16>
    %jit3A_1053 = arith.constant 1.000000e+00 : bf16
    %jit3A_1054 = arith.constant 0.000000e+00 : bf16
    %broadcast_in_dim3A_1055 = vector.broadcast %jit3A_1053 : bf16 to vector<128x512xbf16>
    %broadcast_in_dim3A_1056 = vector.broadcast %jit3A_1054 : bf16 to vector<128x512xbf16>
    %select_n3A_1057 = arith.select %eq3A_1052, %broadcast_in_dim3A_1055, %broadcast_in_dim3A_1056 : vector<128x512xi1>, vector<128x512xbf16>
    %dot_general3A_1058 = arith.constant dense<0.000000e+00> : vector<128x128xf32>
    %dot_general3A_1059 = tpu.matmul %select_n3A_1057, %convert_element_type3A_91, %dot_general3A_1058 {dimension_numbers = #tpu.dot_dimension_numbers<[1], [0], [0], [1], [0, 0, 1, 1], [], []>, transpose_lhs_hint = false} : vector<128x512xbf16>, vector<512x128xbf16>, vector<128x128xf32> -> vector<128x128xf32>
    %sub3A_1060 = arith.subf %dot_general3A_1059, %dot_general3A_27 : vector<128x128xf32>
    %add3A_1061 = vector.broadcast %get3A_24 : vector<1x128xf32> to vector<128x128xf32>
    %add3A_1062 = arith.addf %sub3A_1060, %add3A_1061 : vector<128x128xf32>
    %max3A_1063 = arith.constant 0.000000e+00 : f32
    %max3A_1064 = vector.broadcast %max3A_1063 : f32 to vector<128x128xf32>
    %max3A_1065 = arith.maximumf %add3A_1062, %max3A_1064 : vector<128x128xf32>
    %eq3A_1066 = arith.constant 6.200000e+01 : bf16
    %eq3A_1067 = vector.broadcast %eq3A_1066 : bf16 to vector<128x512xbf16>
    %eq3A_1068 = arith.cmpf oeq, %convert_element_type3A_90, %eq3A_1067 : vector<128x512xbf16>
    %jit3A_1069 = arith.constant 1.000000e+00 : bf16
    %jit3A_1070 = arith.constant 0.000000e+00 : bf16
    %broadcast_in_dim3A_1071 = vector.broadcast %jit3A_1069 : bf16 to vector<128x512xbf16>
    %broadcast_in_dim3A_1072 = vector.broadcast %jit3A_1070 : bf16 to vector<128x512xbf16>
    %select_n3A_1073 = arith.select %eq3A_1068, %broadcast_in_dim3A_1071, %broadcast_in_dim3A_1072 : vector<128x512xi1>, vector<128x512xbf16>
    %dot_general3A_1074 = arith.constant dense<0.000000e+00> : vector<128x128xf32>
    %dot_general3A_1075 = tpu.matmul %select_n3A_1073, %convert_element_type3A_91, %dot_general3A_1074 {dimension_numbers = #tpu.dot_dimension_numbers<[1], [0], [0], [1], [0, 0, 1, 1], [], []>, transpose_lhs_hint = false} : vector<128x512xbf16>, vector<512x128xbf16>, vector<128x128xf32> -> vector<128x128xf32>
    %sub3A_1076 = arith.subf %dot_general3A_1075, %dot_general3A_27 : vector<128x128xf32>
    %add3A_1077 = vector.broadcast %get3A_24 : vector<1x128xf32> to vector<128x128xf32>
    %add3A_1078 = arith.addf %sub3A_1076, %add3A_1077 : vector<128x128xf32>
    %max3A_1079 = arith.constant 0.000000e+00 : f32
    %max3A_1080 = vector.broadcast %max3A_1079 : f32 to vector<128x128xf32>
    %max3A_1081 = arith.maximumf %add3A_1078, %max3A_1080 : vector<128x128xf32>
    %eq3A_1082 = arith.constant 6.300000e+01 : bf16
    %eq3A_1083 = vector.broadcast %eq3A_1082 : bf16 to vector<128x512xbf16>
    %eq3A_1084 = arith.cmpf oeq, %convert_element_type3A_90, %eq3A_1083 : vector<128x512xbf16>
    %jit3A_1085 = arith.constant 1.000000e+00 : bf16
    %jit3A_1086 = arith.constant 0.000000e+00 : bf16
    %broadcast_in_dim3A_1087 = vector.broadcast %jit3A_1085 : bf16 to vector<128x512xbf16>
    %broadcast_in_dim3A_1088 = vector.broadcast %jit3A_1086 : bf16 to vector<128x512xbf16>
    %select_n3A_1089 = arith.select %eq3A_1084, %broadcast_in_dim3A_1087, %broadcast_in_dim3A_1088 : vector<128x512xi1>, vector<128x512xbf16>
    %dot_general3A_1090 = arith.constant dense<0.000000e+00> : vector<128x128xf32>
    %dot_general3A_1091 = tpu.matmul %select_n3A_1089, %convert_element_type3A_91, %dot_general3A_1090 {dimension_numbers = #tpu.dot_dimension_numbers<[1], [0], [0], [1], [0, 0, 1, 1], [], []>, transpose_lhs_hint = false} : vector<128x512xbf16>, vector<512x128xbf16>, vector<128x128xf32> -> vector<128x128xf32>
    %sub3A_1092 = arith.subf %dot_general3A_1091, %dot_general3A_27 : vector<128x128xf32>
    %add3A_1093 = vector.broadcast %get3A_24 : vector<1x128xf32> to vector<128x128xf32>
    %add3A_1094 = arith.addf %sub3A_1092, %add3A_1093 : vector<128x128xf32>
    %max3A_1095 = arith.constant 0.000000e+00 : f32
    %max3A_1096 = vector.broadcast %max3A_1095 : f32 to vector<128x128xf32>
    %max3A_1097 = arith.maximumf %add3A_1094, %max3A_1096 : vector<128x128xf32>
    %eq3A_1098 = arith.constant 6.400000e+01 : bf16
    %eq3A_1099 = vector.broadcast %eq3A_1098 : bf16 to vector<128x512xbf16>
    %eq3A_1100 = arith.cmpf oeq, %convert_element_type3A_90, %eq3A_1099 : vector<128x512xbf16>
    %jit3A_1101 = arith.constant 1.000000e+00 : bf16
    %jit3A_1102 = arith.constant 0.000000e+00 : bf16
    %broadcast_in_dim3A_1103 = vector.broadcast %jit3A_1101 : bf16 to vector<128x512xbf16>
    %broadcast_in_dim3A_1104 = vector.broadcast %jit3A_1102 : bf16 to vector<128x512xbf16>
    %select_n3A_1105 = arith.select %eq3A_1100, %broadcast_in_dim3A_1103, %broadcast_in_dim3A_1104 : vector<128x512xi1>, vector<128x512xbf16>
    %dot_general3A_1106 = arith.constant dense<0.000000e+00> : vector<128x128xf32>
    %dot_general3A_1107 = tpu.matmul %select_n3A_1105, %convert_element_type3A_91, %dot_general3A_1106 {dimension_numbers = #tpu.dot_dimension_numbers<[1], [0], [0], [1], [0, 0, 1, 1], [], []>, transpose_lhs_hint = false} : vector<128x512xbf16>, vector<512x128xbf16>, vector<128x128xf32> -> vector<128x128xf32>
    %sub3A_1108 = arith.subf %dot_general3A_1107, %dot_general3A_27 : vector<128x128xf32>
    %add3A_1109 = vector.broadcast %get3A_24 : vector<1x128xf32> to vector<128x128xf32>
    %add3A_1110 = arith.addf %sub3A_1108, %add3A_1109 : vector<128x128xf32>
    %max3A_1111 = arith.constant 0.000000e+00 : f32
    %max3A_1112 = vector.broadcast %max3A_1111 : f32 to vector<128x128xf32>
    %max3A_1113 = arith.maximumf %add3A_1110, %max3A_1112 : vector<128x128xf32>
    %concatenate3A_1114 = tpu.concatenate %max3A_105, %max3A_121, %max3A_137, %max3A_153, %max3A_169, %max3A_185, %max3A_201, %max3A_217, %max3A_233, %max3A_249, %max3A_265, %max3A_281, %max3A_297, %max3A_313, %max3A_329, %max3A_345, %max3A_361, %max3A_377, %max3A_393, %max3A_409, %max3A_425, %max3A_441, %max3A_457, %max3A_473, %max3A_489, %max3A_505, %max3A_521, %max3A_537, %max3A_553, %max3A_569, %max3A_585, %max3A_601, %max3A_617, %max3A_633, %max3A_649, %max3A_665, %max3A_681, %max3A_697, %max3A_713, %max3A_729, %max3A_745, %max3A_761, %max3A_777, %max3A_793, %max3A_809, %max3A_825, %max3A_841, %max3A_857, %max3A_873, %max3A_889, %max3A_905, %max3A_921, %max3A_937, %max3A_953, %max3A_969, %max3A_985, %max3A_1001, %max3A_1017, %max3A_1033, %max3A_1049, %max3A_1065, %max3A_1081, %max3A_1097, %max3A_1113 in 0 : vector<128x128xf32>, vector<128x128xf32>, vector<128x128xf32>, vector<128x128xf32>, vector<128x128xf32>, vector<128x128xf32>, vector<128x128xf32>, vector<128x128xf32>, vector<128x128xf32>, vector<128x128xf32>, vector<128x128xf32>, vector<128x128xf32>, vector<128x128xf32>, vector<128x128xf32>, vector<128x128xf32>, vector<128x128xf32>, vector<128x128xf32>, vector<128x128xf32>, vector<128x128xf32>, vector<128x128xf32>, vector<128x128xf32>, vector<128x128xf32>, vector<128x128xf32>, vector<128x128xf32>, vector<128x128xf32>, vector<128x128xf32>, vector<128x128xf32>, vector<128x128xf32>, vector<128x128xf32>, vector<128x128xf32>, vector<128x128xf32>, vector<128x128xf32>, vector<128x128xf32>, vector<128x128xf32>, vector<128x128xf32>, vector<128x128xf32>, vector<128x128xf32>, vector<128x128xf32>, vector<128x128xf32>, vector<128x128xf32>, vector<128x128xf32>, vector<128x128xf32>, vector<128x128xf32>, vector<128x128xf32>, vector<128x128xf32>, vector<128x128xf32>, vector<128x128xf32>, vector<128x128xf32>, vector<128x128xf32>, vector<128x128xf32>, vector<128x128xf32>, vector<128x128xf32>, vector<128x128xf32>, vector<128x128xf32>, vector<128x128xf32>, vector<128x128xf32>, vector<128x128xf32>, vector<128x128xf32>, vector<128x128xf32>, vector<128x128xf32>, vector<128x128xf32>, vector<128x128xf32>, vector<128x128xf32>, vector<128x128xf32> -> vector<8192x128xf32>
    %get3A_1115 = arith.constant 0 : index
    %get3A_1116 = arith.constant 0 : index
    %get3A_1117 = vector.load %arg7[%get3A_1115, %get3A_1116] : memref<128x128xf32, #tpu.memory_space<vmem>>, vector<128x128xf32>
    %dot_general3A_1118 = arith.constant dense<0.000000e+00> : vector<8192x128xf32>
    %dot_general3A_1119 = tpu.matmul %concatenate3A_1114, %get3A_1117, %dot_general3A_1118 {dimension_numbers = #tpu.dot_dimension_numbers<[1], [0], [0], [1], [0, 0, 1, 1], [], []>, transpose_lhs_hint = false} : vector<8192x128xf32>, vector<128x128xf32>, vector<8192x128xf32> -> vector<8192x128xf32>
    %get3A_1120 = arith.constant 0 : index
    %get3A_1121 = arith.constant 0 : index
    %get3A_1122 = vector.load %arg8[%get3A_1120, %get3A_1121] : memref<1x128xf32, #tpu.memory_space<vmem>>, vector<1x128xf32>
    %add3A_1123 = vector.broadcast %get3A_1122 : vector<1x128xf32> to vector<8192x128xf32>
    %add3A_1124 = arith.addf %dot_general3A_1119, %add3A_1123 : vector<8192x128xf32>
    %max3A_1125 = arith.constant 0.000000e+00 : f32
    %max3A_1126 = vector.broadcast %max3A_1125 : f32 to vector<8192x128xf32>
    %max3A_1127 = arith.maximumf %add3A_1124, %max3A_1126 : vector<8192x128xf32>
    %get3A_1128 = arith.constant 0 : index
    %get3A_1129 = arith.constant 0 : index
    %get3A_1130 = vector.load %arg9[%get3A_1128, %get3A_1129] : memref<128x256xf32, #tpu.memory_space<vmem>>, vector<128x256xf32>
    %dot_general3A_1131 = arith.constant dense<0.000000e+00> : vector<8192x256xf32>
    %dot_general3A_1132 = tpu.matmul %max3A_1127, %get3A_1130, %dot_general3A_1131 {dimension_numbers = #tpu.dot_dimension_numbers<[1], [0], [0], [1], [0, 0, 1, 1], [], []>, transpose_lhs_hint = false} : vector<8192x128xf32>, vector<128x256xf32>, vector<8192x256xf32> -> vector<8192x256xf32>
    %get3A_1133 = arith.constant 0 : index
    %get3A_1134 = arith.constant 0 : index
    %get3A_1135 = vector.load %arg10[%get3A_1133, %get3A_1134] : memref<1x256xf32, #tpu.memory_space<vmem>>, vector<1x256xf32>
    %add3A_1136 = vector.broadcast %get3A_1135 : vector<1x256xf32> to vector<8192x256xf32>
    %add3A_1137 = arith.addf %dot_general3A_1132, %add3A_1136 : vector<8192x256xf32>
    %max3A_1138 = arith.constant 0.000000e+00 : f32
    %max3A_1139 = vector.broadcast %max3A_1138 : f32 to vector<8192x256xf32>
    %max3A_1140 = arith.maximumf %add3A_1137, %max3A_1139 : vector<8192x256xf32>
    %reshape3A = vector.shape_cast %max3A_1140 : vector<8192x256xf32> to vector<64x128x256xf32>
    %iota3A = tpu.iota {dimensions = array<i32: 0>} : vector<64x128x1xi32>
    %broadcast_in_dim3A_1141 = vector.shape_cast %convert_element_type3A_88 : vector<128x1xi32> to vector<1x128x1xi32>
    %gt3A = vector.broadcast %broadcast_in_dim3A_1141 : vector<1x128x1xi32> to vector<64x128x1xi32>
    %gt3A_1142 = arith.cmpi sgt, %gt3A, %iota3A : vector<64x128x1xi32>
    %jit3A_1143 = arith.constant 0.000000e+00 : f32
    %broadcast_in_dim3A_1144 = vector.shape_cast %gt3A_1142 : vector<64x128x1xi1> to vector<64x128x1xi1>
    %broadcast_in_dim3A_1145 = vector.broadcast %broadcast_in_dim3A_1144 : vector<64x128x1xi1> to vector<64x128x256xi1>
    %broadcast_in_dim3A_1146 = vector.broadcast %jit3A_1143 : f32 to vector<64x128x256xf32>
    %select_n3A_1147 = arith.select %broadcast_in_dim3A_1145, %reshape3A, %broadcast_in_dim3A_1146 : vector<64x128x256xi1>, vector<64x128x256xf32>
    %reduce_max3A = arith.constant dense<0xFF800000> : vector<128x256xf32>
    %reduce_max3A_1148 = vector.multi_reduction <maximumf>, %select_n3A_1147, %reduce_max3A [0] : vector<64x128x256xf32> to vector<128x256xf32>
    %swap3A = arith.constant 0 : index
    %swap3A_1149 = arith.constant 0 : index
    %swap3A_1150 = arith.constant 0 : index
    %swap3A_1151 = vector.load %arg11[%swap3A, %swap3A_1149, %swap3A_1150] : memref<1x128x256xf32, #tpu.memory_space<vmem>>, vector<1x128x256xf32>
    %swap3A_1152 = vector.shape_cast %swap3A_1151 : vector<1x128x256xf32> to vector<128x256xf32>
    %swap3A_1153 = vector.shape_cast %reduce_max3A_1148 : vector<128x256xf32> to vector<1x128x256xf32>
    tpu.vector_store %arg11[%swap3A, %swap3A_1149, %swap3A_1150], %swap3A_1153 {strides = array<i32>} : memref<1x128x256xf32, #tpu.memory_space<vmem>>, vector<1x128x256xf32>,
    return
  }
  func.func @transform_0(%arg0: i32) -> (i32, i32, i32) {
    %c0_i32 = arith.constant 0 : i32
    %c0_i32_0 = arith.constant 0 : i32
    %c0_i32_1 = arith.constant 0 : i32
    return %arg0, %c0_i32, %c0_i32_0 : i32, i32, i32
  }
  func.func @transform_1(%arg0: i32) -> (i32, i32, i32) {
    %c0_i32 = arith.constant 0 : i32
    %c0_i32_0 = arith.constant 0 : i32
    %c0_i32_1 = arith.constant 0 : i32
    return %arg0, %c0_i32, %c0_i32_0 : i32, i32, i32
  }
  func.func @transform_2(%arg0: i32) -> (i32, i32, i32) {
    %c0_i32 = arith.constant 0 : i32
    %c0_i32_0 = arith.constant 0 : i32
    %c0_i32_1 = arith.constant 0 : i32
    return %arg0, %c0_i32, %c0_i32_0 : i32, i32, i32
  }
  func.func @transform_3(%arg0: i32) -> (i32, i32, i32) {
    %c0_i32 = arith.constant 0 : i32
    %c0_i32_0 = arith.constant 0 : i32
    %c0_i32_1 = arith.constant 0 : i32
    return %arg0, %c0_i32, %c0_i32_0 : i32, i32, i32
  }
  func.func @transform_4(%arg0: i32) -> (i32, i32) {
    %c0_i32 = arith.constant 0 : i32
    %c0_i32_0 = arith.constant 0 : i32
    %c0_i32_1 = arith.constant 0 : i32
    return %c0_i32, %c0_i32_0 : i32, i32
  }
  func.func @transform_5(%arg0: i32) -> (i32, i32) {
    %c0_i32 = arith.constant 0 : i32
    %c0_i32_0 = arith.constant 0 : i32
    %c0_i32_1 = arith.constant 0 : i32
    return %c0_i32, %c0_i32_0 : i32, i32
  }
  func.func @transform_6(%arg0: i32) -> (i32, i32) {
    %c0_i32 = arith.constant 0 : i32
    %c0_i32_0 = arith.constant 0 : i32
    %c0_i32_1 = arith.constant 0 : i32
    return %c0_i32, %c0_i32_0 : i32, i32
  }
  func.func @transform_7(%arg0: i32) -> (i32, i32) {
    %c0_i32 = arith.constant 0 : i32
    %c0_i32_0 = arith.constant 0 : i32
    %c0_i32_1 = arith.constant 0 : i32
    return %c0_i32, %c0_i32_0 : i32, i32
  }
  func.func @transform_8(%arg0: i32) -> (i32, i32) {
    %c0_i32 = arith.constant 0 : i32
    %c0_i32_0 = arith.constant 0 : i32
    %c0_i32_1 = arith.constant 0 : i32
    return %c0_i32, %c0_i32_0 : i32, i32
  }
  func.func @transform_9(%arg0: i32) -> (i32, i32) {
    %c0_i32 = arith.constant 0 : i32
    %c0_i32_0 = arith.constant 0 : i32
    %c0_i32_1 = arith.constant 0 : i32
    return %c0_i32, %c0_i32_0 : i32, i32
  }
  func.func @transform_10(%arg0: i32) -> (i32, i32, i32) {
    %c0_i32 = arith.constant 0 : i32
    %c0_i32_0 = arith.constant 0 : i32
    %c0_i32_1 = arith.constant 0 : i32
    return %arg0, %c0_i32, %c0_i32_0 : i32, i32, i32
  }
}

module attributes {stable_mosaic.version = 14 : i64} {
  func.func @_sa3_body(%arg0: memref<1024x3xf32, #tpu.memory_space<vmem>>, %arg1: memref<1024x256xf32, #tpu.memory_space<vmem>>, %arg2: memref<259x256xf32, #tpu.memory_space<vmem>>, %arg3: memref<1x256xf32, #tpu.memory_space<vmem>>, %arg4: memref<256x512xf32, #tpu.memory_space<vmem>>, %arg5: memref<1x512xf32, #tpu.memory_space<vmem>>, %arg6: memref<512x1024xf32, #tpu.memory_space<vmem>>, %arg7: memref<1x1024xf32, #tpu.memory_space<vmem>>, %arg8: memref<8x1024xf32, #tpu.memory_space<vmem>>) attributes {dimension_semantics = [], scalar_prefetch = 0 : i64, scratch_operands = 0 : i64, tpu.core_type = #tpu.core_type<tc>} {
    %get3A = arith.constant 0 : index
    %get3A_0 = arith.constant 0 : index
    %get3A_1 = vector.load %arg0[%get3A, %get3A_0] : memref<1024x3xf32, #tpu.memory_space<vmem>>, vector<1024x3xf32>
    %get3A_2 = arith.constant 0 : index
    %get3A_3 = arith.constant 0 : index
    %get3A_4 = vector.load %arg1[%get3A_2, %get3A_3] : memref<1024x256xf32, #tpu.memory_space<vmem>>, vector<1024x256xf32>
    %concatenate3A = tpu.concatenate %get3A_1, %get3A_4 in 1 : vector<1024x3xf32>, vector<1024x256xf32> -> vector<1024x259xf32>
    %get3A_5 = arith.constant 0 : index
    %get3A_6 = arith.constant 0 : index
    %get3A_7 = vector.load %arg2[%get3A_5, %get3A_6] : memref<259x256xf32, #tpu.memory_space<vmem>>, vector<259x256xf32>
    %dot_general3A = arith.constant dense<0.000000e+00> : vector<1024x256xf32>
    %dot_general3A_8 = tpu.matmul %concatenate3A, %get3A_7, %dot_general3A {dimension_numbers = #tpu.dot_dimension_numbers<[1], [0], [0], [1], [0, 0, 1, 1], [], []>, transpose_lhs_hint = false} : vector<1024x259xf32>, vector<259x256xf32>, vector<1024x256xf32> -> vector<1024x256xf32>
    %get3A_9 = arith.constant 0 : index
    %get3A_10 = arith.constant 0 : index
    %get3A_11 = vector.load %arg3[%get3A_9, %get3A_10] : memref<1x256xf32, #tpu.memory_space<vmem>>, vector<1x256xf32>
    %add3A = vector.broadcast %get3A_11 : vector<1x256xf32> to vector<1024x256xf32>
    %add3A_12 = arith.addf %dot_general3A_8, %add3A : vector<1024x256xf32>
    %max3A = arith.constant 0.000000e+00 : f32
    %max3A_13 = vector.broadcast %max3A : f32 to vector<1024x256xf32>
    %max3A_14 = arith.maximumf %add3A_12, %max3A_13 : vector<1024x256xf32>
    %get3A_15 = arith.constant 0 : index
    %get3A_16 = arith.constant 0 : index
    %get3A_17 = vector.load %arg4[%get3A_15, %get3A_16] : memref<256x512xf32, #tpu.memory_space<vmem>>, vector<256x512xf32>
    %dot_general3A_18 = arith.constant dense<0.000000e+00> : vector<1024x512xf32>
    %dot_general3A_19 = tpu.matmul %max3A_14, %get3A_17, %dot_general3A_18 {dimension_numbers = #tpu.dot_dimension_numbers<[1], [0], [0], [1], [0, 0, 1, 1], [], []>, transpose_lhs_hint = false} : vector<1024x256xf32>, vector<256x512xf32>, vector<1024x512xf32> -> vector<1024x512xf32>
    %get3A_20 = arith.constant 0 : index
    %get3A_21 = arith.constant 0 : index
    %get3A_22 = vector.load %arg5[%get3A_20, %get3A_21] : memref<1x512xf32, #tpu.memory_space<vmem>>, vector<1x512xf32>
    %add3A_23 = vector.broadcast %get3A_22 : vector<1x512xf32> to vector<1024x512xf32>
    %add3A_24 = arith.addf %dot_general3A_19, %add3A_23 : vector<1024x512xf32>
    %max3A_25 = arith.constant 0.000000e+00 : f32
    %max3A_26 = vector.broadcast %max3A_25 : f32 to vector<1024x512xf32>
    %max3A_27 = arith.maximumf %add3A_24, %max3A_26 : vector<1024x512xf32>
    %get3A_28 = arith.constant 0 : index
    %get3A_29 = arith.constant 0 : index
    %get3A_30 = vector.load %arg6[%get3A_28, %get3A_29] : memref<512x1024xf32, #tpu.memory_space<vmem>>, vector<512x1024xf32>
    %dot_general3A_31 = arith.constant dense<0.000000e+00> : vector<1024x1024xf32>
    %dot_general3A_32 = tpu.matmul %max3A_27, %get3A_30, %dot_general3A_31 {dimension_numbers = #tpu.dot_dimension_numbers<[1], [0], [0], [1], [0, 0, 1, 1], [], []>, transpose_lhs_hint = false} : vector<1024x512xf32>, vector<512x1024xf32>, vector<1024x1024xf32> -> vector<1024x1024xf32>
    %get3A_33 = arith.constant 0 : index
    %get3A_34 = arith.constant 0 : index
    %get3A_35 = vector.load %arg7[%get3A_33, %get3A_34] : memref<1x1024xf32, #tpu.memory_space<vmem>>, vector<1x1024xf32>
    %add3A_36 = vector.broadcast %get3A_35 : vector<1x1024xf32> to vector<1024x1024xf32>
    %add3A_37 = arith.addf %dot_general3A_32, %add3A_36 : vector<1024x1024xf32>
    %max3A_38 = arith.constant 0.000000e+00 : f32
    %max3A_39 = vector.broadcast %max3A_38 : f32 to vector<1024x1024xf32>
    %max3A_40 = arith.maximumf %add3A_37, %max3A_39 : vector<1024x1024xf32>
    %reshape3A = vector.shape_cast %max3A_40 : vector<1024x1024xf32> to vector<8x128x1024xf32>
    %reduce_max3A = arith.constant dense<0xFF800000> : vector<8x1024xf32>
    %reduce_max3A_41 = vector.multi_reduction <maximumf>, %reshape3A, %reduce_max3A [1] : vector<8x128x1024xf32> to vector<8x1024xf32>
    %swap3A = arith.constant 0 : index
    %swap3A_42 = arith.constant 0 : index
    %swap3A_43 = vector.load %arg8[%swap3A, %swap3A_42] : memref<8x1024xf32, #tpu.memory_space<vmem>>, vector<8x1024xf32>
    tpu.vector_store %arg8[%swap3A, %swap3A_42], %reduce_max3A_41 {strides = array<i32>} : memref<8x1024xf32, #tpu.memory_space<vmem>>, vector<8x1024xf32>,
    return
  }
}

</mosaic_0001>

<sc_bundles>
// kernel: kernel.9.cloned.1.call-start
scs
__scs_entry_jumppad:
0x0: {  	(pc) =	sbr.rel $0x88, $3  }
0x1: {  	(tag) =	ssettag $0x0;
	lr =	simm.s32 $0x1  }
0x2: {  	[smem:$0x3F7C] =	sst lr;
	_ =	strace $0xD0000000  }
0x3: {  	_ = 	snop  }
0x4: {  	_ = 	snop  }
0x5: {  	_ = 	snop  }
0x6: {  	_ = 	snop  }
0x7: {  	_ = 	snop  }
__scs_overlays_trampoline_lowered:
0x8: {  	[smem:$0x3F8B] =	sst s0  }
0x9: {  	[smem:$0x3F8C] =	sst s1  }
0xa: {  	[smem:$0x3F8D] =	sst s2  }
0xb: {  	[smem:$0x3F8E] =	sst s3  }
0xc: {  	[smem:$0x3F8F] =	sst s4  }
0xd: {  	[smem:$0x3F90] =	sst s5  }
0xe: {  	[smem:$0x3F91] =	sst s6  }
0xf: {  	[smem:$0x3F92] =	sst s7  }
0x10: {  	[smem:$0x3F93] =	sst s8  }
0x11: {  	[smem:$0x3F94] =	sst s9;
	s0 =	simm.s32 @!p0 $0x0  }
0x12: {  	s1 =	sld [smem:$0x3F7A];
	s0 =	simm.s32 @p0 $0x1  }
0x13: {  	[smem:$0x3F95] =	sst s0;
	s0 =	simm.s32 @!p1 $0x0  }
0x14: {  	s2 =	sld [smem:$0x3F79];
	s0 =	simm.s32 @p1 $0x1  }
0x15: {  	[smem:$0x3F96] =	sst s0;
	s0 =	simm.s32 @!p2 $0x0  }
0x16: {  	s3 =	sld [smem:$0x3FDB];
	s0 =	simm.s32 @p2 $0x1  }
0x17: {  	s4 =	simm.s32 $0x1BF5;
	[smem:$0x3F98] =	sst s0  }
0x18: {  	s0 =	sld [smem:$0x3F7B];
	_ =	swait.ge [sflag:s4], $0x0  }
0x19: {  	s7 =	sld [smem:$0x3F7C]  }
0x1a: {  	s8 =	sadd.s32 $0xFFFFE003, lr  }
0x1b: {  	s9 =	sadd.s32 $0xFFFFFEF7, lr;
	s5 =	simm.s32 $0xFFFFFFFF;
	p2 =	slt.u32 s8, $0xFFFFF086  }
0x1c: {  	p1 =	slt.u32 s9, $0xF7A;
	s5 =	simm.s32 @!p2 $0x0  }
0x1d: {  	s5 =	simm.s32 @p1 $0x1;
	p0 =	seq.s32 s7, s2  }
0x1e: {  	s7 =	smul.u32 @!p0 $0xF7A, s2;
	p2 =	seq.s32 @!p0 s5, $0x0  }
0x1f: {  	s9 =	smul.u32 $0xF7A, s1;
	s8 =	simm.s32 @!p0 $0x1BF5;
	p2 =	por !p2, p0  }
0x20: {  	[sflag:s8] =	ssyncset.s32 @!p0 $0xFFFFF086;
	s6 =	sadd.s32 @!p0 s3, s7;
	s7 =	simm.s32 @!p0 $0x108  }
0x21: {  	s3 =	sadd.s32 s3, s9;
	s6 =	sadd.s32 @!p0 $0x88, s6;
	s7 =	simm.s32 @p2 $0x1082  }
0x22: {  	[simem:s7], [sflag:s8] =	dma.local @!p0 [hbm:s6], $0xF7A  }
0x23: {  	s9 =	sor.u32 $0xD0000000, s2;
	s6 =	simm.s32 $0x108;
	_ =	swait.ge @!p0 [sflag:s8], $0x0  }
0x24: {  	s3 =	sadd.s32 $0x88, s3;
	s6 =	simm.s32 @!p1 $0x1082;
	[sflag:s4] =	ssyncset.s32 $0xFFFFF086  }
0x25: {  	[simem:s6], [sflag:s4] =	dma.local [hbm:s3], $0xF7A  }
0x26: {  	[smem:$0x3F7C] =	sst s1;
	(tag) =	ssettag s2;
	_ =	strace s9  }
0x27: {  	s1 =	sld [smem:$0x3F8C]  }
0x28: {  	s2 =	sld [smem:$0x3F8D]  }
0x29: {  	s4 =	sld [smem:$0x3F8F]  }
0x2a: {  	p0 =	seq.s32 s5, $0x0;
	s5 =	sld [smem:$0x3F90]  }
0x2b: {  	s6 =	sld [smem:$0x3F91]  }
0x2c: {  	s7 =	sld [smem:$0x3F92]  }
0x2d: {  	s3 =	simm.s32 $0x108;
	s8 =	sld [smem:$0x3F93]  }
0x2e: {  	s3 =	simm.s32 @!p0 $0x1082;
	s9 =	sld [smem:$0x3F94]  }
0x2f: {  	lr =	sadd.s32 s0, s3;
	s0 =	sld [smem:$0x3F8B]  }
0x30: {  	s3 =	sld [smem:$0x3F8E]  }
0x31: {  	[smem:$0x3F97] =	sst s10  }
0x32: {  	s10 =	sld [smem:$0x3F95];
	_ =	sdelay $0x3  }
0x33: {  	p0 =	seq.s32 s10, $0x1;
	s10 =	sld [smem:$0x3F97];
	_ =	sdelay $0x3  }
0x34: {  	[smem:$0x3F97] =	sst s10  }
0x35: {  	s10 =	sld [smem:$0x3F96];
	_ =	sdelay $0x3  }
0x36: {  	p1 =	seq.s32 s10, $0x1;
	s10 =	sld [smem:$0x3F97];
	_ =	sdelay $0x3  }
0x37: {  	[smem:$0x3F97] =	sst s10  }
0x38: {  	s10 =	sld [smem:$0x3F98]  }
0x39: {  	_ = 	snop;
	(pc) =	sbr.ind lr, $3  }
0x3a: {  	_ = 	snop  }
0x3b: {  	_ = 	snop  }
0x3c: {  	p2 =	seq.s32 s10, $0x1;
	s10 =	sld [smem:$0x3F97]  }
0x3d: {  	_ =	shalt  }
0x3e: {  	_ =	shalt  }
0x3f: {  	_ =	shalt  }
0x40: {  	_ =	shalt  }
0x41: {  	_ =	shalt  }
0x42: {  	_ =	shalt  }
0x43: {  	_ =	shalt  }
0x44: {  	_ =	shalt  }
0x45: {  	_ =	shalt  }
0x46: {  	_ =	shalt  }
0x47: {  	_ =	shalt  }
0x48: {  	_ =	shalt  }
0x49: {  	_ =	shalt  }
0x4a: {  	_ =	shalt  }
0x4b: {  	_ =	shalt  }
0x4c: {  	_ =	shalt  }
0x4d: {  	_ =	shalt  }
0x4e: {  	_ =	shalt  }
0x4f: {  	_ =	shalt  }
0x50: {  	_ =	shalt  }
0x51: {  	_ =	shalt  }
0x52: {  	_ =	shalt  }
0x53: {  	_ =	shalt  }
0x54: {  	_ =	shalt  }
0x55: {  	_ =	shalt  }
0x56: {  	_ =	shalt  }
0x57: {  	_ =	shalt  }
0x58: {  	_ =	shalt  }
0x59: {  	_ =	shalt  }
0x5a: {  	_ =	shalt  }
0x5b: {  	_ =	shalt  }
0x5c: {  	_ =	shalt  }
0x5d: {  	_ =	shalt  }
0x5e: {  	_ =	shalt  }
0x5f: {  	_ =	shalt  }
0x60: {  	_ =	shalt  }
0x61: {  	_ =	shalt  }
0x62: {  	_ =	shalt  }
0x63: {  	_ =	shalt  }
0x64: {  	_ =	shalt  }
0x65: {  	_ =	shalt  }
0x66: {  	_ =	shalt  }
0x67: {  	_ =	shalt  }
0x68: {  	_ =	shalt  }
0x69: {  	_ =	shalt  }
0x6a: {  	_ =	shalt  }
0x6b: {  	_ =	shalt  }
0x6c: {  	_ =	shalt  }
0x6d: {  	_ =	shalt  }
0x6e: {  	_ =	shalt  }
0x6f: {  	_ =	shalt  }
0x70: {  	_ =	shalt  }
0x71: {  	_ =	shalt  }
0x72: {  	_ =	shalt  }
0x73: {  	_ =	shalt  }
0x74: {  	_ =	shalt  }
0x75: {  	_ =	shalt  }
0x76: {  	_ =	shalt  }
0x77: {  	_ =	shalt  }
0x78: {  	_ =	shalt  }
0x79: {  	_ =	shalt  }
0x7a: {  	_ =	shalt  }
0x7b: {  	_ =	shalt  }
0x7c: {  	_ =	shalt  }
0x7d: {  	_ =	shalt  }
0x7e: {  	_ =	shalt  }
0x7f: {  	_ =	shalt  }
0x80: {  	_ =	shalt  }
0x81: {  	_ =	shalt  }
0x82: {  	_ =	shalt  }
0x83: {  	_ =	shalt  }
0x84: {  	_ =	shalt  }
0x85: {  	_ =	shalt  }
0x86: {  	_ =	shalt  }
0x87: {  	_ =	shalt  }
.Lfunc_end0:
.L_simem_size_0:
called_computation_lowered:
.L_overlay_start_0:
0x88: {  	s2 =	sld [smem:$0x3FD9]  }
0x89: {  	s3 =	sld [smem:$0x3FFE];
	_ =	sdelay $0x1  }
0x8a: {  	s1 =	srdreg.scid  }
0x8b: {  	s0 =	sand.u32 $0x1, s1  }
0x8c: {  	s16 =	sshll.u32 s0, $0xA;
	s2 =	sadd.s32 s3, s2  }
0x8d: {  	s2 =	sadd.s32 s2, s16  }
0x8e: {  	[smem:$0x3FA3] =	sst s2  }
0x8f: {  	_ = 	snop  }
0x90: {  	(tm) =	ssettm $0x1  }
0x91: {  	s17 =	sld [smem:$0x3FFB];
	_ =	sdelay $0x3  }
0x92: {  	_ =	strace s17  }
0x93: {  	s2 =	sld [smem:$0x3FFC];
	_ =	sdelay $0x3  }
0x94: {  	_ =	strace s2  }
0x95: {  	s2 =	sld [smem:$0x3FFD];
	_ =	sdelay $0x3  }
0x96: {  	_ =	strace s2  }
0x97: {  	_ =	strace $0x8FFFFFFF  }
0x98: {  	s18 =	sld [smem:$0x3FDB];
	_ =	sdelay $0x1  }
0x99: {  	s19 =	simm.s32 $_scs_section_size  }
0x9a: {  	s4 =	simm.s32 $_size__tile_overlayer_lowered;
	s5 =	simm.s32 $_tile_overlayer_lowered  }
0x9b: {  	s22 =	simm.s32 $0x1BFF;
	s21 =	sshll.u32 s5, $0x1;
	s2 =	sadd.s32 s19, s18  }
0x9c: {  	s6 =	simm.s32 $0x0;
	s20 =	sshll.u32 s4, $0x1;
	s4 =	sadd.s32 s21, s2  }
0x9d: {  	[timem:s6], [sflag:s22] =	dma.local [hbm:s4], s20  }
0x9e: {  	_ =	swait.ge [sflag:s22], s20  }
0x9f: {  	s3 =	ssub.s32 $0x0, s20;
	[sflag:s22] =	ssyncset.done $0x0  }
0xa0: {  	[sflag:s22] =	ssyncadd.s32 s3;
	_ =	sdelay $0x1  }
0xa1: {  	s23 =	simm.s32 $0x1B8B  }
0xa2: {  	_ =	swait.ge [sflag:s23], $0x1  }
0xa3: {  	[sflag:s23] =	ssyncset.done $0x0  }
0xa4: {  	s25 =	simm.s32 $0x1B8E;
	s24 =	sld [smem:$0x3FFE];
	[sflag:s23] =	ssyncadd.s32 $0xFFFFFFFF  }
0xa5: {  	s26 =	simm.s32 $execute0_lowered;
	[smem:$0x3FD2] =	sst s25  }
0xa6: {  	s4 =	sshll.u32 s26, $0x1;
	_ =	strace $0x80000046;
	[dreg:$0x1] =	wrdreg $0xFFFFFFFF  }
0xa7: {  	s28 =	simm.s32 $_size_execute0_lowered;
	s2 =	sadd.s32 s2, s4;
	[dreg:$0x0] =	wrdreg $0x0  }
0xa8: {  	s4 =	sshll.u32 s28, $0x1;
	[dreg:$0x2] =	wrdreg s2  }
0xa9: {  	[dreg:$0x3] =	wrdreg s4  }
0xaa: {  	[dreg:$0x4] =	wrdreg $0xC0  }
0xab: {  	_ =	task [dreg:s6], $0x5FFFF  }
0xac: {  	[dreg:$0x1] =	wrdreg $0xFFFFFFFF  }
0xad: {  	[dreg:$0x0] =	wrdreg $0x60  }
0xae: {  	[dreg:$0x2] =	wrdreg s24  }
0xaf: {  	[dreg:$0x3] =	wrdreg $0x9  }
0xb0: {  	_ =	task.clear_ibuf [dreg:s6], $0x4FFFF;
	_ =	strace $0x90000046  }
0xb1: {  	s29 =	simm.s32 $0x9;
	_ =	strace $0x80000048  }
0xb2: {  	_ =	swait.ge [sflag:s29], $0x1  }
0xb3: {  	[sflag:s29] =	ssyncadd.s32 $0xFFFFFFFF  }
0xb4: {  	_ =	strace $0x90000048  }
0xb5: {  	_ =	sfence  }
0xb6: {  	s30 =	sld [smem:$0x0];
	_ =	sdelay $0x2  }
0xb7: {  	s31 =	sshll.u32 s1, $0xD;
	s1 =	sshrl.u32 s1, $0x2  }
0xb8: {  	s3 =	sand.u32 $0x4000, s31;
	s1 =	sadd.s32 s1, s30  }
0xb9: {  	s0 =	sor.u32 s3, s0;
	s1 =	sshll.u32 s1, $0x11  }
0xba: {  	s0 =	sor.u32 s1, s0  }
0xbb: {  	s0 =	sadd.s32 $0x8F2B, s0  }
0xbc: {  	[sflag:s0] =	ssyncadd.remote.s32 $0x1  }
0xbd: {  	_ =	sfence.sel $0xFFFF  }
0xbe: {  	[dreg:$0x0] =	wrdreg $0xFFFFFFFF;
	(pc) =	sbr.abs _section_cstart, $3  }
0xbf: {  	[dreg:$0x1] =	wrdreg $0xFFFFFFFF  }
0xc0: {  	_ =	task.clear_ibuf [dreg:s6], $0x2FFFF;
	_ =	strace $0x9FFFFFFF  }
0xc1: {  	(tm) =	ssettm $0x7FFFFFFF  }
tec
execute0_lowered:
.L_overlay_start_1:
0x0: {  	(tag) =	ssettag $0x1  }
0x1: {  	s1 =	srdreg.scid  }
0x2: {  	s0 =	stileid.u32;
	s22 =	sand.u32 $0x1, s1  }
0x3: {  	s8 =	rddreg [dreg:$0x0];
	s3 =	sshll.u32 s0, $0xD;
	s4 =	sshll.u32 s22, $0xC  }
0x4: {  	s2 =	simm.s32 $0x0;
	s1 =	rddreg [dreg:$0x1];
	s24 =	sor.u32 s4, s3  }
0x5: {  	[smem:$0x7FF] =	sst s2;
	s21 =	sadd.s32 $0x5C00, s8;
	s3 =	sshrl.u32 s24, $0x3  }
0x6: {  	_ =	strace $0x80000047;
	s4 =	sadd.s32 s21, s3;
	s3 =	simm.s32 $0x2  }
0x7: {  	[tilespmem:s2], [sflag:$0x2] =	stream.linear.gather [hbm4b:s4+s2], $0x200, $0x38;
	[tilespmem:$0x10200] =	vst v63  }
0x8: {  	_ =	swait.ge [sflag:s3], $0x200  }
0x9: {  	s6 =	simm.s32 $0x200;
	[sflag:s3] =	ssyncset.done $0x0  }
0xa: {  	s7 =	simm.s32 $0x1;
	s5 =	sadd.s32 $0x85C00, s8;
	[sflag:s3] =	ssyncadd.s32 $0xFFFFFE00  }
0xb: {  	[tilespmem:s6], [sflag:$0x1] =	stream.indirect.gather [hbm4b:s5+s6], $0x80, s2, s6, $0xb8;
	[tilespmem:$0x10200] =	vst v63  }
0xc: {  	_ =	swait.ge [sflag:s7], $0x10000  }
0xd: {  	s23 =	sadd.s32 $0x105C00, s8;
	s28 =	sshll.u32 s24, $0x4;
	[sflag:s7] =	ssyncset.done $0x0  }
0xe: {  	s8 =	sadd.s32 s23, s28;
	[sflag:s7] =	ssyncadd.s32 $0xFFFF0000  }
0xf: {  	[hbm4b:s8+s2] =	stream.linear.scatter [tilespmem:s6], [sflag:$0x2], $0x10000, $0x38;
	[tilespmem:$0x10200] =	vst v63  }
0x10: {  	s10 =	sor.u32 $0x200, s24;
	_ =	swait.ge [sflag:s3], $0x10000  }
0x11: {  	s9 =	sshrl.u32 s10, $0x3;
	[sflag:s3] =	ssyncset.done $0x0  }
0x12: {  	s9 =	sadd.s32 s21, s9;
	[sflag:s3] =	ssyncadd.s32 $0xFFFF0000  }
0x13: {  	[tilespmem:s2], [sflag:$0x2] =	stream.linear.gather [hbm4b:s9+s2], $0x200, $0x38;
	[tilespmem:$0x10200] =	vst v63  }
0x14: {  	_ =	swait.ge [sflag:s3], $0x200  }
0x15: {  	[sflag:s3] =	ssyncset.done $0x0  }
0x16: {  	[sflag:s3] =	ssyncadd.s32 $0xFFFFFE00  }
0x17: {  	[tilespmem:s6], [sflag:$0x1] =	stream.indirect.gather [hbm4b:s5+s6], $0x80, s2, s6, $0xb8;
	[tilespmem:$0x10200] =	vst v63  }
0x18: {  	_ =	swait.ge [sflag:s7], $0x10000  }
0x19: {  	s10 =	sshll.u32 s10, $0x4;
	[sflag:s7] =	ssyncset.done $0x0  }
0x1a: {  	s10 =	sadd.s32 s23, s10;
	[sflag:s7] =	ssyncadd.s32 $0xFFFF0000  }
0x1b: {  	[hbm4b:s10+s2] =	stream.linear.scatter [tilespmem:s6], [sflag:$0x2], $0x10000, $0x38;
	[tilespmem:$0x10200] =	vst v63  }
0x1c: {  	s12 =	sor.u32 $0x400, s24;
	_ =	swait.ge [sflag:s3], $0x10000  }
0x1d: {  	s11 =	sshrl.u32 s12, $0x3;
	[sflag:s3] =	ssyncset.done $0x0  }
0x1e: {  	s11 =	sadd.s32 s21, s11;
	[sflag:s3] =	ssyncadd.s32 $0xFFFF0000  }
0x1f: {  	[tilespmem:s2], [sflag:$0x2] =	stream.linear.gather [hbm4b:s11+s2], $0x200, $0x38;
	[tilespmem:$0x10200] =	vst v63  }
0x20: {  	_ =	swait.ge [sflag:s3], $0x200  }
0x21: {  	[sflag:s3] =	ssyncset.done $0x0  }
0x22: {  	[sflag:s3] =	ssyncadd.s32 $0xFFFFFE00  }
0x23: {  	[tilespmem:s6], [sflag:$0x1] =	stream.indirect.gather [hbm4b:s5+s6], $0x80, s2, s6, $0xb8;
	[tilespmem:$0x10200] =	vst v63  }
0x24: {  	_ =	swait.ge [sflag:s7], $0x10000  }
0x25: {  	s12 =	sshll.u32 s12, $0x4;
	[sflag:s7] =	ssyncset.done $0x0  }
0x26: {  	s12 =	sadd.s32 s23, s12;
	[sflag:s7] =	ssyncadd.s32 $0xFFFF0000  }
0x27: {  	[hbm4b:s12+s2] =	stream.linear.scatter [tilespmem:s6], [sflag:$0x2], $0x10000, $0x38;
	[tilespmem:$0x10200] =	vst v63  }
0x28: {  	s14 =	sor.u32 $0x600, s24;
	_ =	swait.ge [sflag:s3], $0x10000  }
0x29: {  	s13 =	sshrl.u32 s14, $0x3;
	[sflag:s3] =	ssyncset.done $0x0  }
0x2a: {  	s13 =	sadd.s32 s21, s13;
	[sflag:s3] =	ssyncadd.s32 $0xFFFF0000  }
0x2b: {  	[tilespmem:s2], [sflag:$0x2] =	stream.linear.gather [hbm4b:s13+s2], $0x200, $0x38;
	[tilespmem:$0x10200] =	vst v63  }
0x2c: {  	_ =	swait.ge [sflag:s3], $0x200  }
0x2d: {  	[sflag:s3] =	ssyncset.done $0x0  }
0x2e: {  	[sflag:s3] =	ssyncadd.s32 $0xFFFFFE00  }
0x2f: {  	[tilespmem:s6], [sflag:$0x1] =	stream.indirect.gather [hbm4b:s5+s6], $0x80, s2, s6, $0xb8;
	[tilespmem:$0x10200] =	vst v63  }
0x30: {  	_ =	swait.ge [sflag:s7], $0x10000  }
0x31: {  	s14 =	sshll.u32 s14, $0x4;
	[sflag:s7] =	ssyncset.done $0x0  }
0x32: {  	s14 =	sadd.s32 s23, s14;
	[sflag:s7] =	ssyncadd.s32 $0xFFFF0000  }
0x33: {  	[hbm4b:s14+s2] =	stream.linear.scatter [tilespmem:s6], [sflag:$0x2], $0x10000, $0x38;
	[tilespmem:$0x10200] =	vst v63  }
0x34: {  	s16 =	sor.u32 $0x800, s24;
	_ =	swait.ge [sflag:s3], $0x10000  }
0x35: {  	s15 =	sshrl.u32 s16, $0x3;
	[sflag:s3] =	ssyncset.done $0x0  }
0x36: {  	s15 =	sadd.s32 s21, s15;
	[sflag:s3] =	ssyncadd.s32 $0xFFFF0000  }
0x37: {  	[tilespmem:s2], [sflag:$0x2] =	stream.linear.gather [hbm4b:s15+s2], $0x200, $0x38;
	[tilespmem:$0x10200] =	vst v63  }
0x38: {  	_ =	swait.ge [sflag:s3], $0x200  }
0x39: {  	[sflag:s3] =	ssyncset.done $0x0  }
0x3a: {  	[sflag:s3] =	ssyncadd.s32 $0xFFFFFE00  }
0x3b: {  	[tilespmem:s6], [sflag:$0x1] =	stream.indirect.gather [hbm4b:s5+s6], $0x80, s2, s6, $0xb8;
	[tilespmem:$0x10200] =	vst v63  }
0x3c: {  	_ =	swait.ge [sflag:s7], $0x10000  }
0x3d: {  	s16 =	sshll.u32 s16, $0x4;
	[sflag:s7] =	ssyncset.done $0x0  }
0x3e: {  	s16 =	sadd.s32 s23, s16;
	[sflag:s7] =	ssyncadd.s32 $0xFFFF0000  }
0x3f: {  	[hbm4b:s16+s2] =	stream.linear.scatter [tilespmem:s6], [sflag:$0x2], $0x10000, $0x38;
	[tilespmem:$0x10200] =	vst v63  }
0x40: {  	s18 =	sor.u32 $0xA00, s24;
	_ =	swait.ge [sflag:s3], $0x10000  }
0x41: {  	s17 =	sshrl.u32 s18, $0x3;
	[sflag:s3] =	ssyncset.done $0x0  }
0x42: {  	s17 =	sadd.s32 s21, s17;
	[sflag:s3] =	ssyncadd.s32 $0xFFFF0000  }
0x43: {  	[tilespmem:s2], [sflag:$0x2] =	stream.linear.gather [hbm4b:s17+s2], $0x200, $0x38;
	[tilespmem:$0x10200] =	vst v63  }
0x44: {  	_ =	swait.ge [sflag:s3], $0x200  }
0x45: {  	[sflag:s3] =	ssyncset.done $0x0  }
0x46: {  	[sflag:s3] =	ssyncadd.s32 $0xFFFFFE00  }
0x47: {  	[tilespmem:s6], [sflag:$0x1] =	stream.indirect.gather [hbm4b:s5+s6], $0x80, s2, s6, $0xb8;
	[tilespmem:$0x10200] =	vst v63  }
0x48: {  	_ =	swait.ge [sflag:s7], $0x10000  }
0x49: {  	s18 =	sshll.u32 s18, $0x4;
	[sflag:s7] =	ssyncset.done $0x0  }
0x4a: {  	s18 =	sadd.s32 s23, s18;
	[sflag:s7] =	ssyncadd.s32 $0xFFFF0000  }
0x4b: {  	[hbm4b:s18+s2] =	stream.linear.scatter [tilespmem:s6], [sflag:$0x2], $0x10000, $0x38;
	[tilespmem:$0x10200] =	vst v63  }
0x4c: {  	s20 =	sor.u32 $0xC00, s24;
	_ =	swait.ge [sflag:s3], $0x10000  }
0x4d: {  	s19 =	sshrl.u32 s20, $0x3;
	[sflag:s3] =	ssyncset.done $0x0  }
0x4e: {  	s19 =	sadd.s32 s21, s19;
	[sflag:s3] =	ssyncadd.s32 $0xFFFF0000  }
0x4f: {  	[tilespmem:s2], [sflag:$0x2] =	stream.linear.gather [hbm4b:s19+s2], $0x200, $0x38;
	[tilespmem:$0x10200] =	vst v63  }
0x50: {  	_ =	swait.ge [sflag:s3], $0x200  }
0x51: {  	[sflag:s3] =	ssyncset.done $0x0  }
0x52: {  	[sflag:s3] =	ssyncadd.s32 $0xFFFFFE00  }
0x53: {  	[tilespmem:s6], [sflag:$0x1] =	stream.indirect.gather [hbm4b:s5+s6], $0x80, s2, s6, $0xb8;
	[tilespmem:$0x10200] =	vst v63  }
0x54: {  	_ =	swait.ge [sflag:s7], $0x10000  }
0x55: {  	s20 =	sshll.u32 s20, $0x4;
	[sflag:s7] =	ssyncset.done $0x0  }
0x56: {  	s20 =	sadd.s32 s23, s20;
	[sflag:s7] =	ssyncadd.s32 $0xFFFF0000  }
0x57: {  	[hbm4b:s20+s2] =	stream.linear.scatter [tilespmem:s6], [sflag:$0x2], $0x10000, $0x38;
	[tilespmem:$0x10200] =	vst v63  }
0x58: {  	s24 =	sor.u32 $0xE00, s24;
	_ =	swait.ge [sflag:s3], $0x10000  }
0x59: {  	s25 =	sshrl.u32 s24, $0x3;
	[sflag:s3] =	ssyncset.done $0x0  }
0x5a: {  	s22 =	ssub.s32 $0x2, s22;
	s21 =	sadd.s32 s21, s25;
	[sflag:s3] =	ssyncadd.s32 $0xFFFF0000  }
0x5b: {  	[tilespmem:s2], [sflag:$0x2] =	stream.linear.gather [hbm4b:s21+s2], $0x200, $0x38;
	[tilespmem:$0x10200] =	vst v63  }
0x5c: {  	s29 =	sshrl.u32 s22, $0x1;
	_ =	swait.ge [sflag:s3], $0x200  }
0x5d: {  	s25 =	ssub.s32 s22, s29;
	[sflag:s3] =	ssyncset.done $0x0  }
0x5e: {  	s31 =	smax.u32 s25, $0x1;
	[sflag:s3] =	ssyncadd.s32 $0xFFFFFE00  }
0x5f: {  	[tilespmem:s6], [sflag:$0x1] =	stream.indirect.gather [hbm4b:s5+s6], $0x80, s2, s6, $0xb8;
	[tilespmem:$0x10200] =	vst v63  }
0x60: {  	p0 =	sne.s32 s31, $0x1;
	_ =	swait.ge [sflag:s7], $0x10000  }
.Ltmp0:
0x61: {  	s30 =	sshll.u32 s24, $0x4;
	[sflag:s7] =	ssyncset.done $0x0;
	(pc) =	sbr.rel @!p0 .LBB2_2-.Ltmp0, $4  }
0x62: {  	s22 =	sadd.s32 s23, s30;
	[sflag:s7] =	ssyncadd.s32 $0xFFFF0000  }
0x63: {  	[hbm4b:s22+s2] =	stream.linear.scatter [tilespmem:s6], [sflag:$0x2], $0x10000, $0x38;
	[tilespmem:$0x10200] =	vst v63  }
0x64: {  	_ =	swait.ge [sflag:s3], $0x10000  }
0x65: {  	s23 =	sadd.s32 $0xFFFFFFFF, s31;
	[sflag:s3] =	ssyncset.done $0x0  }
.LBB2_1:
0x66: {  	p0 =	sne.s32 s23, $0x1;
	s23 =	sadd.s32 $0xFFFFFFFF, s23;
	[sflag:s3] =	ssyncadd.s32 $0xFFFF0000  }
0x67: {  	[tilespmem:s2], [sflag:$0x2] =	stream.linear.gather [hbm4b:s4+s2], $0x200, $0x38;
	[tilespmem:$0x10200] =	vst v63  }
0x68: {  	_ =	swait.ge [sflag:s3], $0x200  }
0x69: {  	[sflag:s3] =	ssyncset.done $0x0  }
0x6a: {  	[sflag:s3] =	ssyncadd.s32 $0xFFFFFE00  }
0x6b: {  	[tilespmem:s6], [sflag:$0x1] =	stream.indirect.gather [hbm4b:s5+s6], $0x80, s2, s6, $0xb8;
	[tilespmem:$0x10200] =	vst v63  }
0x6c: {  	_ =	swait.ge [sflag:s7], $0x10000  }
0x6d: {  	[sflag:s7] =	ssyncset.done $0x0  }
0x6e: {  	[sflag:s7] =	ssyncadd.s32 $0xFFFF0000  }
0x6f: {  	[hbm4b:s8+s2] =	stream.linear.scatter [tilespmem:s6], [sflag:$0x2], $0x10000, $0x38;
	[tilespmem:$0x10200] =	vst v63  }
0x70: {  	_ =	swait.ge [sflag:s3], $0x10000  }
0x71: {  	[sflag:s3] =	ssyncset.done $0x0  }
0x72: {  	[sflag:s3] =	ssyncadd.s32 $0xFFFF0000  }
0x73: {  	[tilespmem:s2], [sflag:$0x2] =	stream.linear.gather [hbm4b:s9+s2], $0x200, $0x38;
	[tilespmem:$0x10200] =	vst v63  }
0x74: {  	_ =	swait.ge [sflag:s3], $0x200  }
0x75: {  	[sflag:s3] =	ssyncset.done $0x0  }
0x76: {  	[sflag:s3] =	ssyncadd.s32 $0xFFFFFE00  }
0x77: {  	[tilespmem:s6], [sflag:$0x1] =	stream.indirect.gather [hbm4b:s5+s6], $0x80, s2, s6, $0xb8;
	[tilespmem:$0x10200] =	vst v63  }
0x78: {  	_ =	swait.ge [sflag:s7], $0x10000  }
0x79: {  	[sflag:s7] =	ssyncset.done $0x0  }
0x7a: {  	[sflag:s7] =	ssyncadd.s32 $0xFFFF0000  }
0x7b: {  	[hbm4b:s10+s2] =	stream.linear.scatter [tilespmem:s6], [sflag:$0x2], $0x10000, $0x38;
	[tilespmem:$0x10200] =	vst v63  }
0x7c: {  	_ =	swait.ge [sflag:s3], $0x10000  }
0x7d: {  	[sflag:s3] =	ssyncset.done $0x0  }
0x7e: {  	[sflag:s3] =	ssyncadd.s32 $0xFFFF0000  }
0x7f: {  	[tilespmem:s2], [sflag:$0x2] =	stream.linear.gather [hbm4b:s11+s2], $0x200, $0x38;
	[tilespmem:$0x10200] =	vst v63  }
0x80: {  	_ =	swait.ge [sflag:s3], $0x200  }
0x81: {  	[sflag:s3] =	ssyncset.done $0x0  }
0x82: {  	[sflag:s3] =	ssyncadd.s32 $0xFFFFFE00  }
0x83: {  	[tilespmem:s6], [sflag:$0x1] =	stream.indirect.gather [hbm4b:s5+s6], $0x80, s2, s6, $0xb8;
	[tilespmem:$0x10200] =	vst v63  }
0x84: {  	_ =	swait.ge [sflag:s7], $0x10000  }
0x85: {  	[sflag:s7] =	ssyncset.done $0x0  }
0x86: {  	[sflag:s7] =	ssyncadd.s32 $0xFFFF0000  }
0x87: {  	[hbm4b:s12+s2] =	stream.linear.scatter [tilespmem:s6], [sflag:$0x2], $0x10000, $0x38;
	[tilespmem:$0x10200] =	vst v63  }
0x88: {  	_ =	swait.ge [sflag:s3], $0x10000  }
0x89: {  	[sflag:s3] =	ssyncset.done $0x0  }
0x8a: {  	[sflag:s3] =	ssyncadd.s32 $0xFFFF0000  }
0x8b: {  	[tilespmem:s2], [sflag:$0x2] =	stream.linear.gather [hbm4b:s13+s2], $0x200, $0x38;
	[tilespmem:$0x10200] =	vst v63  }
0x8c: {  	_ =	swait.ge [sflag:s3], $0x200  }
0x8d: {  	[sflag:s3] =	ssyncset.done $0x0  }
0x8e: {  	[sflag:s3] =	ssyncadd.s32 $0xFFFFFE00  }
0x8f: {  	[tilespmem:s6], [sflag:$0x1] =	stream.indirect.gather [hbm4b:s5+s6], $0x80, s2, s6, $0xb8;
	[tilespmem:$0x10200] =	vst v63  }
0x90: {  	_ =	swait.ge [sflag:s7], $0x10000  }
0x91: {  	[sflag:s7] =	ssyncset.done $0x0  }
0x92: {  	[sflag:s7] =	ssyncadd.s32 $0xFFFF0000  }
0x93: {  	[hbm4b:s14+s2] =	stream.linear.scatter [tilespmem:s6], [sflag:$0x2], $0x10000, $0x38;
	[tilespmem:$0x10200] =	vst v63  }
0x94: {  	_ =	swait.ge [sflag:s3], $0x10000  }
0x95: {  	[sflag:s3] =	ssyncset.done $0x0  }
0x96: {  	[sflag:s3] =	ssyncadd.s32 $0xFFFF0000  }
0x97: {  	[tilespmem:s2], [sflag:$0x2] =	stream.linear.gather [hbm4b:s15+s2], $0x200, $0x38;
	[tilespmem:$0x10200] =	vst v63  }
0x98: {  	_ =	swait.ge [sflag:s3], $0x200  }
0x99: {  	[sflag:s3] =	ssyncset.done $0x0  }
0x9a: {  	[sflag:s3] =	ssyncadd.s32 $0xFFFFFE00  }
0x9b: {  	[tilespmem:s6], [sflag:$0x1] =	stream.indirect.gather [hbm4b:s5+s6], $0x80, s2, s6, $0xb8;
	[tilespmem:$0x10200] =	vst v63  }
0x9c: {  	_ =	swait.ge [sflag:s7], $0x10000  }
0x9d: {  	[sflag:s7] =	ssyncset.done $0x0  }
0x9e: {  	[sflag:s7] =	ssyncadd.s32 $0xFFFF0000  }
0x9f: {  	[hbm4b:s16+s2] =	stream.linear.scatter [tilespmem:s6], [sflag:$0x2], $0x10000, $0x38;
	[tilespmem:$0x10200] =	vst v63  }
0xa0: {  	_ =	swait.ge [sflag:s3], $0x10000  }
0xa1: {  	[sflag:s3] =	ssyncset.done $0x0  }
0xa2: {  	[sflag:s3] =	ssyncadd.s32 $0xFFFF0000  }
0xa3: {  	[tilespmem:s2], [sflag:$0x2] =	stream.linear.gather [hbm4b:s17+s2], $0x200, $0x38;
	[tilespmem:$0x10200] =	vst v63  }
0xa4: {  	_ =	swait.ge [sflag:s3], $0x200  }
0xa5: {  	[sflag:s3] =	ssyncset.done $0x0  }
0xa6: {  	[sflag:s3] =	ssyncadd.s32 $0xFFFFFE00  }
0xa7: {  	[tilespmem:s6], [sflag:$0x1] =	stream.indirect.gather [hbm4b:s5+s6], $0x80, s2, s6, $0xb8;
	[tilespmem:$0x10200] =	vst v63  }
0xa8: {  	_ =	swait.ge [sflag:s7], $0x10000  }
0xa9: {  	[sflag:s7] =	ssyncset.done $0x0  }
0xaa: {  	[sflag:s7] =	ssyncadd.s32 $0xFFFF0000  }
0xab: {  	[hbm4b:s18+s2] =	stream.linear.scatter [tilespmem:s6], [sflag:$0x2], $0x10000, $0x38;
	[tilespmem:$0x10200] =	vst v63  }
0xac: {  	_ =	swait.ge [sflag:s3], $0x10000  }
0xad: {  	[sflag:s3] =	ssyncset.done $0x0  }
0xae: {  	[sflag:s3] =	ssyncadd.s32 $0xFFFF0000  }
0xaf: {  	[tilespmem:s2], [sflag:$0x2] =	stream.linear.gather [hbm4b:s19+s2], $0x200, $0x38;
	[tilespmem:$0x10200] =	vst v63  }
0xb0: {  	_ =	swait.ge [sflag:s3], $0x200  }
0xb1: {  	[sflag:s3] =	ssyncset.done $0x0  }
0xb2: {  	[sflag:s3] =	ssyncadd.s32 $0xFFFFFE00  }
0xb3: {  	[tilespmem:s6], [sflag:$0x1] =	stream.indirect.gather [hbm4b:s5+s6], $0x80, s2, s6, $0xb8;
	[tilespmem:$0x10200] =	vst v63  }
0xb4: {  	_ =	swait.ge [sflag:s7], $0x10000  }
0xb5: {  	[sflag:s7] =	ssyncset.done $0x0  }
0xb6: {  	[sflag:s7] =	ssyncadd.s32 $0xFFFF0000  }
0xb7: {  	[hbm4b:s20+s2] =	stream.linear.scatter [tilespmem:s6], [sflag:$0x2], $0x10000, $0x38;
	[tilespmem:$0x10200] =	vst v63  }
0xb8: {  	_ =	swait.ge [sflag:s3], $0x10000  }
0xb9: {  	[sflag:s3] =	ssyncset.done $0x0  }
0xba: {  	[sflag:s3] =	ssyncadd.s32 $0xFFFF0000  }
0xbb: {  	[tilespmem:s2], [sflag:$0x2] =	stream.linear.gather [hbm4b:s21+s2], $0x200, $0x38;
	[tilespmem:$0x10200] =	vst v63  }
0xbc: {  	_ =	swait.ge [sflag:s3], $0x200  }
0xbd: {  	[sflag:s3] =	ssyncset.done $0x0  }
0xbe: {  	[sflag:s3] =	ssyncadd.s32 $0xFFFFFE00  }
0xbf: {  	[tilespmem:s6], [sflag:$0x1] =	stream.indirect.gather [hbm4b:s5+s6], $0x80, s2, s6, $0xb8;
	[tilespmem:$0x10200] =	vst v63  }
0xc0: {  	_ =	swait.ge [sflag:s7], $0x10000  }
.Ltmp1:
0xc1: {  	[sflag:s7] =	ssyncset.done $0x0;
	(pc) =	sbr.rel @p0 .LBB2_1-.Ltmp1, $4  }
0xc2: {  	[sflag:s7] =	ssyncadd.s32 $0xFFFF0000  }
0xc3: {  	[hbm4b:s22+s2] =	stream.linear.scatter [tilespmem:s6], [sflag:$0x2], $0x10000, $0x38;
	[tilespmem:$0x10200] =	vst v63  }
0xc4: {  	_ =	swait.ge [sflag:s3], $0x10000  }
0xc5: {  	[sflag:s3] =	ssyncset.done $0x0  }
.LBB2_2:
0xc6: {  	[sflag:s3] =	ssyncadd.s32 $0xFFFF0000  }
0xc7: {  	_ =	sfence.sel $0x180000  }
0xc8: {  	[bflag:$0x0] =	sbarrier.arrive $0xFFFF  }
0xc9: {  	p0 =	sne.s32 s0, $0x0;
	_ =	strace $0x90000047  }
0xca: {  	s0 =	sadd.s32 @!p0 $0x100000, s1;
	[bflag:$0x2] =	sbarrier.arrive $0xFFFF  }
0xcb: {  	[sflag:s0] =	ssyncadd.tile.s32 @!p0 $0x1;
	_ =	shalt  }
.Lfunc_end2:
_tile_overlayer_lowered:
.L_overlay_start_2:
0xcc: {  	(tag) =	ssettag $0x2  }
0xcd: {  	s0 =	rddreg [dreg:$0x0];
	s2 =	stileid.u32  }
0xce: {  	s1 =	rddreg [dreg:$0x1];
	p0 =	sne.s32 s2, $0x0  }
0xcf: {  	s3 =	rddreg [dreg:$0x2];
	[bflag:$0x3] =	sbarrier.arrive $0xFFFF;
	s2 =	simm.s32 @!p0 $0x1C02  }
0xd0: {  	[timem:s3], [sflag:s2] =	dma.local @!p0 [hbm:s0], s1  }
0xd1: {  	s0 =	simm.s32 @!p0 $0x2  }
0xd2: {  	_ =	swait.ge @!p0 [sflag:s0], s1  }
0xd3: {  	s1 =	ssub.s32 @!p0 $0x0, s1;
	[sflag:s0] =	ssyncset.done @!p0 $0x0  }
0xd4: {  	[sflag:s0] =	ssyncadd.s32 @!p0 s1  }
0xd5: {  	[bflag:$0x3] =	sbarrier.arrive $0xFFFF  }
0xd6: {  	_ =	shalt  }

</sc_bundles>
